<compile_context>
chip_gen: v7x
topology: tpu7x:2x2x1
jax: 0.10.2.dev20260603
libtpu: 0.0.44.dev20260713+nightly
codegen_flags: <defaults>
</compile_context>

<pallas_src>
import functools

import jax
import jax.numpy as jnp
from jax import lax
from jax.experimental import pallas as pl
from jax.experimental.pallas import tpu as pltpu
from jax.experimental.pallas import tpu_sc as plsc

BATCH = 16384
EMB_DIM = 32
LANES = 16

_info = plsc.get_sparse_core_info()
NUM_CORES = _info.num_cores
NUM_SUBCORES = _info.num_subcores
NUM_WORKERS = NUM_CORES * NUM_SUBCORES
B_PER_W = BATCH // NUM_WORKERS
SUB = 4
PHASES = LANES // SUB
N_SUPER = B_PER_W // LANES

_mesh = plsc.VectorSubcoreMesh(core_axis_name="c", subcore_axis_name="s")


@functools.partial(
    pl.kernel,
    mesh=_mesh,
    compiler_params=pltpu.CompilerParams(use_tc_tiling_on_sc=True,
                                         needs_layout_passes=False),
    out_type=jax.ShapeDtypeStruct((EMB_DIM, BATCH), jnp.float32),
    scratch_types=[
        pltpu.VMEM((B_PER_W,), jnp.int32),
        pltpu.VMEM((B_PER_W,), jnp.int32),
        pltpu.VMEM((2, SUB, EMB_DIM, 128), jnp.float32),
        pltpu.VMEM((2, SUB, EMB_DIM, 128), jnp.float32),
        pltpu.VMEM((EMB_DIM, B_PER_W), jnp.float32),
        pltpu.SemaphoreType.DMA,
        pltpu.SemaphoreType.DMA,
    ],
)
def _gmf_sc(uidx_hbm, iidx_hbm, utab_hbm, itab_hbm, out_hbm,
            uixv, iixv, uwin, iwin, obuf, usem, isem):
  wid = lax.axis_index("s") * NUM_CORES + lax.axis_index("c")
  base = wid * B_PER_W

  pltpu.sync_copy(uidx_hbm.at[pl.ds(base, B_PER_W)], uixv)
  pltpu.sync_copy(iidx_hbm.at[pl.ds(base, B_PER_W)], iixv)

  j_lo = lax.iota(jnp.int32, 16)
  j_hi = j_lo + 16
  zeros = jnp.full((16,), 0, jnp.int32)

  def super_body(t, carry):
    uvec = uixv[pl.ds(t * LANES, LANES)]
    ivec = iixv[pl.ds(t * LANES, LANES)]
    u_sc = [uvec[q] for q in range(LANES)]
    i_sc = [ivec[q] for q in range(LANES)]

    def fire(phase):
      s = phase & 1
      for k in range(SUB):
        q = phase * SUB + k
        cu = pl.multiple_of((u_sc[q] >> 7) << 7, 128)
        ci = pl.multiple_of((i_sc[q] >> 7) << 7, 128)
        pltpu.async_copy(utab_hbm.at[:, pl.ds(cu, 128)], uwin.at[s, k], usem)
        pltpu.async_copy(itab_hbm.at[:, pl.ds(ci, 128)], iwin.at[s, k], isem)

    def drain(phase):
      s = phase & 1
      for k in range(SUB):
        pltpu.make_async_copy(utab_hbm.at[:, pl.ds(0, 128)], uwin.at[s, k],
                              usem).wait()
        pltpu.make_async_copy(itab_hbm.at[:, pl.ds(0, 128)], iwin.at[s, k],
                              isem).wait()

    def extract(phase):
      s = phase & 1
      for k in range(SUB):
        q = phase * SUB + k
        lu = zeros + (u_sc[q] & 127)
        li = zeros + (i_sc[q] & 127)
        bv = zeros + (t * LANES + q)
        u_lo = plsc.load_gather(uwin.at[s, k], [j_lo, lu])
        i_lo = plsc.load_gather(iwin.at[s, k], [j_lo, li])
        plsc.store_scatter(obuf, [j_lo, bv], u_lo * i_lo)
        u_hi = plsc.load_gather(uwin.at[s, k], [j_hi, lu])
        i_hi = plsc.load_gather(iwin.at[s, k], [j_hi, li])
        plsc.store_scatter(obuf, [j_hi, bv], u_hi * i_hi)

    fire(0)
    for phase in range(PHASES):
      if phase + 1 < PHASES:
        drain(phase)
        fire(phase + 1)
        extract(phase)
      else:
        drain(phase)
        extract(phase)
    return carry

  lax.fori_loop(0, N_SUPER, super_body, 0)

  pltpu.sync_copy(obuf, out_hbm.at[:, pl.ds(base, B_PER_W)])


def kernel(user_idx, item_idx, emb_user, emb_item):
  return _gmf_sc(user_idx.astype(jnp.int32), item_idx.astype(jnp.int32),
                 emb_user.T, emb_item.T).T

# --- scband reference (transcript-rebuilt; emitter-appended) ---
"""Pipeline reference for scband-gmf-51015621542013 (READ-ONLY COPY).

The authoritative reference and input builder live on the scoring server;
editing this copy changes nothing except your own understanding.
"""

import jax, jax.numpy as jnp
import numpy as np

NB_USERS = 1000000
NB_ITEMS = 1000000
EMB_DIM = 32
BATCH = 16384

def setup_inputs(seed: int = 0) -> dict:
    key = jax.random.key(seed)
    k1, k2, k3, k4 = jax.random.split(key, 4)
    user_idx = jax.random.randint(k1, (BATCH,), 0, NB_USERS, dtype=jnp.int64 if jax.config.jax_enable_x64 else jnp.int32)
    item_idx = jax.random.randint(k2, (BATCH,), 0, NB_ITEMS, dtype=jnp.int64 if jax.config.jax_enable_x64 else jnp.int32)
    emb_user = jax.random.normal(k3, (NB_USERS, EMB_DIM), dtype=jnp.float32) * 0.05
    emb_item = jax.random.normal(k4, (NB_ITEMS, EMB_DIM), dtype=jnp.float32) * 0.05
    return {"user_idx": user_idx, "item_idx": item_idx, "emb_user": emb_user, "emb_item": emb_item}

def reference(user_idx, item_idx, emb_user, emb_item):
    user_emb = jnp.take(emb_user, user_idx, axis=0)
    item_emb = jnp.take(emb_item, item_idx, axis=0)
    product = user_emb * item_emb
    return product

if __name__ == "__main__":
    import jax
    _d = setup_inputs()
    print(jax.jit(kernel)(*tuple(_d.values())))

</pallas_src>

<mosaic_0001>
#map = affine_map<(d0, d1) -> (0)>
#map1 = affine_map<(d0, d1) -> (0, 0)>
module attributes {stable_mosaic.version = 14 : i64} {
  func.func @_gmf_sc(%arg0: i32, %arg1: i32, %arg2: memref<16384xi32, #tpu.memory_space<hbm>>, %arg3: memref<16384xi32, #tpu.memory_space<hbm>>, %arg4: memref<32x1000000xf32, #tpu.memory_space<hbm>>, %arg5: memref<32x1000000xf32, #tpu.memory_space<hbm>>, %arg6: memref<32x16384xf32, #tpu.memory_space<hbm>>, %arg7: memref<512xi32, #tpu.memory_space<vmem>>, %arg8: memref<512xi32, #tpu.memory_space<vmem>>, %arg9: memref<2x4x32x128xf32, #tpu.memory_space<vmem>>, %arg10: memref<2x4x32x128xf32, #tpu.memory_space<vmem>>, %arg11: memref<32x512xf32, #tpu.memory_space<vmem>>, %arg12: memref<!tpu.dma_semaphore, #tpu.memory_space<semaphore_mem>>, %arg13: memref<!tpu.dma_semaphore, #tpu.memory_space<semaphore_mem>>) attributes {dimension_semantics = [#tpu.dimension_semantics<core_parallel>, #tpu.dimension_semantics<subcore_parallel>], iteration_bounds = array<i64: 2, 16>, scalar_prefetch = 0 : i64, scratch_operands = 7 : i64, tpu.core_type = #tpu.core_type<sc_vector_subcore>, window_params = [{transform_indices = #map}, {transform_indices = #map}, {transform_indices = #map1}, {transform_indices = #map1}, {transform_indices = #map1}]} {
    %mul3A = arith.constant 2 : i32
    %mul3A_0 = arith.muli %arg1, %mul3A : i32
    %add3A = arith.addi %mul3A_0, %arg0 : i32
    %mul3A_1 = arith.constant 512 : i32
    %mul3A_2 = arith.muli %add3A, %mul3A_1 : i32
    "tpu.region"() ({
      %run_scoped3A = tpu.sem_alloc : memref<!tpu.dma_semaphore, #tpu.memory_space<semaphore_mem>>
      %dma_start3A = tpu.memref_slice %arg2[%mul3A_2] : memref<16384xi32, #tpu.memory_space<hbm>> -> memref<512xi32, #tpu.memory_space<hbm>>
      %dma_start3A_12 = tpu.memref_slice %arg2[%mul3A_2] : memref<16384xi32, #tpu.memory_space<hbm>> -> memref<512xi32, #tpu.memory_space<hbm>>
      tpu.enqueue_dma source(%dma_start3A_12 : memref<512xi32, #tpu.memory_space<hbm>>) target(%arg7 : memref<512xi32, #tpu.memory_space<vmem>>) target_semaphore(%run_scoped3A : memref<!tpu.dma_semaphore, #tpu.memory_space<semaphore_mem>>)
      %dma_wait3A = tpu.memref_slice %arg2[%mul3A_2] : memref<16384xi32, #tpu.memory_space<hbm>> -> memref<512xi32, #tpu.memory_space<hbm>>
      %dma_wait3A_13 = tpu.memref_slice %arg2[%mul3A_2] : memref<16384xi32, #tpu.memory_space<hbm>> -> memref<512xi32, #tpu.memory_space<hbm>>
      tpu.wait_dma2 semaphore(%run_scoped3A : memref<!tpu.dma_semaphore, #tpu.memory_space<semaphore_mem>>) src(%dma_wait3A_13 : memref<512xi32, #tpu.memory_space<hbm>>) dst(%arg7 : memref<512xi32, #tpu.memory_space<vmem>>)
      tpu.yield
    }) : () -> ()
    "tpu.region"() ({
      %run_scoped3A = tpu.sem_alloc : memref<!tpu.dma_semaphore, #tpu.memory_space<semaphore_mem>>
      %dma_start3A = tpu.memref_slice %arg3[%mul3A_2] : memref<16384xi32, #tpu.memory_space<hbm>> -> memref<512xi32, #tpu.memory_space<hbm>>
      %dma_start3A_12 = tpu.memref_slice %arg3[%mul3A_2] : memref<16384xi32, #tpu.memory_space<hbm>> -> memref<512xi32, #tpu.memory_space<hbm>>
      tpu.enqueue_dma source(%dma_start3A_12 : memref<512xi32, #tpu.memory_space<hbm>>) target(%arg8 : memref<512xi32, #tpu.memory_space<vmem>>) target_semaphore(%run_scoped3A : memref<!tpu.dma_semaphore, #tpu.memory_space<semaphore_mem>>)
      %dma_wait3A = tpu.memref_slice %arg3[%mul3A_2] : memref<16384xi32, #tpu.memory_space<hbm>> -> memref<512xi32, #tpu.memory_space<hbm>>
      %dma_wait3A_13 = tpu.memref_slice %arg3[%mul3A_2] : memref<16384xi32, #tpu.memory_space<hbm>> -> memref<512xi32, #tpu.memory_space<hbm>>
      tpu.wait_dma2 semaphore(%run_scoped3A : memref<!tpu.dma_semaphore, #tpu.memory_space<semaphore_mem>>) src(%dma_wait3A_13 : memref<512xi32, #tpu.memory_space<hbm>>) dst(%arg8 : memref<512xi32, #tpu.memory_space<vmem>>)
      tpu.yield
    }) : () -> ()
    %iota3A = tpu.iota {dimensions = array<i32: 0>} : vector<16xi32>
    %add3A_3 = arith.constant 16 : i32
    %add3A_4 = vector.broadcast %add3A_3 : i32 to vector<16xi32>
    %add3A_5 = arith.addi %iota3A, %add3A_4 : vector<16xi32>
    %broadcast_in_dim3A = arith.constant 0 : i32
    %broadcast_in_dim3A_6 = vector.broadcast %broadcast_in_dim3A : i32 to vector<16xi32>
    %scan3A = arith.constant 0 : i32
    %scan3A_7 = arith.constant 0 : i32
    %scan3A_8 = arith.constant 32 : i32
    %scan3A_9 = arith.addi %scan3A_7, %scan3A_8 : i32
    %scan3A_10 = arith.constant 1 : i32
    scf.for %scan3A_12 = %scan3A_7 to %scan3A_9 step %scan3A_10  : i32 {
      %mul3A_13 = arith.constant 16 : i32
      %mul3A_14 = arith.muli %scan3A_12, %mul3A_13 : i32
      %get3A = arith.index_cast %mul3A_14 : i32 to index
      %get3A_15 = tpu.vector_load %arg7[%get3A] {strides = array<i32>} : memref<512xi32, #tpu.memory_space<vmem>>, vector<16xi32>,
      %mul3A_16 = arith.constant 16 : i32
      %mul3A_17 = arith.muli %scan3A_12, %mul3A_16 : i32
      %get3A_18 = arith.index_cast %mul3A_17 : i32 to index
      %get3A_19 = tpu.vector_load %arg8[%get3A_18] {strides = array<i32>} : memref<512xi32, #tpu.memory_space<vmem>>, vector<16xi32>,
      %slice3A = vector.extract_strided_slice %get3A_15 {offsets = [0], sizes = [1], strides = [1]} : vector<16xi32> to vector<1xi32>
      %squeeze3A = vector.extract %slice3A[0] : i32 from vector<1xi32>
      %slice3A_20 = vector.extract_strided_slice %get3A_15 {offsets = [1], sizes = [1], strides = [1]} : vector<16xi32> to vector<1xi32>
      %squeeze3A_21 = vector.extract %slice3A_20[0] : i32 from vector<1xi32>
      %slice3A_22 = vector.extract_strided_slice %get3A_15 {offsets = [2], sizes = [1], strides = [1]} : vector<16xi32> to vector<1xi32>
      %squeeze3A_23 = vector.extract %slice3A_22[0] : i32 from vector<1xi32>
      %slice3A_24 = vector.extract_strided_slice %get3A_15 {offsets = [3], sizes = [1], strides = [1]} : vector<16xi32> to vector<1xi32>
      %squeeze3A_25 = vector.extract %slice3A_24[0] : i32 from vector<1xi32>
      %slice3A_26 = vector.extract_strided_slice %get3A_15 {offsets = [4], sizes = [1], strides = [1]} : vector<16xi32> to vector<1xi32>
      %squeeze3A_27 = vector.extract %slice3A_26[0] : i32 from vector<1xi32>
      %slice3A_28 = vector.extract_strided_slice %get3A_15 {offsets = [5], sizes = [1], strides = [1]} : vector<16xi32> to vector<1xi32>
      %squeeze3A_29 = vector.extract %slice3A_28[0] : i32 from vector<1xi32>
      %slice3A_30 = vector.extract_strided_slice %get3A_15 {offsets = [6], sizes = [1], strides = [1]} : vector<16xi32> to vector<1xi32>
      %squeeze3A_31 = vector.extract %slice3A_30[0] : i32 from vector<1xi32>
      %slice3A_32 = vector.extract_strided_slice %get3A_15 {offsets = [7], sizes = [1], strides = [1]} : vector<16xi32> to vector<1xi32>
      %squeeze3A_33 = vector.extract %slice3A_32[0] : i32 from vector<1xi32>
      %slice3A_34 = vector.extract_strided_slice %get3A_15 {offsets = [8], sizes = [1], strides = [1]} : vector<16xi32> to vector<1xi32>
      %squeeze3A_35 = vector.extract %slice3A_34[0] : i32 from vector<1xi32>
      %slice3A_36 = vector.extract_strided_slice %get3A_15 {offsets = [9], sizes = [1], strides = [1]} : vector<16xi32> to vector<1xi32>
      %squeeze3A_37 = vector.extract %slice3A_36[0] : i32 from vector<1xi32>
      %slice3A_38 = vector.extract_strided_slice %get3A_15 {offsets = [10], sizes = [1], strides = [1]} : vector<16xi32> to vector<1xi32>
      %squeeze3A_39 = vector.extract %slice3A_38[0] : i32 from vector<1xi32>
      %slice3A_40 = vector.extract_strided_slice %get3A_15 {offsets = [11], sizes = [1], strides = [1]} : vector<16xi32> to vector<1xi32>
      %squeeze3A_41 = vector.extract %slice3A_40[0] : i32 from vector<1xi32>
      %slice3A_42 = vector.extract_strided_slice %get3A_15 {offsets = [12], sizes = [1], strides = [1]} : vector<16xi32> to vector<1xi32>
      %squeeze3A_43 = vector.extract %slice3A_42[0] : i32 from vector<1xi32>
      %slice3A_44 = vector.extract_strided_slice %get3A_15 {offsets = [13], sizes = [1], strides = [1]} : vector<16xi32> to vector<1xi32>
      %squeeze3A_45 = vector.extract %slice3A_44[0] : i32 from vector<1xi32>
      %slice3A_46 = vector.extract_strided_slice %get3A_15 {offsets = [14], sizes = [1], strides = [1]} : vector<16xi32> to vector<1xi32>
      %squeeze3A_47 = vector.extract %slice3A_46[0] : i32 from vector<1xi32>
      %slice3A_48 = vector.extract_strided_slice %get3A_15 {offsets = [15], sizes = [1], strides = [1]} : vector<16xi32> to vector<1xi32>
      %squeeze3A_49 = vector.extract %slice3A_48[0] : i32 from vector<1xi32>
      %slice3A_50 = vector.extract_strided_slice %get3A_19 {offsets = [0], sizes = [1], strides = [1]} : vector<16xi32> to vector<1xi32>
      %squeeze3A_51 = vector.extract %slice3A_50[0] : i32 from vector<1xi32>
      %slice3A_52 = vector.extract_strided_slice %get3A_19 {offsets = [1], sizes = [1], strides = [1]} : vector<16xi32> to vector<1xi32>
      %squeeze3A_53 = vector.extract %slice3A_52[0] : i32 from vector<1xi32>
      %slice3A_54 = vector.extract_strided_slice %get3A_19 {offsets = [2], sizes = [1], strides = [1]} : vector<16xi32> to vector<1xi32>
      %squeeze3A_55 = vector.extract %slice3A_54[0] : i32 from vector<1xi32>
      %slice3A_56 = vector.extract_strided_slice %get3A_19 {offsets = [3], sizes = [1], strides = [1]} : vector<16xi32> to vector<1xi32>
      %squeeze3A_57 = vector.extract %slice3A_56[0] : i32 from vector<1xi32>
      %slice3A_58 = vector.extract_strided_slice %get3A_19 {offsets = [4], sizes = [1], strides = [1]} : vector<16xi32> to vector<1xi32>
      %squeeze3A_59 = vector.extract %slice3A_58[0] : i32 from vector<1xi32>
      %slice3A_60 = vector.extract_strided_slice %get3A_19 {offsets = [5], sizes = [1], strides = [1]} : vector<16xi32> to vector<1xi32>
      %squeeze3A_61 = vector.extract %slice3A_60[0] : i32 from vector<1xi32>
      %slice3A_62 = vector.extract_strided_slice %get3A_19 {offsets = [6], sizes = [1], strides = [1]} : vector<16xi32> to vector<1xi32>
      %squeeze3A_63 = vector.extract %slice3A_62[0] : i32 from vector<1xi32>
      %slice3A_64 = vector.extract_strided_slice %get3A_19 {offsets = [7], sizes = [1], strides = [1]} : vector<16xi32> to vector<1xi32>
      %squeeze3A_65 = vector.extract %slice3A_64[0] : i32 from vector<1xi32>
      %slice3A_66 = vector.extract_strided_slice %get3A_19 {offsets = [8], sizes = [1], strides = [1]} : vector<16xi32> to vector<1xi32>
      %squeeze3A_67 = vector.extract %slice3A_66[0] : i32 from vector<1xi32>
      %slice3A_68 = vector.extract_strided_slice %get3A_19 {offsets = [9], sizes = [1], strides = [1]} : vector<16xi32> to vector<1xi32>
      %squeeze3A_69 = vector.extract %slice3A_68[0] : i32 from vector<1xi32>
      %slice3A_70 = vector.extract_strided_slice %get3A_19 {offsets = [10], sizes = [1], strides = [1]} : vector<16xi32> to vector<1xi32>
      %squeeze3A_71 = vector.extract %slice3A_70[0] : i32 from vector<1xi32>
      %slice3A_72 = vector.extract_strided_slice %get3A_19 {offsets = [11], sizes = [1], strides = [1]} : vector<16xi32> to vector<1xi32>
      %squeeze3A_73 = vector.extract %slice3A_72[0] : i32 from vector<1xi32>
      %slice3A_74 = vector.extract_strided_slice %get3A_19 {offsets = [12], sizes = [1], strides = [1]} : vector<16xi32> to vector<1xi32>
      %squeeze3A_75 = vector.extract %slice3A_74[0] : i32 from vector<1xi32>
      %slice3A_76 = vector.extract_strided_slice %get3A_19 {offsets = [13], sizes = [1], strides = [1]} : vector<16xi32> to vector<1xi32>
      %squeeze3A_77 = vector.extract %slice3A_76[0] : i32 from vector<1xi32>
      %slice3A_78 = vector.extract_strided_slice %get3A_19 {offsets = [14], sizes = [1], strides = [1]} : vector<16xi32> to vector<1xi32>
      %squeeze3A_79 = vector.extract %slice3A_78[0] : i32 from vector<1xi32>
      %slice3A_80 = vector.extract_strided_slice %get3A_19 {offsets = [15], sizes = [1], strides = [1]} : vector<16xi32> to vector<1xi32>
      %squeeze3A_81 = vector.extract %slice3A_80[0] : i32 from vector<1xi32>
      %shift_right_arithmetic3A = arith.constant 7 : i32
      %shift_right_arithmetic3A_82 = arith.shrsi %squeeze3A, %shift_right_arithmetic3A : i32
      %shift_left3A = arith.constant 7 : i32
      %shift_left3A_83 = arith.shli %shift_right_arithmetic3A_82, %shift_left3A : i32
      %multiple_of3A = tpu.assume_multiple %shift_left3A_83, 128 : i32
      %shift_right_arithmetic3A_84 = arith.constant 7 : i32
      %shift_right_arithmetic3A_85 = arith.shrsi %squeeze3A_51, %shift_right_arithmetic3A_84 : i32
      %shift_left3A_86 = arith.constant 7 : i32
      %shift_left3A_87 = arith.shli %shift_right_arithmetic3A_85, %shift_left3A_86 : i32
      %multiple_of3A_88 = tpu.assume_multiple %shift_left3A_87, 128 : i32
      %dma_start3A = arith.constant 0 : i32
      %dma_start3A_89 = arith.constant 0 : i32
      %dma_start3A_90 = arith.constant 0 : i32
      %dma_start3A_91 = arith.constant 0 : i32
      %dma_start3A_92 = tpu.memref_slice %arg9[%dma_start3A, %dma_start3A_89, %dma_start3A_90, %dma_start3A_91] : memref<2x4x32x128xf32, #tpu.memory_space<vmem>> -> memref<1x1x32x128xf32, #tpu.memory_space<vmem>>
      %dma_start3A_93 = tpu.memref_squeeze %dma_start3A_92 : memref<1x1x32x128xf32, #tpu.memory_space<vmem>> -> memref<32x128xf32, #tpu.memory_space<vmem>>
      %dma_start3A_94 = arith.constant 0 : i32
      %dma_start3A_95 = tpu.memref_slice %arg4[%dma_start3A_94, %multiple_of3A] : memref<32x1000000xf32, #tpu.memory_space<hbm>> -> memref<32x128xf32, #tpu.memory_space<hbm>>
      %dma_start3A_96 = arith.constant 0 : i32
      %dma_start3A_97 = arith.constant 0 : i32
      %dma_start3A_98 = tpu.memref_slice %arg9[%dma_start3A, %dma_start3A_89, %dma_start3A_96, %dma_start3A_97] : memref<2x4x32x128xf32, #tpu.memory_space<vmem>> -> memref<1x1x32x128xf32, #tpu.memory_space<vmem>>
      %dma_start3A_99 = tpu.memref_squeeze %dma_start3A_98 : memref<1x1x32x128xf32, #tpu.memory_space<vmem>> -> memref<32x128xf32, #tpu.memory_space<vmem>>
      %dma_start3A_100 = arith.constant 0 : i32
      %dma_start3A_101 = tpu.memref_slice %arg4[%dma_start3A_100, %multiple_of3A] : memref<32x1000000xf32, #tpu.memory_space<hbm>> -> memref<32x128xf32, #tpu.memory_space<hbm>>
      tpu.enqueue_dma source(%dma_start3A_101 : memref<32x128xf32, #tpu.memory_space<hbm>>) target(%dma_start3A_99 : memref<32x128xf32, #tpu.memory_space<vmem>>) target_semaphore(%arg12 : memref<!tpu.dma_semaphore, #tpu.memory_space<semaphore_mem>>)
      %dma_start3A_102 = arith.constant 0 : i32
      %dma_start3A_103 = arith.constant 0 : i32
      %dma_start3A_104 = arith.constant 0 : i32
      %dma_start3A_105 = arith.constant 0 : i32
      %dma_start3A_106 = tpu.memref_slice %arg10[%dma_start3A_102, %dma_start3A_103, %dma_start3A_104, %dma_start3A_105] : memref<2x4x32x128xf32, #tpu.memory_space<vmem>> -> memref<1x1x32x128xf32, #tpu.memory_space<vmem>>
      %dma_start3A_107 = tpu.memref_squeeze %dma_start3A_106 : memref<1x1x32x128xf32, #tpu.memory_space<vmem>> -> memref<32x128xf32, #tpu.memory_space<vmem>>
      %dma_start3A_108 = arith.constant 0 : i32
      %dma_start3A_109 = tpu.memref_slice %arg5[%dma_start3A_108, %multiple_of3A_88] : memref<32x1000000xf32, #tpu.memory_space<hbm>> -> memref<32x128xf32, #tpu.memory_space<hbm>>
      %dma_start3A_110 = arith.constant 0 : i32
      %dma_start3A_111 = arith.constant 0 : i32
      %dma_start3A_112 = tpu.memref_slice %arg10[%dma_start3A_102, %dma_start3A_103, %dma_start3A_110, %dma_start3A_111] : memref<2x4x32x128xf32, #tpu.memory_space<vmem>> -> memref<1x1x32x128xf32, #tpu.memory_space<vmem>>
      %dma_start3A_113 = tpu.memref_squeeze %dma_start3A_112 : memref<1x1x32x128xf32, #tpu.memory_space<vmem>> -> memref<32x128xf32, #tpu.memory_space<vmem>>
      %dma_start3A_114 = arith.constant 0 : i32
      %dma_start3A_115 = tpu.memref_slice %arg5[%dma_start3A_114, %multiple_of3A_88] : memref<32x1000000xf32, #tpu.memory_space<hbm>> -> memref<32x128xf32, #tpu.memory_space<hbm>>
      tpu.enqueue_dma source(%dma_start3A_115 : memref<32x128xf32, #tpu.memory_space<hbm>>) target(%dma_start3A_113 : memref<32x128xf32, #tpu.memory_space<vmem>>) target_semaphore(%arg13 : memref<!tpu.dma_semaphore, #tpu.memory_space<semaphore_mem>>)
      %shift_right_arithmetic3A_116 = arith.constant 7 : i32
      %shift_right_arithmetic3A_117 = arith.shrsi %squeeze3A_21, %shift_right_arithmetic3A_116 : i32
      %shift_left3A_118 = arith.constant 7 : i32
      %shift_left3A_119 = arith.shli %shift_right_arithmetic3A_117, %shift_left3A_118 : i32
      %multiple_of3A_120 = tpu.assume_multiple %shift_left3A_119, 128 : i32
      %shift_right_arithmetic3A_121 = arith.constant 7 : i32
      %shift_right_arithmetic3A_122 = arith.shrsi %squeeze3A_53, %shift_right_arithmetic3A_121 : i32
      %shift_left3A_123 = arith.constant 7 : i32
      %shift_left3A_124 = arith.shli %shift_right_arithmetic3A_122, %shift_left3A_123 : i32
      %multiple_of3A_125 = tpu.assume_multiple %shift_left3A_124, 128 : i32
      %dma_start3A_126 = arith.constant 0 : i32
      %dma_start3A_127 = arith.constant 1 : i32
      %dma_start3A_128 = arith.constant 0 : i32
      %dma_start3A_129 = arith.constant 0 : i32
      %dma_start3A_130 = tpu.memref_slice %arg9[%dma_start3A_126, %dma_start3A_127, %dma_start3A_128, %dma_start3A_129] : memref<2x4x32x128xf32, #tpu.memory_space<vmem>> -> memref<1x1x32x128xf32, #tpu.memory_space<vmem>>
      %dma_start3A_131 = tpu.memref_squeeze %dma_start3A_130 : memref<1x1x32x128xf32, #tpu.memory_space<vmem>> -> memref<32x128xf32, #tpu.memory_space<vmem>>
      %dma_start3A_132 = arith.constant 0 : i32
      %dma_start3A_133 = tpu.memref_slice %arg4[%dma_start3A_132, %multiple_of3A_120] : memref<32x1000000xf32, #tpu.memory_space<hbm>> -> memref<32x128xf32, #tpu.memory_space<hbm>>
      %dma_start3A_134 = arith.constant 0 : i32
      %dma_start3A_135 = arith.constant 0 : i32
      %dma_start3A_136 = tpu.memref_slice %arg9[%dma_start3A_126, %dma_start3A_127, %dma_start3A_134, %dma_start3A_135] : memref<2x4x32x128xf32, #tpu.memory_space<vmem>> -> memref<1x1x32x128xf32, #tpu.memory_space<vmem>>
      %dma_start3A_137 = tpu.memref_squeeze %dma_start3A_136 : memref<1x1x32x128xf32, #tpu.memory_space<vmem>> -> memref<32x128xf32, #tpu.memory_space<vmem>>
      %dma_start3A_138 = arith.constant 0 : i32
      %dma_start3A_139 = tpu.memref_slice %arg4[%dma_start3A_138, %multiple_of3A_120] : memref<32x1000000xf32, #tpu.memory_space<hbm>> -> memref<32x128xf32, #tpu.memory_space<hbm>>
      tpu.enqueue_dma source(%dma_start3A_139 : memref<32x128xf32, #tpu.memory_space<hbm>>) target(%dma_start3A_137 : memref<32x128xf32, #tpu.memory_space<vmem>>) target_semaphore(%arg12 : memref<!tpu.dma_semaphore, #tpu.memory_space<semaphore_mem>>)
      %dma_start3A_140 = arith.constant 0 : i32
      %dma_start3A_141 = arith.constant 1 : i32
      %dma_start3A_142 = arith.constant 0 : i32
      %dma_start3A_143 = arith.constant 0 : i32
      %dma_start3A_144 = tpu.memref_slice %arg10[%dma_start3A_140, %dma_start3A_141, %dma_start3A_142, %dma_start3A_143] : memref<2x4x32x128xf32, #tpu.memory_space<vmem>> -> memref<1x1x32x128xf32, #tpu.memory_space<vmem>>
      %dma_start3A_145 = tpu.memref_squeeze %dma_start3A_144 : memref<1x1x32x128xf32, #tpu.memory_space<vmem>> -> memref<32x128xf32, #tpu.memory_space<vmem>>
      %dma_start3A_146 = arith.constant 0 : i32
      %dma_start3A_147 = tpu.memref_slice %arg5[%dma_start3A_146, %multiple_of3A_125] : memref<32x1000000xf32, #tpu.memory_space<hbm>> -> memref<32x128xf32, #tpu.memory_space<hbm>>
      %dma_start3A_148 = arith.constant 0 : i32
      %dma_start3A_149 = arith.constant 0 : i32
      %dma_start3A_150 = tpu.memref_slice %arg10[%dma_start3A_140, %dma_start3A_141, %dma_start3A_148, %dma_start3A_149] : memref<2x4x32x128xf32, #tpu.memory_space<vmem>> -> memref<1x1x32x128xf32, #tpu.memory_space<vmem>>
      %dma_start3A_151 = tpu.memref_squeeze %dma_start3A_150 : memref<1x1x32x128xf32, #tpu.memory_space<vmem>> -> memref<32x128xf32, #tpu.memory_space<vmem>>
      %dma_start3A_152 = arith.constant 0 : i32
      %dma_start3A_153 = tpu.memref_slice %arg5[%dma_start3A_152, %multiple_of3A_125] : memref<32x1000000xf32, #tpu.memory_space<hbm>> -> memref<32x128xf32, #tpu.memory_space<hbm>>
      tpu.enqueue_dma source(%dma_start3A_153 : memref<32x128xf32, #tpu.memory_space<hbm>>) target(%dma_start3A_151 : memref<32x128xf32, #tpu.memory_space<vmem>>) target_semaphore(%arg13 : memref<!tpu.dma_semaphore, #tpu.memory_space<semaphore_mem>>)
      %shift_right_arithmetic3A_154 = arith.constant 7 : i32
      %shift_right_arithmetic3A_155 = arith.shrsi %squeeze3A_23, %shift_right_arithmetic3A_154 : i32
      %shift_left3A_156 = arith.constant 7 : i32
      %shift_left3A_157 = arith.shli %shift_right_arithmetic3A_155, %shift_left3A_156 : i32
      %multiple_of3A_158 = tpu.assume_multiple %shift_left3A_157, 128 : i32
      %shift_right_arithmetic3A_159 = arith.constant 7 : i32
      %shift_right_arithmetic3A_160 = arith.shrsi %squeeze3A_55, %shift_right_arithmetic3A_159 : i32
      %shift_left3A_161 = arith.constant 7 : i32
      %shift_left3A_162 = arith.shli %shift_right_arithmetic3A_160, %shift_left3A_161 : i32
      %multiple_of3A_163 = tpu.assume_multiple %shift_left3A_162, 128 : i32
      %dma_start3A_164 = arith.constant 0 : i32
      %dma_start3A_165 = arith.constant 2 : i32
      %dma_start3A_166 = arith.constant 0 : i32
      %dma_start3A_167 = arith.constant 0 : i32
      %dma_start3A_168 = tpu.memref_slice %arg9[%dma_start3A_164, %dma_start3A_165, %dma_start3A_166, %dma_start3A_167] : memref<2x4x32x128xf32, #tpu.memory_space<vmem>> -> memref<1x1x32x128xf32, #tpu.memory_space<vmem>>
      %dma_start3A_169 = tpu.memref_squeeze %dma_start3A_168 : memref<1x1x32x128xf32, #tpu.memory_space<vmem>> -> memref<32x128xf32, #tpu.memory_space<vmem>>
      %dma_start3A_170 = arith.constant 0 : i32
      %dma_start3A_171 = tpu.memref_slice %arg4[%dma_start3A_170, %multiple_of3A_158] : memref<32x1000000xf32, #tpu.memory_space<hbm>> -> memref<32x128xf32, #tpu.memory_space<hbm>>
      %dma_start3A_172 = arith.constant 0 : i32
      %dma_start3A_173 = arith.constant 0 : i32
      %dma_start3A_174 = tpu.memref_slice %arg9[%dma_start3A_164, %dma_start3A_165, %dma_start3A_172, %dma_start3A_173] : memref<2x4x32x128xf32, #tpu.memory_space<vmem>> -> memref<1x1x32x128xf32, #tpu.memory_space<vmem>>
      %dma_start3A_175 = tpu.memref_squeeze %dma_start3A_174 : memref<1x1x32x128xf32, #tpu.memory_space<vmem>> -> memref<32x128xf32, #tpu.memory_space<vmem>>
      %dma_start3A_176 = arith.constant 0 : i32
      %dma_start3A_177 = tpu.memref_slice %arg4[%dma_start3A_176, %multiple_of3A_158] : memref<32x1000000xf32, #tpu.memory_space<hbm>> -> memref<32x128xf32, #tpu.memory_space<hbm>>
      tpu.enqueue_dma source(%dma_start3A_177 : memref<32x128xf32, #tpu.memory_space<hbm>>) target(%dma_start3A_175 : memref<32x128xf32, #tpu.memory_space<vmem>>) target_semaphore(%arg12 : memref<!tpu.dma_semaphore, #tpu.memory_space<semaphore_mem>>)
      %dma_start3A_178 = arith.constant 0 : i32
      %dma_start3A_179 = arith.constant 2 : i32
      %dma_start3A_180 = arith.constant 0 : i32
      %dma_start3A_181 = arith.constant 0 : i32
      %dma_start3A_182 = tpu.memref_slice %arg10[%dma_start3A_178, %dma_start3A_179, %dma_start3A_180, %dma_start3A_181] : memref<2x4x32x128xf32, #tpu.memory_space<vmem>> -> memref<1x1x32x128xf32, #tpu.memory_space<vmem>>
      %dma_start3A_183 = tpu.memref_squeeze %dma_start3A_182 : memref<1x1x32x128xf32, #tpu.memory_space<vmem>> -> memref<32x128xf32, #tpu.memory_space<vmem>>
      %dma_start3A_184 = arith.constant 0 : i32
      %dma_start3A_185 = tpu.memref_slice %arg5[%dma_start3A_184, %multiple_of3A_163] : memref<32x1000000xf32, #tpu.memory_space<hbm>> -> memref<32x128xf32, #tpu.memory_space<hbm>>
      %dma_start3A_186 = arith.constant 0 : i32
      %dma_start3A_187 = arith.constant 0 : i32
      %dma_start3A_188 = tpu.memref_slice %arg10[%dma_start3A_178, %dma_start3A_179, %dma_start3A_186, %dma_start3A_187] : memref<2x4x32x128xf32, #tpu.memory_space<vmem>> -> memref<1x1x32x128xf32, #tpu.memory_space<vmem>>
      %dma_start3A_189 = tpu.memref_squeeze %dma_start3A_188 : memref<1x1x32x128xf32, #tpu.memory_space<vmem>> -> memref<32x128xf32, #tpu.memory_space<vmem>>
      %dma_start3A_190 = arith.constant 0 : i32
      %dma_start3A_191 = tpu.memref_slice %arg5[%dma_start3A_190, %multiple_of3A_163] : memref<32x1000000xf32, #tpu.memory_space<hbm>> -> memref<32x128xf32, #tpu.memory_space<hbm>>
      tpu.enqueue_dma source(%dma_start3A_191 : memref<32x128xf32, #tpu.memory_space<hbm>>) target(%dma_start3A_189 : memref<32x128xf32, #tpu.memory_space<vmem>>) target_semaphore(%arg13 : memref<!tpu.dma_semaphore, #tpu.memory_space<semaphore_mem>>)
      %shift_right_arithmetic3A_192 = arith.constant 7 : i32
      %shift_right_arithmetic3A_193 = arith.shrsi %squeeze3A_25, %shift_right_arithmetic3A_192 : i32
      %shift_left3A_194 = arith.constant 7 : i32
      %shift_left3A_195 = arith.shli %shift_right_arithmetic3A_193, %shift_left3A_194 : i32
      %multiple_of3A_196 = tpu.assume_multiple %shift_left3A_195, 128 : i32
      %shift_right_arithmetic3A_197 = arith.constant 7 : i32
      %shift_right_arithmetic3A_198 = arith.shrsi %squeeze3A_57, %shift_right_arithmetic3A_197 : i32
      %shift_left3A_199 = arith.constant 7 : i32
      %shift_left3A_200 = arith.shli %shift_right_arithmetic3A_198, %shift_left3A_199 : i32
      %multiple_of3A_201 = tpu.assume_multiple %shift_left3A_200, 128 : i32
      %dma_start3A_202 = arith.constant 0 : i32
      %dma_start3A_203 = arith.constant 3 : i32
      %dma_start3A_204 = arith.constant 0 : i32
      %dma_start3A_205 = arith.constant 0 : i32
      %dma_start3A_206 = tpu.memref_slice %arg9[%dma_start3A_202, %dma_start3A_203, %dma_start3A_204, %dma_start3A_205] : memref<2x4x32x128xf32, #tpu.memory_space<vmem>> -> memref<1x1x32x128xf32, #tpu.memory_space<vmem>>
      %dma_start3A_207 = tpu.memref_squeeze %dma_start3A_206 : memref<1x1x32x128xf32, #tpu.memory_space<vmem>> -> memref<32x128xf32, #tpu.memory_space<vmem>>
      %dma_start3A_208 = arith.constant 0 : i32
      %dma_start3A_209 = tpu.memref_slice %arg4[%dma_start3A_208, %multiple_of3A_196] : memref<32x1000000xf32, #tpu.memory_space<hbm>> -> memref<32x128xf32, #tpu.memory_space<hbm>>
      %dma_start3A_210 = arith.constant 0 : i32
      %dma_start3A_211 = arith.constant 0 : i32
      %dma_start3A_212 = tpu.memref_slice %arg9[%dma_start3A_202, %dma_start3A_203, %dma_start3A_210, %dma_start3A_211] : memref<2x4x32x128xf32, #tpu.memory_space<vmem>> -> memref<1x1x32x128xf32, #tpu.memory_space<vmem>>
      %dma_start3A_213 = tpu.memref_squeeze %dma_start3A_212 : memref<1x1x32x128xf32, #tpu.memory_space<vmem>> -> memref<32x128xf32, #tpu.memory_space<vmem>>
      %dma_start3A_214 = arith.constant 0 : i32
      %dma_start3A_215 = tpu.memref_slice %arg4[%dma_start3A_214, %multiple_of3A_196] : memref<32x1000000xf32, #tpu.memory_space<hbm>> -> memref<32x128xf32, #tpu.memory_space<hbm>>
      tpu.enqueue_dma source(%dma_start3A_215 : memref<32x128xf32, #tpu.memory_space<hbm>>) target(%dma_start3A_213 : memref<32x128xf32, #tpu.memory_space<vmem>>) target_semaphore(%arg12 : memref<!tpu.dma_semaphore, #tpu.memory_space<semaphore_mem>>)
      %dma_start3A_216 = arith.constant 0 : i32
      %dma_start3A_217 = arith.constant 3 : i32
      %dma_start3A_218 = arith.constant 0 : i32
      %dma_start3A_219 = arith.constant 0 : i32
      %dma_start3A_220 = tpu.memref_slice %arg10[%dma_start3A_216, %dma_start3A_217, %dma_start3A_218, %dma_start3A_219] : memref<2x4x32x128xf32, #tpu.memory_space<vmem>> -> memref<1x1x32x128xf32, #tpu.memory_space<vmem>>
      %dma_start3A_221 = tpu.memref_squeeze %dma_start3A_220 : memref<1x1x32x128xf32, #tpu.memory_space<vmem>> -> memref<32x128xf32, #tpu.memory_space<vmem>>
      %dma_start3A_222 = arith.constant 0 : i32
      %dma_start3A_223 = tpu.memref_slice %arg5[%dma_start3A_222, %multiple_of3A_201] : memref<32x1000000xf32, #tpu.memory_space<hbm>> -> memref<32x128xf32, #tpu.memory_space<hbm>>
      %dma_start3A_224 = arith.constant 0 : i32
      %dma_start3A_225 = arith.constant 0 : i32
      %dma_start3A_226 = tpu.memref_slice %arg10[%dma_start3A_216, %dma_start3A_217, %dma_start3A_224, %dma_start3A_225] : memref<2x4x32x128xf32, #tpu.memory_space<vmem>> -> memref<1x1x32x128xf32, #tpu.memory_space<vmem>>
      %dma_start3A_227 = tpu.memref_squeeze %dma_start3A_226 : memref<1x1x32x128xf32, #tpu.memory_space<vmem>> -> memref<32x128xf32, #tpu.memory_space<vmem>>
      %dma_start3A_228 = arith.constant 0 : i32
      %dma_start3A_229 = tpu.memref_slice %arg5[%dma_start3A_228, %multiple_of3A_201] : memref<32x1000000xf32, #tpu.memory_space<hbm>> -> memref<32x128xf32, #tpu.memory_space<hbm>>
      tpu.enqueue_dma source(%dma_start3A_229 : memref<32x128xf32, #tpu.memory_space<hbm>>) target(%dma_start3A_227 : memref<32x128xf32, #tpu.memory_space<vmem>>) target_semaphore(%arg13 : memref<!tpu.dma_semaphore, #tpu.memory_space<semaphore_mem>>)
      %dma_wait3A = arith.constant 0 : i32
      %dma_wait3A_230 = arith.constant 0 : i32
      %dma_wait3A_231 = arith.constant 0 : i32
      %dma_wait3A_232 = arith.constant 0 : i32
      %dma_wait3A_233 = tpu.memref_slice %arg9[%dma_wait3A, %dma_wait3A_230, %dma_wait3A_231, %dma_wait3A_232] : memref<2x4x32x128xf32, #tpu.memory_space<vmem>> -> memref<1x1x32x128xf32, #tpu.memory_space<vmem>>
      %dma_wait3A_234 = tpu.memref_squeeze %dma_wait3A_233 : memref<1x1x32x128xf32, #tpu.memory_space<vmem>> -> memref<32x128xf32, #tpu.memory_space<vmem>>
      %dma_wait3A_235 = arith.constant 0 : i32
      %dma_wait3A_236 = arith.constant 0 : i32
      %dma_wait3A_237 = tpu.memref_slice %arg4[%dma_wait3A_235, %dma_wait3A_236] : memref<32x1000000xf32, #tpu.memory_space<hbm>> -> memref<32x128xf32, #tpu.memory_space<hbm>>
      %dma_wait3A_238 = arith.constant 0 : i32
      %dma_wait3A_239 = arith.constant 0 : i32
      %dma_wait3A_240 = tpu.memref_slice %arg9[%dma_wait3A, %dma_wait3A_230, %dma_wait3A_238, %dma_wait3A_239] : memref<2x4x32x128xf32, #tpu.memory_space<vmem>> -> memref<1x1x32x128xf32, #tpu.memory_space<vmem>>
      %dma_wait3A_241 = tpu.memref_squeeze %dma_wait3A_240 : memref<1x1x32x128xf32, #tpu.memory_space<vmem>> -> memref<32x128xf32, #tpu.memory_space<vmem>>
      %dma_wait3A_242 = arith.constant 0 : i32
      %dma_wait3A_243 = arith.constant 0 : i32
      %dma_wait3A_244 = tpu.memref_slice %arg4[%dma_wait3A_242, %dma_wait3A_243] : memref<32x1000000xf32, #tpu.memory_space<hbm>> -> memref<32x128xf32, #tpu.memory_space<hbm>>
      tpu.wait_dma2 semaphore(%arg12 : memref<!tpu.dma_semaphore, #tpu.memory_space<semaphore_mem>>) src(%dma_wait3A_244 : memref<32x128xf32, #tpu.memory_space<hbm>>) dst(%dma_wait3A_241 : memref<32x128xf32, #tpu.memory_space<vmem>>)
      %dma_wait3A_245 = arith.constant 0 : i32
      %dma_wait3A_246 = arith.constant 0 : i32
      %dma_wait3A_247 = arith.constant 0 : i32
      %dma_wait3A_248 = arith.constant 0 : i32
      %dma_wait3A_249 = tpu.memref_slice %arg10[%dma_wait3A_245, %dma_wait3A_246, %dma_wait3A_247, %dma_wait3A_248] : memref<2x4x32x128xf32, #tpu.memory_space<vmem>> -> memref<1x1x32x128xf32, #tpu.memory_space<vmem>>
      %dma_wait3A_250 = tpu.memref_squeeze %dma_wait3A_249 : memref<1x1x32x128xf32, #tpu.memory_space<vmem>> -> memref<32x128xf32, #tpu.memory_space<vmem>>
      %dma_wait3A_251 = arith.constant 0 : i32
      %dma_wait3A_252 = arith.constant 0 : i32
      %dma_wait3A_253 = tpu.memref_slice %arg5[%dma_wait3A_251, %dma_wait3A_252] : memref<32x1000000xf32, #tpu.memory_space<hbm>> -> memref<32x128xf32, #tpu.memory_space<hbm>>
      %dma_wait3A_254 = arith.constant 0 : i32
      %dma_wait3A_255 = arith.constant 0 : i32
      %dma_wait3A_256 = tpu.memref_slice %arg10[%dma_wait3A_245, %dma_wait3A_246, %dma_wait3A_254, %dma_wait3A_255] : memref<2x4x32x128xf32, #tpu.memory_space<vmem>> -> memref<1x1x32x128xf32, #tpu.memory_space<vmem>>
      %dma_wait3A_257 = tpu.memref_squeeze %dma_wait3A_256 : memref<1x1x32x128xf32, #tpu.memory_space<vmem>> -> memref<32x128xf32, #tpu.memory_space<vmem>>
      %dma_wait3A_258 = arith.constant 0 : i32
      %dma_wait3A_259 = arith.constant 0 : i32
      %dma_wait3A_260 = tpu.memref_slice %arg5[%dma_wait3A_258, %dma_wait3A_259] : memref<32x1000000xf32, #tpu.memory_space<hbm>> -> memref<32x128xf32, #tpu.memory_space<hbm>>
      tpu.wait_dma2 semaphore(%arg13 : memref<!tpu.dma_semaphore, #tpu.memory_space<semaphore_mem>>) src(%dma_wait3A_260 : memref<32x128xf32, #tpu.memory_space<hbm>>) dst(%dma_wait3A_257 : memref<32x128xf32, #tpu.memory_space<vmem>>)
      %dma_wait3A_261 = arith.constant 0 : i32
      %dma_wait3A_262 = arith.constant 1 : i32
      %dma_wait3A_263 = arith.constant 0 : i32
      %dma_wait3A_264 = arith.constant 0 : i32
      %dma_wait3A_265 = tpu.memref_slice %arg9[%dma_wait3A_261, %dma_wait3A_262, %dma_wait3A_263, %dma_wait3A_264] : memref<2x4x32x128xf32, #tpu.memory_space<vmem>> -> memref<1x1x32x128xf32, #tpu.memory_space<vmem>>
      %dma_wait3A_266 = tpu.memref_squeeze %dma_wait3A_265 : memref<1x1x32x128xf32, #tpu.memory_space<vmem>> -> memref<32x128xf32, #tpu.memory_space<vmem>>
      %dma_wait3A_267 = arith.constant 0 : i32
      %dma_wait3A_268 = arith.constant 0 : i32
      %dma_wait3A_269 = tpu.memref_slice %arg4[%dma_wait3A_267, %dma_wait3A_268] : memref<32x1000000xf32, #tpu.memory_space<hbm>> -> memref<32x128xf32, #tpu.memory_space<hbm>>
      %dma_wait3A_270 = arith.constant 0 : i32
      %dma_wait3A_271 = arith.constant 0 : i32
      %dma_wait3A_272 = tpu.memref_slice %arg9[%dma_wait3A_261, %dma_wait3A_262, %dma_wait3A_270, %dma_wait3A_271] : memref<2x4x32x128xf32, #tpu.memory_space<vmem>> -> memref<1x1x32x128xf32, #tpu.memory_space<vmem>>
      %dma_wait3A_273 = tpu.memref_squeeze %dma_wait3A_272 : memref<1x1x32x128xf32, #tpu.memory_space<vmem>> -> memref<32x128xf32, #tpu.memory_space<vmem>>
      %dma_wait3A_274 = arith.constant 0 : i32
      %dma_wait3A_275 = arith.constant 0 : i32
      %dma_wait3A_276 = tpu.memref_slice %arg4[%dma_wait3A_274, %dma_wait3A_275] : memref<32x1000000xf32, #tpu.memory_space<hbm>> -> memref<32x128xf32, #tpu.memory_space<hbm>>
      tpu.wait_dma2 semaphore(%arg12 : memref<!tpu.dma_semaphore, #tpu.memory_space<semaphore_mem>>) src(%dma_wait3A_276 : memref<32x128xf32, #tpu.memory_space<hbm>>) dst(%dma_wait3A_273 : memref<32x128xf32, #tpu.memory_space<vmem>>)
      %dma_wait3A_277 = arith.constant 0 : i32
      %dma_wait3A_278 = arith.constant 1 : i32
      %dma_wait3A_279 = arith.constant 0 : i32
      %dma_wait3A_280 = arith.constant 0 : i32
      %dma_wait3A_281 = tpu.memref_slice %arg10[%dma_wait3A_277, %dma_wait3A_278, %dma_wait3A_279, %dma_wait3A_280] : memref<2x4x32x128xf32, #tpu.memory_space<vmem>> -> memref<1x1x32x128xf32, #tpu.memory_space<vmem>>
      %dma_wait3A_282 = tpu.memref_squeeze %dma_wait3A_281 : memref<1x1x32x128xf32, #tpu.memory_space<vmem>> -> memref<32x128xf32, #tpu.memory_space<vmem>>
      %dma_wait3A_283 = arith.constant 0 : i32
      %dma_wait3A_284 = arith.constant 0 : i32
      %dma_wait3A_285 = tpu.memref_slice %arg5[%dma_wait3A_283, %dma_wait3A_284] : memref<32x1000000xf32, #tpu.memory_space<hbm>> -> memref<32x128xf32, #tpu.memory_space<hbm>>
      %dma_wait3A_286 = arith.constant 0 : i32
      %dma_wait3A_287 = arith.constant 0 : i32
      %dma_wait3A_288 = tpu.memref_slice %arg10[%dma_wait3A_277, %dma_wait3A_278, %dma_wait3A_286, %dma_wait3A_287] : memref<2x4x32x128xf32, #tpu.memory_space<vmem>> -> memref<1x1x32x128xf32, #tpu.memory_space<vmem>>
      %dma_wait3A_289 = tpu.memref_squeeze %dma_wait3A_288 : memref<1x1x32x128xf32, #tpu.memory_space<vmem>> -> memref<32x128xf32, #tpu.memory_space<vmem>>
      %dma_wait3A_290 = arith.constant 0 : i32
      %dma_wait3A_291 = arith.constant 0 : i32
      %dma_wait3A_292 = tpu.memref_slice %arg5[%dma_wait3A_290, %dma_wait3A_291] : memref<32x1000000xf32, #tpu.memory_space<hbm>> -> memref<32x128xf32, #tpu.memory_space<hbm>>
      tpu.wait_dma2 semaphore(%arg13 : memref<!tpu.dma_semaphore, #tpu.memory_space<semaphore_mem>>) src(%dma_wait3A_292 : memref<32x128xf32, #tpu.memory_space<hbm>>) dst(%dma_wait3A_289 : memref<32x128xf32, #tpu.memory_space<vmem>>)
      %dma_wait3A_293 = arith.constant 0 : i32
      %dma_wait3A_294 = arith.constant 2 : i32
      %dma_wait3A_295 = arith.constant 0 : i32
      %dma_wait3A_296 = arith.constant 0 : i32
      %dma_wait3A_297 = tpu.memref_slice %arg9[%dma_wait3A_293, %dma_wait3A_294, %dma_wait3A_295, %dma_wait3A_296] : memref<2x4x32x128xf32, #tpu.memory_space<vmem>> -> memref<1x1x32x128xf32, #tpu.memory_space<vmem>>
      %dma_wait3A_298 = tpu.memref_squeeze %dma_wait3A_297 : memref<1x1x32x128xf32, #tpu.memory_space<vmem>> -> memref<32x128xf32, #tpu.memory_space<vmem>>
      %dma_wait3A_299 = arith.constant 0 : i32
      %dma_wait3A_300 = arith.constant 0 : i32
      %dma_wait3A_301 = tpu.memref_slice %arg4[%dma_wait3A_299, %dma_wait3A_300] : memref<32x1000000xf32, #tpu.memory_space<hbm>> -> memref<32x128xf32, #tpu.memory_space<hbm>>
      %dma_wait3A_302 = arith.constant 0 : i32
      %dma_wait3A_303 = arith.constant 0 : i32
      %dma_wait3A_304 = tpu.memref_slice %arg9[%dma_wait3A_293, %dma_wait3A_294, %dma_wait3A_302, %dma_wait3A_303] : memref<2x4x32x128xf32, #tpu.memory_space<vmem>> -> memref<1x1x32x128xf32, #tpu.memory_space<vmem>>
      %dma_wait3A_305 = tpu.memref_squeeze %dma_wait3A_304 : memref<1x1x32x128xf32, #tpu.memory_space<vmem>> -> memref<32x128xf32, #tpu.memory_space<vmem>>
      %dma_wait3A_306 = arith.constant 0 : i32
      %dma_wait3A_307 = arith.constant 0 : i32
      %dma_wait3A_308 = tpu.memref_slice %arg4[%dma_wait3A_306, %dma_wait3A_307] : memref<32x1000000xf32, #tpu.memory_space<hbm>> -> memref<32x128xf32, #tpu.memory_space<hbm>>
      tpu.wait_dma2 semaphore(%arg12 : memref<!tpu.dma_semaphore, #tpu.memory_space<semaphore_mem>>) src(%dma_wait3A_308 : memref<32x128xf32, #tpu.memory_space<hbm>>) dst(%dma_wait3A_305 : memref<32x128xf32, #tpu.memory_space<vmem>>)
      %dma_wait3A_309 = arith.constant 0 : i32
      %dma_wait3A_310 = arith.constant 2 : i32
      %dma_wait3A_311 = arith.constant 0 : i32
      %dma_wait3A_312 = arith.constant 0 : i32
      %dma_wait3A_313 = tpu.memref_slice %arg10[%dma_wait3A_309, %dma_wait3A_310, %dma_wait3A_311, %dma_wait3A_312] : memref<2x4x32x128xf32, #tpu.memory_space<vmem>> -> memref<1x1x32x128xf32, #tpu.memory_space<vmem>>
      %dma_wait3A_314 = tpu.memref_squeeze %dma_wait3A_313 : memref<1x1x32x128xf32, #tpu.memory_space<vmem>> -> memref<32x128xf32, #tpu.memory_space<vmem>>
      %dma_wait3A_315 = arith.constant 0 : i32
      %dma_wait3A_316 = arith.constant 0 : i32
      %dma_wait3A_317 = tpu.memref_slice %arg5[%dma_wait3A_315, %dma_wait3A_316] : memref<32x1000000xf32, #tpu.memory_space<hbm>> -> memref<32x128xf32, #tpu.memory_space<hbm>>
      %dma_wait3A_318 = arith.constant 0 : i32
      %dma_wait3A_319 = arith.constant 0 : i32
      %dma_wait3A_320 = tpu.memref_slice %arg10[%dma_wait3A_309, %dma_wait3A_310, %dma_wait3A_318, %dma_wait3A_319] : memref<2x4x32x128xf32, #tpu.memory_space<vmem>> -> memref<1x1x32x128xf32, #tpu.memory_space<vmem>>
      %dma_wait3A_321 = tpu.memref_squeeze %dma_wait3A_320 : memref<1x1x32x128xf32, #tpu.memory_space<vmem>> -> memref<32x128xf32, #tpu.memory_space<vmem>>
      %dma_wait3A_322 = arith.constant 0 : i32
      %dma_wait3A_323 = arith.constant 0 : i32
      %dma_wait3A_324 = tpu.memref_slice %arg5[%dma_wait3A_322, %dma_wait3A_323] : memref<32x1000000xf32, #tpu.memory_space<hbm>> -> memref<32x128xf32, #tpu.memory_space<hbm>>
      tpu.wait_dma2 semaphore(%arg13 : memref<!tpu.dma_semaphore, #tpu.memory_space<semaphore_mem>>) src(%dma_wait3A_324 : memref<32x128xf32, #tpu.memory_space<hbm>>) dst(%dma_wait3A_321 : memref<32x128xf32, #tpu.memory_space<vmem>>)
      %dma_wait3A_325 = arith.constant 0 : i32
      %dma_wait3A_326 = arith.constant 3 : i32
      %dma_wait3A_327 = arith.constant 0 : i32
      %dma_wait3A_328 = arith.constant 0 : i32
      %dma_wait3A_329 = tpu.memref_slice %arg9[%dma_wait3A_325, %dma_wait3A_326, %dma_wait3A_327, %dma_wait3A_328] : memref<2x4x32x128xf32, #tpu.memory_space<vmem>> -> memref<1x1x32x128xf32, #tpu.memory_space<vmem>>
      %dma_wait3A_330 = tpu.memref_squeeze %dma_wait3A_329 : memref<1x1x32x128xf32, #tpu.memory_space<vmem>> -> memref<32x128xf32, #tpu.memory_space<vmem>>
      %dma_wait3A_331 = arith.constant 0 : i32
      %dma_wait3A_332 = arith.constant 0 : i32
      %dma_wait3A_333 = tpu.memref_slice %arg4[%dma_wait3A_331, %dma_wait3A_332] : memref<32x1000000xf32, #tpu.memory_space<hbm>> -> memref<32x128xf32, #tpu.memory_space<hbm>>
      %dma_wait3A_334 = arith.constant 0 : i32
      %dma_wait3A_335 = arith.constant 0 : i32
      %dma_wait3A_336 = tpu.memref_slice %arg9[%dma_wait3A_325, %dma_wait3A_326, %dma_wait3A_334, %dma_wait3A_335] : memref<2x4x32x128xf32, #tpu.memory_space<vmem>> -> memref<1x1x32x128xf32, #tpu.memory_space<vmem>>
      %dma_wait3A_337 = tpu.memref_squeeze %dma_wait3A_336 : memref<1x1x32x128xf32, #tpu.memory_space<vmem>> -> memref<32x128xf32, #tpu.memory_space<vmem>>
      %dma_wait3A_338 = arith.constant 0 : i32
      %dma_wait3A_339 = arith.constant 0 : i32
      %dma_wait3A_340 = tpu.memref_slice %arg4[%dma_wait3A_338, %dma_wait3A_339] : memref<32x1000000xf32, #tpu.memory_space<hbm>> -> memref<32x128xf32, #tpu.memory_space<hbm>>
      tpu.wait_dma2 semaphore(%arg12 : memref<!tpu.dma_semaphore, #tpu.memory_space<semaphore_mem>>) src(%dma_wait3A_340 : memref<32x128xf32, #tpu.memory_space<hbm>>) dst(%dma_wait3A_337 : memref<32x128xf32, #tpu.memory_space<vmem>>)
      %dma_wait3A_341 = arith.constant 0 : i32
      %dma_wait3A_342 = arith.constant 3 : i32
      %dma_wait3A_343 = arith.constant 0 : i32
      %dma_wait3A_344 = arith.constant 0 : i32
      %dma_wait3A_345 = tpu.memref_slice %arg10[%dma_wait3A_341, %dma_wait3A_342, %dma_wait3A_343, %dma_wait3A_344] : memref<2x4x32x128xf32, #tpu.memory_space<vmem>> -> memref<1x1x32x128xf32, #tpu.memory_space<vmem>>
      %dma_wait3A_346 = tpu.memref_squeeze %dma_wait3A_345 : memref<1x1x32x128xf32, #tpu.memory_space<vmem>> -> memref<32x128xf32, #tpu.memory_space<vmem>>
      %dma_wait3A_347 = arith.constant 0 : i32
      %dma_wait3A_348 = arith.constant 0 : i32
      %dma_wait3A_349 = tpu.memref_slice %arg5[%dma_wait3A_347, %dma_wait3A_348] : memref<32x1000000xf32, #tpu.memory_space<hbm>> -> memref<32x128xf32, #tpu.memory_space<hbm>>
      %dma_wait3A_350 = arith.constant 0 : i32
      %dma_wait3A_351 = arith.constant 0 : i32
      %dma_wait3A_352 = tpu.memref_slice %arg10[%dma_wait3A_341, %dma_wait3A_342, %dma_wait3A_350, %dma_wait3A_351] : memref<2x4x32x128xf32, #tpu.memory_space<vmem>> -> memref<1x1x32x128xf32, #tpu.memory_space<vmem>>
      %dma_wait3A_353 = tpu.memref_squeeze %dma_wait3A_352 : memref<1x1x32x128xf32, #tpu.memory_space<vmem>> -> memref<32x128xf32, #tpu.memory_space<vmem>>
      %dma_wait3A_354 = arith.constant 0 : i32
      %dma_wait3A_355 = arith.constant 0 : i32
      %dma_wait3A_356 = tpu.memref_slice %arg5[%dma_wait3A_354, %dma_wait3A_355] : memref<32x1000000xf32, #tpu.memory_space<hbm>> -> memref<32x128xf32, #tpu.memory_space<hbm>>
      tpu.wait_dma2 semaphore(%arg13 : memref<!tpu.dma_semaphore, #tpu.memory_space<semaphore_mem>>) src(%dma_wait3A_356 : memref<32x128xf32, #tpu.memory_space<hbm>>) dst(%dma_wait3A_353 : memref<32x128xf32, #tpu.memory_space<vmem>>)
      %shift_right_arithmetic3A_357 = arith.constant 7 : i32
      %shift_right_arithmetic3A_358 = arith.shrsi %squeeze3A_27, %shift_right_arithmetic3A_357 : i32
      %shift_left3A_359 = arith.constant 7 : i32
      %shift_left3A_360 = arith.shli %shift_right_arithmetic3A_358, %shift_left3A_359 : i32
      %multiple_of3A_361 = tpu.assume_multiple %shift_left3A_360, 128 : i32
      %shift_right_arithmetic3A_362 = arith.constant 7 : i32
      %shift_right_arithmetic3A_363 = arith.shrsi %squeeze3A_59, %shift_right_arithmetic3A_362 : i32
      %shift_left3A_364 = arith.constant 7 : i32
      %shift_left3A_365 = arith.shli %shift_right_arithmetic3A_363, %shift_left3A_364 : i32
      %multiple_of3A_366 = tpu.assume_multiple %shift_left3A_365, 128 : i32
      %dma_start3A_367 = arith.constant 1 : i32
      %dma_start3A_368 = arith.constant 0 : i32
      %dma_start3A_369 = arith.constant 0 : i32
      %dma_start3A_370 = arith.constant 0 : i32
      %dma_start3A_371 = tpu.memref_slice %arg9[%dma_start3A_367, %dma_start3A_368, %dma_start3A_369, %dma_start3A_370] : memref<2x4x32x128xf32, #tpu.memory_space<vmem>> -> memref<1x1x32x128xf32, #tpu.memory_space<vmem>>
      %dma_start3A_372 = tpu.memref_squeeze %dma_start3A_371 : memref<1x1x32x128xf32, #tpu.memory_space<vmem>> -> memref<32x128xf32, #tpu.memory_space<vmem>>
      %dma_start3A_373 = arith.constant 0 : i32
      %dma_start3A_374 = tpu.memref_slice %arg4[%dma_start3A_373, %multiple_of3A_361] : memref<32x1000000xf32, #tpu.memory_space<hbm>> -> memref<32x128xf32, #tpu.memory_space<hbm>>
      %dma_start3A_375 = arith.constant 0 : i32
      %dma_start3A_376 = arith.constant 0 : i32
      %dma_start3A_377 = tpu.memref_slice %arg9[%dma_start3A_367, %dma_start3A_368, %dma_start3A_375, %dma_start3A_376] : memref<2x4x32x128xf32, #tpu.memory_space<vmem>> -> memref<1x1x32x128xf32, #tpu.memory_space<vmem>>
      %dma_start3A_378 = tpu.memref_squeeze %dma_start3A_377 : memref<1x1x32x128xf32, #tpu.memory_space<vmem>> -> memref<32x128xf32, #tpu.memory_space<vmem>>
      %dma_start3A_379 = arith.constant 0 : i32
      %dma_start3A_380 = tpu.memref_slice %arg4[%dma_start3A_379, %multiple_of3A_361] : memref<32x1000000xf32, #tpu.memory_space<hbm>> -> memref<32x128xf32, #tpu.memory_space<hbm>>
      tpu.enqueue_dma source(%dma_start3A_380 : memref<32x128xf32, #tpu.memory_space<hbm>>) target(%dma_start3A_378 : memref<32x128xf32, #tpu.memory_space<vmem>>) target_semaphore(%arg12 : memref<!tpu.dma_semaphore, #tpu.memory_space<semaphore_mem>>)
      %dma_start3A_381 = arith.constant 1 : i32
      %dma_start3A_382 = arith.constant 0 : i32
      %dma_start3A_383 = arith.constant 0 : i32
      %dma_start3A_384 = arith.constant 0 : i32
      %dma_start3A_385 = tpu.memref_slice %arg10[%dma_start3A_381, %dma_start3A_382, %dma_start3A_383, %dma_start3A_384] : memref<2x4x32x128xf32, #tpu.memory_space<vmem>> -> memref<1x1x32x128xf32, #tpu.memory_space<vmem>>
      %dma_start3A_386 = tpu.memref_squeeze %dma_start3A_385 : memref<1x1x32x128xf32, #tpu.memory_space<vmem>> -> memref<32x128xf32, #tpu.memory_space<vmem>>
      %dma_start3A_387 = arith.constant 0 : i32
      %dma_start3A_388 = tpu.memref_slice %arg5[%dma_start3A_387, %multiple_of3A_366] : memref<32x1000000xf32, #tpu.memory_space<hbm>> -> memref<32x128xf32, #tpu.memory_space<hbm>>
      %dma_start3A_389 = arith.constant 0 : i32
      %dma_start3A_390 = arith.constant 0 : i32
      %dma_start3A_391 = tpu.memref_slice %arg10[%dma_start3A_381, %dma_start3A_382, %dma_start3A_389, %dma_start3A_390] : memref<2x4x32x128xf32, #tpu.memory_space<vmem>> -> memref<1x1x32x128xf32, #tpu.memory_space<vmem>>
      %dma_start3A_392 = tpu.memref_squeeze %dma_start3A_391 : memref<1x1x32x128xf32, #tpu.memory_space<vmem>> -> memref<32x128xf32, #tpu.memory_space<vmem>>
      %dma_start3A_393 = arith.constant 0 : i32
      %dma_start3A_394 = tpu.memref_slice %arg5[%dma_start3A_393, %multiple_of3A_366] : memref<32x1000000xf32, #tpu.memory_space<hbm>> -> memref<32x128xf32, #tpu.memory_space<hbm>>
      tpu.enqueue_dma source(%dma_start3A_394 : memref<32x128xf32, #tpu.memory_space<hbm>>) target(%dma_start3A_392 : memref<32x128xf32, #tpu.memory_space<vmem>>) target_semaphore(%arg13 : memref<!tpu.dma_semaphore, #tpu.memory_space<semaphore_mem>>)
      %shift_right_arithmetic3A_395 = arith.constant 7 : i32
      %shift_right_arithmetic3A_396 = arith.shrsi %squeeze3A_29, %shift_right_arithmetic3A_395 : i32
      %shift_left3A_397 = arith.constant 7 : i32
      %shift_left3A_398 = arith.shli %shift_right_arithmetic3A_396, %shift_left3A_397 : i32
      %multiple_of3A_399 = tpu.assume_multiple %shift_left3A_398, 128 : i32
      %shift_right_arithmetic3A_400 = arith.constant 7 : i32
      %shift_right_arithmetic3A_401 = arith.shrsi %squeeze3A_61, %shift_right_arithmetic3A_400 : i32
      %shift_left3A_402 = arith.constant 7 : i32
      %shift_left3A_403 = arith.shli %shift_right_arithmetic3A_401, %shift_left3A_402 : i32
      %multiple_of3A_404 = tpu.assume_multiple %shift_left3A_403, 128 : i32
      %dma_start3A_405 = arith.constant 1 : i32
      %dma_start3A_406 = arith.constant 1 : i32
      %dma_start3A_407 = arith.constant 0 : i32
      %dma_start3A_408 = arith.constant 0 : i32
      %dma_start3A_409 = tpu.memref_slice %arg9[%dma_start3A_405, %dma_start3A_406, %dma_start3A_407, %dma_start3A_408] : memref<2x4x32x128xf32, #tpu.memory_space<vmem>> -> memref<1x1x32x128xf32, #tpu.memory_space<vmem>>
      %dma_start3A_410 = tpu.memref_squeeze %dma_start3A_409 : memref<1x1x32x128xf32, #tpu.memory_space<vmem>> -> memref<32x128xf32, #tpu.memory_space<vmem>>
      %dma_start3A_411 = arith.constant 0 : i32
      %dma_start3A_412 = tpu.memref_slice %arg4[%dma_start3A_411, %multiple_of3A_399] : memref<32x1000000xf32, #tpu.memory_space<hbm>> -> memref<32x128xf32, #tpu.memory_space<hbm>>
      %dma_start3A_413 = arith.constant 0 : i32
      %dma_start3A_414 = arith.constant 0 : i32
      %dma_start3A_415 = tpu.memref_slice %arg9[%dma_start3A_405, %dma_start3A_406, %dma_start3A_413, %dma_start3A_414] : memref<2x4x32x128xf32, #tpu.memory_space<vmem>> -> memref<1x1x32x128xf32, #tpu.memory_space<vmem>>
      %dma_start3A_416 = tpu.memref_squeeze %dma_start3A_415 : memref<1x1x32x128xf32, #tpu.memory_space<vmem>> -> memref<32x128xf32, #tpu.memory_space<vmem>>
      %dma_start3A_417 = arith.constant 0 : i32
      %dma_start3A_418 = tpu.memref_slice %arg4[%dma_start3A_417, %multiple_of3A_399] : memref<32x1000000xf32, #tpu.memory_space<hbm>> -> memref<32x128xf32, #tpu.memory_space<hbm>>
      tpu.enqueue_dma source(%dma_start3A_418 : memref<32x128xf32, #tpu.memory_space<hbm>>) target(%dma_start3A_416 : memref<32x128xf32, #tpu.memory_space<vmem>>) target_semaphore(%arg12 : memref<!tpu.dma_semaphore, #tpu.memory_space<semaphore_mem>>)
      %dma_start3A_419 = arith.constant 1 : i32
      %dma_start3A_420 = arith.constant 1 : i32
      %dma_start3A_421 = arith.constant 0 : i32
      %dma_start3A_422 = arith.constant 0 : i32
      %dma_start3A_423 = tpu.memref_slice %arg10[%dma_start3A_419, %dma_start3A_420, %dma_start3A_421, %dma_start3A_422] : memref<2x4x32x128xf32, #tpu.memory_space<vmem>> -> memref<1x1x32x128xf32, #tpu.memory_space<vmem>>
      %dma_start3A_424 = tpu.memref_squeeze %dma_start3A_423 : memref<1x1x32x128xf32, #tpu.memory_space<vmem>> -> memref<32x128xf32, #tpu.memory_space<vmem>>
      %dma_start3A_425 = arith.constant 0 : i32
      %dma_start3A_426 = tpu.memref_slice %arg5[%dma_start3A_425, %multiple_of3A_404] : memref<32x1000000xf32, #tpu.memory_space<hbm>> -> memref<32x128xf32, #tpu.memory_space<hbm>>
      %dma_start3A_427 = arith.constant 0 : i32
      %dma_start3A_428 = arith.constant 0 : i32
      %dma_start3A_429 = tpu.memref_slice %arg10[%dma_start3A_419, %dma_start3A_420, %dma_start3A_427, %dma_start3A_428] : memref<2x4x32x128xf32, #tpu.memory_space<vmem>> -> memref<1x1x32x128xf32, #tpu.memory_space<vmem>>
      %dma_start3A_430 = tpu.memref_squeeze %dma_start3A_429 : memref<1x1x32x128xf32, #tpu.memory_space<vmem>> -> memref<32x128xf32, #tpu.memory_space<vmem>>
      %dma_start3A_431 = arith.constant 0 : i32
      %dma_start3A_432 = tpu.memref_slice %arg5[%dma_start3A_431, %multiple_of3A_404] : memref<32x1000000xf32, #tpu.memory_space<hbm>> -> memref<32x128xf32, #tpu.memory_space<hbm>>
      tpu.enqueue_dma source(%dma_start3A_432 : memref<32x128xf32, #tpu.memory_space<hbm>>) target(%dma_start3A_430 : memref<32x128xf32, #tpu.memory_space<vmem>>) target_semaphore(%arg13 : memref<!tpu.dma_semaphore, #tpu.memory_space<semaphore_mem>>)
      %shift_right_arithmetic3A_433 = arith.constant 7 : i32
      %shift_right_arithmetic3A_434 = arith.shrsi %squeeze3A_31, %shift_right_arithmetic3A_433 : i32
      %shift_left3A_435 = arith.constant 7 : i32
      %shift_left3A_436 = arith.shli %shift_right_arithmetic3A_434, %shift_left3A_435 : i32
      %multiple_of3A_437 = tpu.assume_multiple %shift_left3A_436, 128 : i32
      %shift_right_arithmetic3A_438 = arith.constant 7 : i32
      %shift_right_arithmetic3A_439 = arith.shrsi %squeeze3A_63, %shift_right_arithmetic3A_438 : i32
      %shift_left3A_440 = arith.constant 7 : i32
      %shift_left3A_441 = arith.shli %shift_right_arithmetic3A_439, %shift_left3A_440 : i32
      %multiple_of3A_442 = tpu.assume_multiple %shift_left3A_441, 128 : i32
      %dma_start3A_443 = arith.constant 1 : i32
      %dma_start3A_444 = arith.constant 2 : i32
      %dma_start3A_445 = arith.constant 0 : i32
      %dma_start3A_446 = arith.constant 0 : i32
      %dma_start3A_447 = tpu.memref_slice %arg9[%dma_start3A_443, %dma_start3A_444, %dma_start3A_445, %dma_start3A_446] : memref<2x4x32x128xf32, #tpu.memory_space<vmem>> -> memref<1x1x32x128xf32, #tpu.memory_space<vmem>>
      %dma_start3A_448 = tpu.memref_squeeze %dma_start3A_447 : memref<1x1x32x128xf32, #tpu.memory_space<vmem>> -> memref<32x128xf32, #tpu.memory_space<vmem>>
      %dma_start3A_449 = arith.constant 0 : i32
      %dma_start3A_450 = tpu.memref_slice %arg4[%dma_start3A_449, %multiple_of3A_437] : memref<32x1000000xf32, #tpu.memory_space<hbm>> -> memref<32x128xf32, #tpu.memory_space<hbm>>
      %dma_start3A_451 = arith.constant 0 : i32
      %dma_start3A_452 = arith.constant 0 : i32
      %dma_start3A_453 = tpu.memref_slice %arg9[%dma_start3A_443, %dma_start3A_444, %dma_start3A_451, %dma_start3A_452] : memref<2x4x32x128xf32, #tpu.memory_space<vmem>> -> memref<1x1x32x128xf32, #tpu.memory_space<vmem>>
      %dma_start3A_454 = tpu.memref_squeeze %dma_start3A_453 : memref<1x1x32x128xf32, #tpu.memory_space<vmem>> -> memref<32x128xf32, #tpu.memory_space<vmem>>
      %dma_start3A_455 = arith.constant 0 : i32
      %dma_start3A_456 = tpu.memref_slice %arg4[%dma_start3A_455, %multiple_of3A_437] : memref<32x1000000xf32, #tpu.memory_space<hbm>> -> memref<32x128xf32, #tpu.memory_space<hbm>>
      tpu.enqueue_dma source(%dma_start3A_456 : memref<32x128xf32, #tpu.memory_space<hbm>>) target(%dma_start3A_454 : memref<32x128xf32, #tpu.memory_space<vmem>>) target_semaphore(%arg12 : memref<!tpu.dma_semaphore, #tpu.memory_space<semaphore_mem>>)
      %dma_start3A_457 = arith.constant 1 : i32
      %dma_start3A_458 = arith.constant 2 : i32
      %dma_start3A_459 = arith.constant 0 : i32
      %dma_start3A_460 = arith.constant 0 : i32
      %dma_start3A_461 = tpu.memref_slice %arg10[%dma_start3A_457, %dma_start3A_458, %dma_start3A_459, %dma_start3A_460] : memref<2x4x32x128xf32, #tpu.memory_space<vmem>> -> memref<1x1x32x128xf32, #tpu.memory_space<vmem>>
      %dma_start3A_462 = tpu.memref_squeeze %dma_start3A_461 : memref<1x1x32x128xf32, #tpu.memory_space<vmem>> -> memref<32x128xf32, #tpu.memory_space<vmem>>
      %dma_start3A_463 = arith.constant 0 : i32
      %dma_start3A_464 = tpu.memref_slice %arg5[%dma_start3A_463, %multiple_of3A_442] : memref<32x1000000xf32, #tpu.memory_space<hbm>> -> memref<32x128xf32, #tpu.memory_space<hbm>>
      %dma_start3A_465 = arith.constant 0 : i32
      %dma_start3A_466 = arith.constant 0 : i32
      %dma_start3A_467 = tpu.memref_slice %arg10[%dma_start3A_457, %dma_start3A_458, %dma_start3A_465, %dma_start3A_466] : memref<2x4x32x128xf32, #tpu.memory_space<vmem>> -> memref<1x1x32x128xf32, #tpu.memory_space<vmem>>
      %dma_start3A_468 = tpu.memref_squeeze %dma_start3A_467 : memref<1x1x32x128xf32, #tpu.memory_space<vmem>> -> memref<32x128xf32, #tpu.memory_space<vmem>>
      %dma_start3A_469 = arith.constant 0 : i32
      %dma_start3A_470 = tpu.memref_slice %arg5[%dma_start3A_469, %multiple_of3A_442] : memref<32x1000000xf32, #tpu.memory_space<hbm>> -> memref<32x128xf32, #tpu.memory_space<hbm>>
      tpu.enqueue_dma source(%dma_start3A_470 : memref<32x128xf32, #tpu.memory_space<hbm>>) target(%dma_start3A_468 : memref<32x128xf32, #tpu.memory_space<vmem>>) target_semaphore(%arg13 : memref<!tpu.dma_semaphore, #tpu.memory_space<semaphore_mem>>)
      %shift_right_arithmetic3A_471 = arith.constant 7 : i32
      %shift_right_arithmetic3A_472 = arith.shrsi %squeeze3A_33, %shift_right_arithmetic3A_471 : i32
      %shift_left3A_473 = arith.constant 7 : i32
      %shift_left3A_474 = arith.shli %shift_right_arithmetic3A_472, %shift_left3A_473 : i32
      %multiple_of3A_475 = tpu.assume_multiple %shift_left3A_474, 128 : i32
      %shift_right_arithmetic3A_476 = arith.constant 7 : i32
      %shift_right_arithmetic3A_477 = arith.shrsi %squeeze3A_65, %shift_right_arithmetic3A_476 : i32
      %shift_left3A_478 = arith.constant 7 : i32
      %shift_left3A_479 = arith.shli %shift_right_arithmetic3A_477, %shift_left3A_478 : i32
      %multiple_of3A_480 = tpu.assume_multiple %shift_left3A_479, 128 : i32
      %dma_start3A_481 = arith.constant 1 : i32
      %dma_start3A_482 = arith.constant 3 : i32
      %dma_start3A_483 = arith.constant 0 : i32
      %dma_start3A_484 = arith.constant 0 : i32
      %dma_start3A_485 = tpu.memref_slice %arg9[%dma_start3A_481, %dma_start3A_482, %dma_start3A_483, %dma_start3A_484] : memref<2x4x32x128xf32, #tpu.memory_space<vmem>> -> memref<1x1x32x128xf32, #tpu.memory_space<vmem>>
      %dma_start3A_486 = tpu.memref_squeeze %dma_start3A_485 : memref<1x1x32x128xf32, #tpu.memory_space<vmem>> -> memref<32x128xf32, #tpu.memory_space<vmem>>
      %dma_start3A_487 = arith.constant 0 : i32
      %dma_start3A_488 = tpu.memref_slice %arg4[%dma_start3A_487, %multiple_of3A_475] : memref<32x1000000xf32, #tpu.memory_space<hbm>> -> memref<32x128xf32, #tpu.memory_space<hbm>>
      %dma_start3A_489 = arith.constant 0 : i32
      %dma_start3A_490 = arith.constant 0 : i32
      %dma_start3A_491 = tpu.memref_slice %arg9[%dma_start3A_481, %dma_start3A_482, %dma_start3A_489, %dma_start3A_490] : memref<2x4x32x128xf32, #tpu.memory_space<vmem>> -> memref<1x1x32x128xf32, #tpu.memory_space<vmem>>
      %dma_start3A_492 = tpu.memref_squeeze %dma_start3A_491 : memref<1x1x32x128xf32, #tpu.memory_space<vmem>> -> memref<32x128xf32, #tpu.memory_space<vmem>>
      %dma_start3A_493 = arith.constant 0 : i32
      %dma_start3A_494 = tpu.memref_slice %arg4[%dma_start3A_493, %multiple_of3A_475] : memref<32x1000000xf32, #tpu.memory_space<hbm>> -> memref<32x128xf32, #tpu.memory_space<hbm>>
      tpu.enqueue_dma source(%dma_start3A_494 : memref<32x128xf32, #tpu.memory_space<hbm>>) target(%dma_start3A_492 : memref<32x128xf32, #tpu.memory_space<vmem>>) target_semaphore(%arg12 : memref<!tpu.dma_semaphore, #tpu.memory_space<semaphore_mem>>)
      %dma_start3A_495 = arith.constant 1 : i32
      %dma_start3A_496 = arith.constant 3 : i32
      %dma_start3A_497 = arith.constant 0 : i32
      %dma_start3A_498 = arith.constant 0 : i32
      %dma_start3A_499 = tpu.memref_slice %arg10[%dma_start3A_495, %dma_start3A_496, %dma_start3A_497, %dma_start3A_498] : memref<2x4x32x128xf32, #tpu.memory_space<vmem>> -> memref<1x1x32x128xf32, #tpu.memory_space<vmem>>
      %dma_start3A_500 = tpu.memref_squeeze %dma_start3A_499 : memref<1x1x32x128xf32, #tpu.memory_space<vmem>> -> memref<32x128xf32, #tpu.memory_space<vmem>>
      %dma_start3A_501 = arith.constant 0 : i32
      %dma_start3A_502 = tpu.memref_slice %arg5[%dma_start3A_501, %multiple_of3A_480] : memref<32x1000000xf32, #tpu.memory_space<hbm>> -> memref<32x128xf32, #tpu.memory_space<hbm>>
      %dma_start3A_503 = arith.constant 0 : i32
      %dma_start3A_504 = arith.constant 0 : i32
      %dma_start3A_505 = tpu.memref_slice %arg10[%dma_start3A_495, %dma_start3A_496, %dma_start3A_503, %dma_start3A_504] : memref<2x4x32x128xf32, #tpu.memory_space<vmem>> -> memref<1x1x32x128xf32, #tpu.memory_space<vmem>>
      %dma_start3A_506 = tpu.memref_squeeze %dma_start3A_505 : memref<1x1x32x128xf32, #tpu.memory_space<vmem>> -> memref<32x128xf32, #tpu.memory_space<vmem>>
      %dma_start3A_507 = arith.constant 0 : i32
      %dma_start3A_508 = tpu.memref_slice %arg5[%dma_start3A_507, %multiple_of3A_480] : memref<32x1000000xf32, #tpu.memory_space<hbm>> -> memref<32x128xf32, #tpu.memory_space<hbm>>
      tpu.enqueue_dma source(%dma_start3A_508 : memref<32x128xf32, #tpu.memory_space<hbm>>) target(%dma_start3A_506 : memref<32x128xf32, #tpu.memory_space<vmem>>) target_semaphore(%arg13 : memref<!tpu.dma_semaphore, #tpu.memory_space<semaphore_mem>>)
      %and3A = arith.constant 127 : i32
      %and3A_509 = arith.andi %squeeze3A, %and3A : i32
      %add3A_510 = vector.broadcast %and3A_509 : i32 to vector<16xi32>
      %add3A_511 = arith.addi %broadcast_in_dim3A_6, %add3A_510 : vector<16xi32>
      %and3A_512 = arith.constant 127 : i32
      %and3A_513 = arith.andi %squeeze3A_51, %and3A_512 : i32
      %add3A_514 = vector.broadcast %and3A_513 : i32 to vector<16xi32>
      %add3A_515 = arith.addi %broadcast_in_dim3A_6, %add3A_514 : vector<16xi32>
      %mul3A_516 = arith.constant 16 : i32
      %mul3A_517 = arith.muli %scan3A_12, %mul3A_516 : i32
      %add3A_518 = arith.constant 0 : i32
      %add3A_519 = arith.addi %mul3A_517, %add3A_518 : i32
      %add3A_520 = vector.broadcast %add3A_519 : i32 to vector<16xi32>
      %add3A_521 = arith.addi %broadcast_in_dim3A_6, %add3A_520 : vector<16xi32>
      %gather3A = arith.constant 0 : i32
      %gather3A_522 = arith.constant 0 : i32
      %gather3A_523 = arith.constant 0 : i32
      %gather3A_524 = arith.constant 0 : i32
      %gather3A_525 = tpu.memref_slice %arg9[%gather3A, %gather3A_522, %gather3A_523, %gather3A_524] : memref<2x4x32x128xf32, #tpu.memory_space<vmem>> -> memref<1x1x32x128xf32, #tpu.memory_space<vmem>>
      %gather3A_526 = tpu.memref_squeeze %gather3A_525 : memref<1x1x32x128xf32, #tpu.memory_space<vmem>> -> memref<32x128xf32, #tpu.memory_space<vmem>>
      %gather3A_527 = tpu.vector_load_idx %gather3A_526[%iota3A, %add3A_511] : memref<32x128xf32, #tpu.memory_space<vmem>>[vector<16xi32>, vector<16xi32>], vector<16xf32>,
      %gather3A_528 = arith.constant 0 : i32
      %gather3A_529 = arith.constant 0 : i32
      %gather3A_530 = arith.constant 0 : i32
      %gather3A_531 = arith.constant 0 : i32
      %gather3A_532 = tpu.memref_slice %arg10[%gather3A_528, %gather3A_529, %gather3A_530, %gather3A_531] : memref<2x4x32x128xf32, #tpu.memory_space<vmem>> -> memref<1x1x32x128xf32, #tpu.memory_space<vmem>>
      %gather3A_533 = tpu.memref_squeeze %gather3A_532 : memref<1x1x32x128xf32, #tpu.memory_space<vmem>> -> memref<32x128xf32, #tpu.memory_space<vmem>>
      %gather3A_534 = tpu.vector_load_idx %gather3A_533[%iota3A, %add3A_515] : memref<32x128xf32, #tpu.memory_space<vmem>>[vector<16xi32>, vector<16xi32>], vector<16xf32>,
      %mul3A_535 = arith.mulf %gather3A_527, %gather3A_534 : vector<16xf32>
      tpu.vector_store_idx %arg11[%iota3A, %add3A_521], %mul3A_535 : memref<32x512xf32, #tpu.memory_space<vmem>>[vector<16xi32>, vector<16xi32>], vector<16xf32>,
      %gather3A_536 = arith.constant 0 : i32
      %gather3A_537 = arith.constant 0 : i32
      %gather3A_538 = arith.constant 0 : i32
      %gather3A_539 = arith.constant 0 : i32
      %gather3A_540 = tpu.memref_slice %arg9[%gather3A_536, %gather3A_537, %gather3A_538, %gather3A_539] : memref<2x4x32x128xf32, #tpu.memory_space<vmem>> -> memref<1x1x32x128xf32, #tpu.memory_space<vmem>>
      %gather3A_541 = tpu.memref_squeeze %gather3A_540 : memref<1x1x32x128xf32, #tpu.memory_space<vmem>> -> memref<32x128xf32, #tpu.memory_space<vmem>>
      %gather3A_542 = tpu.vector_load_idx %gather3A_541[%add3A_5, %add3A_511] : memref<32x128xf32, #tpu.memory_space<vmem>>[vector<16xi32>, vector<16xi32>], vector<16xf32>,
      %gather3A_543 = arith.constant 0 : i32
      %gather3A_544 = arith.constant 0 : i32
      %gather3A_545 = arith.constant 0 : i32
      %gather3A_546 = arith.constant 0 : i32
      %gather3A_547 = tpu.memref_slice %arg10[%gather3A_543, %gather3A_544, %gather3A_545, %gather3A_546] : memref<2x4x32x128xf32, #tpu.memory_space<vmem>> -> memref<1x1x32x128xf32, #tpu.memory_space<vmem>>
      %gather3A_548 = tpu.memref_squeeze %gather3A_547 : memref<1x1x32x128xf32, #tpu.memory_space<vmem>> -> memref<32x128xf32, #tpu.memory_space<vmem>>
      %gather3A_549 = tpu.vector_load_idx %gather3A_548[%add3A_5, %add3A_515] : memref<32x128xf32, #tpu.memory_space<vmem>>[vector<16xi32>, vector<16xi32>], vector<16xf32>,
      %mul3A_550 = arith.mulf %gather3A_542, %gather3A_549 : vector<16xf32>
      tpu.vector_store_idx %arg11[%add3A_5, %add3A_521], %mul3A_550 : memref<32x512xf32, #tpu.memory_space<vmem>>[vector<16xi32>, vector<16xi32>], vector<16xf32>,
      %and3A_551 = arith.constant 127 : i32
      %and3A_552 = arith.andi %squeeze3A_21, %and3A_551 : i32
      %add3A_553 = vector.broadcast %and3A_552 : i32 to vector<16xi32>
      %add3A_554 = arith.addi %broadcast_in_dim3A_6, %add3A_553 : vector<16xi32>
      %and3A_555 = arith.constant 127 : i32
      %and3A_556 = arith.andi %squeeze3A_53, %and3A_555 : i32
      %add3A_557 = vector.broadcast %and3A_556 : i32 to vector<16xi32>
      %add3A_558 = arith.addi %broadcast_in_dim3A_6, %add3A_557 : vector<16xi32>
      %mul3A_559 = arith.constant 16 : i32
      %mul3A_560 = arith.muli %scan3A_12, %mul3A_559 : i32
      %add3A_561 = arith.constant 1 : i32
      %add3A_562 = arith.addi %mul3A_560, %add3A_561 : i32
      %add3A_563 = vector.broadcast %add3A_562 : i32 to vector<16xi32>
      %add3A_564 = arith.addi %broadcast_in_dim3A_6, %add3A_563 : vector<16xi32>
      %gather3A_565 = arith.constant 0 : i32
      %gather3A_566 = arith.constant 1 : i32
      %gather3A_567 = arith.constant 0 : i32
      %gather3A_568 = arith.constant 0 : i32
      %gather3A_569 = tpu.memref_slice %arg9[%gather3A_565, %gather3A_566, %gather3A_567, %gather3A_568] : memref<2x4x32x128xf32, #tpu.memory_space<vmem>> -> memref<1x1x32x128xf32, #tpu.memory_space<vmem>>
      %gather3A_570 = tpu.memref_squeeze %gather3A_569 : memref<1x1x32x128xf32, #tpu.memory_space<vmem>> -> memref<32x128xf32, #tpu.memory_space<vmem>>
      %gather3A_571 = tpu.vector_load_idx %gather3A_570[%iota3A, %add3A_554] : memref<32x128xf32, #tpu.memory_space<vmem>>[vector<16xi32>, vector<16xi32>], vector<16xf32>,
      %gather3A_572 = arith.constant 0 : i32
      %gather3A_573 = arith.constant 1 : i32
      %gather3A_574 = arith.constant 0 : i32
      %gather3A_575 = arith.constant 0 : i32
      %gather3A_576 = tpu.memref_slice %arg10[%gather3A_572, %gather3A_573, %gather3A_574, %gather3A_575] : memref<2x4x32x128xf32, #tpu.memory_space<vmem>> -> memref<1x1x32x128xf32, #tpu.memory_space<vmem>>
      %gather3A_577 = tpu.memref_squeeze %gather3A_576 : memref<1x1x32x128xf32, #tpu.memory_space<vmem>> -> memref<32x128xf32, #tpu.memory_space<vmem>>
      %gather3A_578 = tpu.vector_load_idx %gather3A_577[%iota3A, %add3A_558] : memref<32x128xf32, #tpu.memory_space<vmem>>[vector<16xi32>, vector<16xi32>], vector<16xf32>,
      %mul3A_579 = arith.mulf %gather3A_571, %gather3A_578 : vector<16xf32>
      tpu.vector_store_idx %arg11[%iota3A, %add3A_564], %mul3A_579 : memref<32x512xf32, #tpu.memory_space<vmem>>[vector<16xi32>, vector<16xi32>], vector<16xf32>,
      %gather3A_580 = arith.constant 0 : i32
      %gather3A_581 = arith.constant 1 : i32
      %gather3A_582 = arith.constant 0 : i32
      %gather3A_583 = arith.constant 0 : i32
      %gather3A_584 = tpu.memref_slice %arg9[%gather3A_580, %gather3A_581, %gather3A_582, %gather3A_583] : memref<2x4x32x128xf32, #tpu.memory_space<vmem>> -> memref<1x1x32x128xf32, #tpu.memory_space<vmem>>
      %gather3A_585 = tpu.memref_squeeze %gather3A_584 : memref<1x1x32x128xf32, #tpu.memory_space<vmem>> -> memref<32x128xf32, #tpu.memory_space<vmem>>
      %gather3A_586 = tpu.vector_load_idx %gather3A_585[%add3A_5, %add3A_554] : memref<32x128xf32, #tpu.memory_space<vmem>>[vector<16xi32>, vector<16xi32>], vector<16xf32>,
      %gather3A_587 = arith.constant 0 : i32
      %gather3A_588 = arith.constant 1 : i32
      %gather3A_589 = arith.constant 0 : i32
      %gather3A_590 = arith.constant 0 : i32
      %gather3A_591 = tpu.memref_slice %arg10[%gather3A_587, %gather3A_588, %gather3A_589, %gather3A_590] : memref<2x4x32x128xf32, #tpu.memory_space<vmem>> -> memref<1x1x32x128xf32, #tpu.memory_space<vmem>>
      %gather3A_592 = tpu.memref_squeeze %gather3A_591 : memref<1x1x32x128xf32, #tpu.memory_space<vmem>> -> memref<32x128xf32, #tpu.memory_space<vmem>>
      %gather3A_593 = tpu.vector_load_idx %gather3A_592[%add3A_5, %add3A_558] : memref<32x128xf32, #tpu.memory_space<vmem>>[vector<16xi32>, vector<16xi32>], vector<16xf32>,
      %mul3A_594 = arith.mulf %gather3A_586, %gather3A_593 : vector<16xf32>
      tpu.vector_store_idx %arg11[%add3A_5, %add3A_564], %mul3A_594 : memref<32x512xf32, #tpu.memory_space<vmem>>[vector<16xi32>, vector<16xi32>], vector<16xf32>,
      %and3A_595 = arith.constant 127 : i32
      %and3A_596 = arith.andi %squeeze3A_23, %and3A_595 : i32
      %add3A_597 = vector.broadcast %and3A_596 : i32 to vector<16xi32>
      %add3A_598 = arith.addi %broadcast_in_dim3A_6, %add3A_597 : vector<16xi32>
      %and3A_599 = arith.constant 127 : i32
      %and3A_600 = arith.andi %squeeze3A_55, %and3A_599 : i32
      %add3A_601 = vector.broadcast %and3A_600 : i32 to vector<16xi32>
      %add3A_602 = arith.addi %broadcast_in_dim3A_6, %add3A_601 : vector<16xi32>
      %mul3A_603 = arith.constant 16 : i32
      %mul3A_604 = arith.muli %scan3A_12, %mul3A_603 : i32
      %add3A_605 = arith.constant 2 : i32
      %add3A_606 = arith.addi %mul3A_604, %add3A_605 : i32
      %add3A_607 = vector.broadcast %add3A_606 : i32 to vector<16xi32>
      %add3A_608 = arith.addi %broadcast_in_dim3A_6, %add3A_607 : vector<16xi32>
      %gather3A_609 = arith.constant 0 : i32
      %gather3A_610 = arith.constant 2 : i32
      %gather3A_611 = arith.constant 0 : i32
      %gather3A_612 = arith.constant 0 : i32
      %gather3A_613 = tpu.memref_slice %arg9[%gather3A_609, %gather3A_610, %gather3A_611, %gather3A_612] : memref<2x4x32x128xf32, #tpu.memory_space<vmem>> -> memref<1x1x32x128xf32, #tpu.memory_space<vmem>>
      %gather3A_614 = tpu.memref_squeeze %gather3A_613 : memref<1x1x32x128xf32, #tpu.memory_space<vmem>> -> memref<32x128xf32, #tpu.memory_space<vmem>>
      %gather3A_615 = tpu.vector_load_idx %gather3A_614[%iota3A, %add3A_598] : memref<32x128xf32, #tpu.memory_space<vmem>>[vector<16xi32>, vector<16xi32>], vector<16xf32>,
      %gather3A_616 = arith.constant 0 : i32
      %gather3A_617 = arith.constant 2 : i32
      %gather3A_618 = arith.constant 0 : i32
      %gather3A_619 = arith.constant 0 : i32
      %gather3A_620 = tpu.memref_slice %arg10[%gather3A_616, %gather3A_617, %gather3A_618, %gather3A_619] : memref<2x4x32x128xf32, #tpu.memory_space<vmem>> -> memref<1x1x32x128xf32, #tpu.memory_space<vmem>>
      %gather3A_621 = tpu.memref_squeeze %gather3A_620 : memref<1x1x32x128xf32, #tpu.memory_space<vmem>> -> memref<32x128xf32, #tpu.memory_space<vmem>>
      %gather3A_622 = tpu.vector_load_idx %gather3A_621[%iota3A, %add3A_602] : memref<32x128xf32, #tpu.memory_space<vmem>>[vector<16xi32>, vector<16xi32>], vector<16xf32>,
      %mul3A_623 = arith.mulf %gather3A_615, %gather3A_622 : vector<16xf32>
      tpu.vector_store_idx %arg11[%iota3A, %add3A_608], %mul3A_623 : memref<32x512xf32, #tpu.memory_space<vmem>>[vector<16xi32>, vector<16xi32>], vector<16xf32>,
      %gather3A_624 = arith.constant 0 : i32
      %gather3A_625 = arith.constant 2 : i32
      %gather3A_626 = arith.constant 0 : i32
      %gather3A_627 = arith.constant 0 : i32
      %gather3A_628 = tpu.memref_slice %arg9[%gather3A_624, %gather3A_625, %gather3A_626, %gather3A_627] : memref<2x4x32x128xf32, #tpu.memory_space<vmem>> -> memref<1x1x32x128xf32, #tpu.memory_space<vmem>>
      %gather3A_629 = tpu.memref_squeeze %gather3A_628 : memref<1x1x32x128xf32, #tpu.memory_space<vmem>> -> memref<32x128xf32, #tpu.memory_space<vmem>>
      %gather3A_630 = tpu.vector_load_idx %gather3A_629[%add3A_5, %add3A_598] : memref<32x128xf32, #tpu.memory_space<vmem>>[vector<16xi32>, vector<16xi32>], vector<16xf32>,
      %gather3A_631 = arith.constant 0 : i32
      %gather3A_632 = arith.constant 2 : i32
      %gather3A_633 = arith.constant 0 : i32
      %gather3A_634 = arith.constant 0 : i32
      %gather3A_635 = tpu.memref_slice %arg10[%gather3A_631, %gather3A_632, %gather3A_633, %gather3A_634] : memref<2x4x32x128xf32, #tpu.memory_space<vmem>> -> memref<1x1x32x128xf32, #tpu.memory_space<vmem>>
      %gather3A_636 = tpu.memref_squeeze %gather3A_635 : memref<1x1x32x128xf32, #tpu.memory_space<vmem>> -> memref<32x128xf32, #tpu.memory_space<vmem>>
      %gather3A_637 = tpu.vector_load_idx %gather3A_636[%add3A_5, %add3A_602] : memref<32x128xf32, #tpu.memory_space<vmem>>[vector<16xi32>, vector<16xi32>], vector<16xf32>,
      %mul3A_638 = arith.mulf %gather3A_630, %gather3A_637 : vector<16xf32>
      tpu.vector_store_idx %arg11[%add3A_5, %add3A_608], %mul3A_638 : memref<32x512xf32, #tpu.memory_space<vmem>>[vector<16xi32>, vector<16xi32>], vector<16xf32>,
      %and3A_639 = arith.constant 127 : i32
      %and3A_640 = arith.andi %squeeze3A_25, %and3A_639 : i32
      %add3A_641 = vector.broadcast %and3A_640 : i32 to vector<16xi32>
      %add3A_642 = arith.addi %broadcast_in_dim3A_6, %add3A_641 : vector<16xi32>
      %and3A_643 = arith.constant 127 : i32
      %and3A_644 = arith.andi %squeeze3A_57, %and3A_643 : i32
      %add3A_645 = vector.broadcast %and3A_644 : i32 to vector<16xi32>
      %add3A_646 = arith.addi %broadcast_in_dim3A_6, %add3A_645 : vector<16xi32>
      %mul3A_647 = arith.constant 16 : i32
      %mul3A_648 = arith.muli %scan3A_12, %mul3A_647 : i32
      %add3A_649 = arith.constant 3 : i32
      %add3A_650 = arith.addi %mul3A_648, %add3A_649 : i32
      %add3A_651 = vector.broadcast %add3A_650 : i32 to vector<16xi32>
      %add3A_652 = arith.addi %broadcast_in_dim3A_6, %add3A_651 : vector<16xi32>
      %gather3A_653 = arith.constant 0 : i32
      %gather3A_654 = arith.constant 3 : i32
      %gather3A_655 = arith.constant 0 : i32
      %gather3A_656 = arith.constant 0 : i32
      %gather3A_657 = tpu.memref_slice %arg9[%gather3A_653, %gather3A_654, %gather3A_655, %gather3A_656] : memref<2x4x32x128xf32, #tpu.memory_space<vmem>> -> memref<1x1x32x128xf32, #tpu.memory_space<vmem>>
      %gather3A_658 = tpu.memref_squeeze %gather3A_657 : memref<1x1x32x128xf32, #tpu.memory_space<vmem>> -> memref<32x128xf32, #tpu.memory_space<vmem>>
      %gather3A_659 = tpu.vector_load_idx %gather3A_658[%iota3A, %add3A_642] : memref<32x128xf32, #tpu.memory_space<vmem>>[vector<16xi32>, vector<16xi32>], vector<16xf32>,
      %gather3A_660 = arith.constant 0 : i32
      %gather3A_661 = arith.constant 3 : i32
      %gather3A_662 = arith.constant 0 : i32
      %gather3A_663 = arith.constant 0 : i32
      %gather3A_664 = tpu.memref_slice %arg10[%gather3A_660, %gather3A_661, %gather3A_662, %gather3A_663] : memref<2x4x32x128xf32, #tpu.memory_space<vmem>> -> memref<1x1x32x128xf32, #tpu.memory_space<vmem>>
      %gather3A_665 = tpu.memref_squeeze %gather3A_664 : memref<1x1x32x128xf32, #tpu.memory_space<vmem>> -> memref<32x128xf32, #tpu.memory_space<vmem>>
      %gather3A_666 = tpu.vector_load_idx %gather3A_665[%iota3A, %add3A_646] : memref<32x128xf32, #tpu.memory_space<vmem>>[vector<16xi32>, vector<16xi32>], vector<16xf32>,
      %mul3A_667 = arith.mulf %gather3A_659, %gather3A_666 : vector<16xf32>
      tpu.vector_store_idx %arg11[%iota3A, %add3A_652], %mul3A_667 : memref<32x512xf32, #tpu.memory_space<vmem>>[vector<16xi32>, vector<16xi32>], vector<16xf32>,
      %gather3A_668 = arith.constant 0 : i32
      %gather3A_669 = arith.constant 3 : i32
      %gather3A_670 = arith.constant 0 : i32
      %gather3A_671 = arith.constant 0 : i32
      %gather3A_672 = tpu.memref_slice %arg9[%gather3A_668, %gather3A_669, %gather3A_670, %gather3A_671] : memref<2x4x32x128xf32, #tpu.memory_space<vmem>> -> memref<1x1x32x128xf32, #tpu.memory_space<vmem>>
      %gather3A_673 = tpu.memref_squeeze %gather3A_672 : memref<1x1x32x128xf32, #tpu.memory_space<vmem>> -> memref<32x128xf32, #tpu.memory_space<vmem>>
      %gather3A_674 = tpu.vector_load_idx %gather3A_673[%add3A_5, %add3A_642] : memref<32x128xf32, #tpu.memory_space<vmem>>[vector<16xi32>, vector<16xi32>], vector<16xf32>,
      %gather3A_675 = arith.constant 0 : i32
      %gather3A_676 = arith.constant 3 : i32
      %gather3A_677 = arith.constant 0 : i32
      %gather3A_678 = arith.constant 0 : i32
      %gather3A_679 = tpu.memref_slice %arg10[%gather3A_675, %gather3A_676, %gather3A_677, %gather3A_678] : memref<2x4x32x128xf32, #tpu.memory_space<vmem>> -> memref<1x1x32x128xf32, #tpu.memory_space<vmem>>
      %gather3A_680 = tpu.memref_squeeze %gather3A_679 : memref<1x1x32x128xf32, #tpu.memory_space<vmem>> -> memref<32x128xf32, #tpu.memory_space<vmem>>
      %gather3A_681 = tpu.vector_load_idx %gather3A_680[%add3A_5, %add3A_646] : memref<32x128xf32, #tpu.memory_space<vmem>>[vector<16xi32>, vector<16xi32>], vector<16xf32>,
      %mul3A_682 = arith.mulf %gather3A_674, %gather3A_681 : vector<16xf32>
      tpu.vector_store_idx %arg11[%add3A_5, %add3A_652], %mul3A_682 : memref<32x512xf32, #tpu.memory_space<vmem>>[vector<16xi32>, vector<16xi32>], vector<16xf32>,
      %dma_wait3A_683 = arith.constant 1 : i32
      %dma_wait3A_684 = arith.constant 0 : i32
      %dma_wait3A_685 = arith.constant 0 : i32
      %dma_wait3A_686 = arith.constant 0 : i32
      %dma_wait3A_687 = tpu.memref_slice %arg9[%dma_wait3A_683, %dma_wait3A_684, %dma_wait3A_685, %dma_wait3A_686] : memref<2x4x32x128xf32, #tpu.memory_space<vmem>> -> memref<1x1x32x128xf32, #tpu.memory_space<vmem>>
      %dma_wait3A_688 = tpu.memref_squeeze %dma_wait3A_687 : memref<1x1x32x128xf32, #tpu.memory_space<vmem>> -> memref<32x128xf32, #tpu.memory_space<vmem>>
      %dma_wait3A_689 = arith.constant 0 : i32
      %dma_wait3A_690 = arith.constant 0 : i32
      %dma_wait3A_691 = tpu.memref_slice %arg4[%dma_wait3A_689, %dma_wait3A_690] : memref<32x1000000xf32, #tpu.memory_space<hbm>> -> memref<32x128xf32, #tpu.memory_space<hbm>>
      %dma_wait3A_692 = arith.constant 0 : i32
      %dma_wait3A_693 = arith.constant 0 : i32
      %dma_wait3A_694 = tpu.memref_slice %arg9[%dma_wait3A_683, %dma_wait3A_684, %dma_wait3A_692, %dma_wait3A_693] : memref<2x4x32x128xf32, #tpu.memory_space<vmem>> -> memref<1x1x32x128xf32, #tpu.memory_space<vmem>>
      %dma_wait3A_695 = tpu.memref_squeeze %dma_wait3A_694 : memref<1x1x32x128xf32, #tpu.memory_space<vmem>> -> memref<32x128xf32, #tpu.memory_space<vmem>>
      %dma_wait3A_696 = arith.constant 0 : i32
      %dma_wait3A_697 = arith.constant 0 : i32
      %dma_wait3A_698 = tpu.memref_slice %arg4[%dma_wait3A_696, %dma_wait3A_697] : memref<32x1000000xf32, #tpu.memory_space<hbm>> -> memref<32x128xf32, #tpu.memory_space<hbm>>
      tpu.wait_dma2 semaphore(%arg12 : memref<!tpu.dma_semaphore, #tpu.memory_space<semaphore_mem>>) src(%dma_wait3A_698 : memref<32x128xf32, #tpu.memory_space<hbm>>) dst(%dma_wait3A_695 : memref<32x128xf32, #tpu.memory_space<vmem>>)
      %dma_wait3A_699 = arith.constant 1 : i32
      %dma_wait3A_700 = arith.constant 0 : i32
      %dma_wait3A_701 = arith.constant 0 : i32
      %dma_wait3A_702 = arith.constant 0 : i32
      %dma_wait3A_703 = tpu.memref_slice %arg10[%dma_wait3A_699, %dma_wait3A_700, %dma_wait3A_701, %dma_wait3A_702] : memref<2x4x32x128xf32, #tpu.memory_space<vmem>> -> memref<1x1x32x128xf32, #tpu.memory_space<vmem>>
      %dma_wait3A_704 = tpu.memref_squeeze %dma_wait3A_703 : memref<1x1x32x128xf32, #tpu.memory_space<vmem>> -> memref<32x128xf32, #tpu.memory_space<vmem>>
      %dma_wait3A_705 = arith.constant 0 : i32
      %dma_wait3A_706 = arith.constant 0 : i32
      %dma_wait3A_707 = tpu.memref_slice %arg5[%dma_wait3A_705, %dma_wait3A_706] : memref<32x1000000xf32, #tpu.memory_space<hbm>> -> memref<32x128xf32, #tpu.memory_space<hbm>>
      %dma_wait3A_708 = arith.constant 0 : i32
      %dma_wait3A_709 = arith.constant 0 : i32
      %dma_wait3A_710 = tpu.memref_slice %arg10[%dma_wait3A_699, %dma_wait3A_700, %dma_wait3A_708, %dma_wait3A_709] : memref<2x4x32x128xf32, #tpu.memory_space<vmem>> -> memref<1x1x32x128xf32, #tpu.memory_space<vmem>>
      %dma_wait3A_711 = tpu.memref_squeeze %dma_wait3A_710 : memref<1x1x32x128xf32, #tpu.memory_space<vmem>> -> memref<32x128xf32, #tpu.memory_space<vmem>>
      %dma_wait3A_712 = arith.constant 0 : i32
      %dma_wait3A_713 = arith.constant 0 : i32
      %dma_wait3A_714 = tpu.memref_slice %arg5[%dma_wait3A_712, %dma_wait3A_713] : memref<32x1000000xf32, #tpu.memory_space<hbm>> -> memref<32x128xf32, #tpu.memory_space<hbm>>
      tpu.wait_dma2 semaphore(%arg13 : memref<!tpu.dma_semaphore, #tpu.memory_space<semaphore_mem>>) src(%dma_wait3A_714 : memref<32x128xf32, #tpu.memory_space<hbm>>) dst(%dma_wait3A_711 : memref<32x128xf32, #tpu.memory_space<vmem>>)
      %dma_wait3A_715 = arith.constant 1 : i32
      %dma_wait3A_716 = arith.constant 1 : i32
      %dma_wait3A_717 = arith.constant 0 : i32
      %dma_wait3A_718 = arith.constant 0 : i32
      %dma_wait3A_719 = tpu.memref_slice %arg9[%dma_wait3A_715, %dma_wait3A_716, %dma_wait3A_717, %dma_wait3A_718] : memref<2x4x32x128xf32, #tpu.memory_space<vmem>> -> memref<1x1x32x128xf32, #tpu.memory_space<vmem>>
      %dma_wait3A_720 = tpu.memref_squeeze %dma_wait3A_719 : memref<1x1x32x128xf32, #tpu.memory_space<vmem>> -> memref<32x128xf32, #tpu.memory_space<vmem>>
      %dma_wait3A_721 = arith.constant 0 : i32
      %dma_wait3A_722 = arith.constant 0 : i32
      %dma_wait3A_723 = tpu.memref_slice %arg4[%dma_wait3A_721, %dma_wait3A_722] : memref<32x1000000xf32, #tpu.memory_space<hbm>> -> memref<32x128xf32, #tpu.memory_space<hbm>>
      %dma_wait3A_724 = arith.constant 0 : i32
      %dma_wait3A_725 = arith.constant 0 : i32
      %dma_wait3A_726 = tpu.memref_slice %arg9[%dma_wait3A_715, %dma_wait3A_716, %dma_wait3A_724, %dma_wait3A_725] : memref<2x4x32x128xf32, #tpu.memory_space<vmem>> -> memref<1x1x32x128xf32, #tpu.memory_space<vmem>>
      %dma_wait3A_727 = tpu.memref_squeeze %dma_wait3A_726 : memref<1x1x32x128xf32, #tpu.memory_space<vmem>> -> memref<32x128xf32, #tpu.memory_space<vmem>>
      %dma_wait3A_728 = arith.constant 0 : i32
      %dma_wait3A_729 = arith.constant 0 : i32
      %dma_wait3A_730 = tpu.memref_slice %arg4[%dma_wait3A_728, %dma_wait3A_729] : memref<32x1000000xf32, #tpu.memory_space<hbm>> -> memref<32x128xf32, #tpu.memory_space<hbm>>
      tpu.wait_dma2 semaphore(%arg12 : memref<!tpu.dma_semaphore, #tpu.memory_space<semaphore_mem>>) src(%dma_wait3A_730 : memref<32x128xf32, #tpu.memory_space<hbm>>) dst(%dma_wait3A_727 : memref<32x128xf32, #tpu.memory_space<vmem>>)
      %dma_wait3A_731 = arith.constant 1 : i32
      %dma_wait3A_732 = arith.constant 1 : i32
      %dma_wait3A_733 = arith.constant 0 : i32
      %dma_wait3A_734 = arith.constant 0 : i32
      %dma_wait3A_735 = tpu.memref_slice %arg10[%dma_wait3A_731, %dma_wait3A_732, %dma_wait3A_733, %dma_wait3A_734] : memref<2x4x32x128xf32, #tpu.memory_space<vmem>> -> memref<1x1x32x128xf32, #tpu.memory_space<vmem>>
      %dma_wait3A_736 = tpu.memref_squeeze %dma_wait3A_735 : memref<1x1x32x128xf32, #tpu.memory_space<vmem>> -> memref<32x128xf32, #tpu.memory_space<vmem>>
      %dma_wait3A_737 = arith.constant 0 : i32
      %dma_wait3A_738 = arith.constant 0 : i32
      %dma_wait3A_739 = tpu.memref_slice %arg5[%dma_wait3A_737, %dma_wait3A_738] : memref<32x1000000xf32, #tpu.memory_space<hbm>> -> memref<32x128xf32, #tpu.memory_space<hbm>>
      %dma_wait3A_740 = arith.constant 0 : i32
      %dma_wait3A_741 = arith.constant 0 : i32
      %dma_wait3A_742 = tpu.memref_slice %arg10[%dma_wait3A_731, %dma_wait3A_732, %dma_wait3A_740, %dma_wait3A_741] : memref<2x4x32x128xf32, #tpu.memory_space<vmem>> -> memref<1x1x32x128xf32, #tpu.memory_space<vmem>>
      %dma_wait3A_743 = tpu.memref_squeeze %dma_wait3A_742 : memref<1x1x32x128xf32, #tpu.memory_space<vmem>> -> memref<32x128xf32, #tpu.memory_space<vmem>>
      %dma_wait3A_744 = arith.constant 0 : i32
      %dma_wait3A_745 = arith.constant 0 : i32
      %dma_wait3A_746 = tpu.memref_slice %arg5[%dma_wait3A_744, %dma_wait3A_745] : memref<32x1000000xf32, #tpu.memory_space<hbm>> -> memref<32x128xf32, #tpu.memory_space<hbm>>
      tpu.wait_dma2 semaphore(%arg13 : memref<!tpu.dma_semaphore, #tpu.memory_space<semaphore_mem>>) src(%dma_wait3A_746 : memref<32x128xf32, #tpu.memory_space<hbm>>) dst(%dma_wait3A_743 : memref<32x128xf32, #tpu.memory_space<vmem>>)
      %dma_wait3A_747 = arith.constant 1 : i32
      %dma_wait3A_748 = arith.constant 2 : i32
      %dma_wait3A_749 = arith.constant 0 : i32
      %dma_wait3A_750 = arith.constant 0 : i32
      %dma_wait3A_751 = tpu.memref_slice %arg9[%dma_wait3A_747, %dma_wait3A_748, %dma_wait3A_749, %dma_wait3A_750] : memref<2x4x32x128xf32, #tpu.memory_space<vmem>> -> memref<1x1x32x128xf32, #tpu.memory_space<vmem>>
      %dma_wait3A_752 = tpu.memref_squeeze %dma_wait3A_751 : memref<1x1x32x128xf32, #tpu.memory_space<vmem>> -> memref<32x128xf32, #tpu.memory_space<vmem>>
      %dma_wait3A_753 = arith.constant 0 : i32
      %dma_wait3A_754 = arith.constant 0 : i32
      %dma_wait3A_755 = tpu.memref_slice %arg4[%dma_wait3A_753, %dma_wait3A_754] : memref<32x1000000xf32, #tpu.memory_space<hbm>> -> memref<32x128xf32, #tpu.memory_space<hbm>>
      %dma_wait3A_756 = arith.constant 0 : i32
      %dma_wait3A_757 = arith.constant 0 : i32
      %dma_wait3A_758 = tpu.memref_slice %arg9[%dma_wait3A_747, %dma_wait3A_748, %dma_wait3A_756, %dma_wait3A_757] : memref<2x4x32x128xf32, #tpu.memory_space<vmem>> -> memref<1x1x32x128xf32, #tpu.memory_space<vmem>>
      %dma_wait3A_759 = tpu.memref_squeeze %dma_wait3A_758 : memref<1x1x32x128xf32, #tpu.memory_space<vmem>> -> memref<32x128xf32, #tpu.memory_space<vmem>>
      %dma_wait3A_760 = arith.constant 0 : i32
      %dma_wait3A_761 = arith.constant 0 : i32
      %dma_wait3A_762 = tpu.memref_slice %arg4[%dma_wait3A_760, %dma_wait3A_761] : memref<32x1000000xf32, #tpu.memory_space<hbm>> -> memref<32x128xf32, #tpu.memory_space<hbm>>
      tpu.wait_dma2 semaphore(%arg12 : memref<!tpu.dma_semaphore, #tpu.memory_space<semaphore_mem>>) src(%dma_wait3A_762 : memref<32x128xf32, #tpu.memory_space<hbm>>) dst(%dma_wait3A_759 : memref<32x128xf32, #tpu.memory_space<vmem>>)
      %dma_wait3A_763 = arith.constant 1 : i32
      %dma_wait3A_764 = arith.constant 2 : i32
      %dma_wait3A_765 = arith.constant 0 : i32
      %dma_wait3A_766 = arith.constant 0 : i32
      %dma_wait3A_767 = tpu.memref_slice %arg10[%dma_wait3A_763, %dma_wait3A_764, %dma_wait3A_765, %dma_wait3A_766] : memref<2x4x32x128xf32, #tpu.memory_space<vmem>> -> memref<1x1x32x128xf32, #tpu.memory_space<vmem>>
      %dma_wait3A_768 = tpu.memref_squeeze %dma_wait3A_767 : memref<1x1x32x128xf32, #tpu.memory_space<vmem>> -> memref<32x128xf32, #tpu.memory_space<vmem>>
      %dma_wait3A_769 = arith.constant 0 : i32
      %dma_wait3A_770 = arith.constant 0 : i32
      %dma_wait3A_771 = tpu.memref_slice %arg5[%dma_wait3A_769, %dma_wait3A_770] : memref<32x1000000xf32, #tpu.memory_space<hbm>> -> memref<32x128xf32, #tpu.memory_space<hbm>>
      %dma_wait3A_772 = arith.constant 0 : i32
      %dma_wait3A_773 = arith.constant 0 : i32
      %dma_wait3A_774 = tpu.memref_slice %arg10[%dma_wait3A_763, %dma_wait3A_764, %dma_wait3A_772, %dma_wait3A_773] : memref<2x4x32x128xf32, #tpu.memory_space<vmem>> -> memref<1x1x32x128xf32, #tpu.memory_space<vmem>>
      %dma_wait3A_775 = tpu.memref_squeeze %dma_wait3A_774 : memref<1x1x32x128xf32, #tpu.memory_space<vmem>> -> memref<32x128xf32, #tpu.memory_space<vmem>>
      %dma_wait3A_776 = arith.constant 0 : i32
      %dma_wait3A_777 = arith.constant 0 : i32
      %dma_wait3A_778 = tpu.memref_slice %arg5[%dma_wait3A_776, %dma_wait3A_777] : memref<32x1000000xf32, #tpu.memory_space<hbm>> -> memref<32x128xf32, #tpu.memory_space<hbm>>
      tpu.wait_dma2 semaphore(%arg13 : memref<!tpu.dma_semaphore, #tpu.memory_space<semaphore_mem>>) src(%dma_wait3A_778 : memref<32x128xf32, #tpu.memory_space<hbm>>) dst(%dma_wait3A_775 : memref<32x128xf32, #tpu.memory_space<vmem>>)
      %dma_wait3A_779 = arith.constant 1 : i32
      %dma_wait3A_780 = arith.constant 3 : i32
      %dma_wait3A_781 = arith.constant 0 : i32
      %dma_wait3A_782 = arith.constant 0 : i32
      %dma_wait3A_783 = tpu.memref_slice %arg9[%dma_wait3A_779, %dma_wait3A_780, %dma_wait3A_781, %dma_wait3A_782] : memref<2x4x32x128xf32, #tpu.memory_space<vmem>> -> memref<1x1x32x128xf32, #tpu.memory_space<vmem>>
      %dma_wait3A_784 = tpu.memref_squeeze %dma_wait3A_783 : memref<1x1x32x128xf32, #tpu.memory_space<vmem>> -> memref<32x128xf32, #tpu.memory_space<vmem>>
      %dma_wait3A_785 = arith.constant 0 : i32
      %dma_wait3A_786 = arith.constant 0 : i32
      %dma_wait3A_787 = tpu.memref_slice %arg4[%dma_wait3A_785, %dma_wait3A_786] : memref<32x1000000xf32, #tpu.memory_space<hbm>> -> memref<32x128xf32, #tpu.memory_space<hbm>>
      %dma_wait3A_788 = arith.constant 0 : i32
      %dma_wait3A_789 = arith.constant 0 : i32
      %dma_wait3A_790 = tpu.memref_slice %arg9[%dma_wait3A_779, %dma_wait3A_780, %dma_wait3A_788, %dma_wait3A_789] : memref<2x4x32x128xf32, #tpu.memory_space<vmem>> -> memref<1x1x32x128xf32, #tpu.memory_space<vmem>>
      %dma_wait3A_791 = tpu.memref_squeeze %dma_wait3A_790 : memref<1x1x32x128xf32, #tpu.memory_space<vmem>> -> memref<32x128xf32, #tpu.memory_space<vmem>>
      %dma_wait3A_792 = arith.constant 0 : i32
      %dma_wait3A_793 = arith.constant 0 : i32
      %dma_wait3A_794 = tpu.memref_slice %arg4[%dma_wait3A_792, %dma_wait3A_793] : memref<32x1000000xf32, #tpu.memory_space<hbm>> -> memref<32x128xf32, #tpu.memory_space<hbm>>
      tpu.wait_dma2 semaphore(%arg12 : memref<!tpu.dma_semaphore, #tpu.memory_space<semaphore_mem>>) src(%dma_wait3A_794 : memref<32x128xf32, #tpu.memory_space<hbm>>) dst(%dma_wait3A_791 : memref<32x128xf32, #tpu.memory_space<vmem>>)
      %dma_wait3A_795 = arith.constant 1 : i32
      %dma_wait3A_796 = arith.constant 3 : i32
      %dma_wait3A_797 = arith.constant 0 : i32
      %dma_wait3A_798 = arith.constant 0 : i32
      %dma_wait3A_799 = tpu.memref_slice %arg10[%dma_wait3A_795, %dma_wait3A_796, %dma_wait3A_797, %dma_wait3A_798] : memref<2x4x32x128xf32, #tpu.memory_space<vmem>> -> memref<1x1x32x128xf32, #tpu.memory_space<vmem>>
      %dma_wait3A_800 = tpu.memref_squeeze %dma_wait3A_799 : memref<1x1x32x128xf32, #tpu.memory_space<vmem>> -> memref<32x128xf32, #tpu.memory_space<vmem>>
      %dma_wait3A_801 = arith.constant 0 : i32
      %dma_wait3A_802 = arith.constant 0 : i32
      %dma_wait3A_803 = tpu.memref_slice %arg5[%dma_wait3A_801, %dma_wait3A_802] : memref<32x1000000xf32, #tpu.memory_space<hbm>> -> memref<32x128xf32, #tpu.memory_space<hbm>>
      %dma_wait3A_804 = arith.constant 0 : i32
      %dma_wait3A_805 = arith.constant 0 : i32
      %dma_wait3A_806 = tpu.memref_slice %arg10[%dma_wait3A_795, %dma_wait3A_796, %dma_wait3A_804, %dma_wait3A_805] : memref<2x4x32x128xf32, #tpu.memory_space<vmem>> -> memref<1x1x32x128xf32, #tpu.memory_space<vmem>>
      %dma_wait3A_807 = tpu.memref_squeeze %dma_wait3A_806 : memref<1x1x32x128xf32, #tpu.memory_space<vmem>> -> memref<32x128xf32, #tpu.memory_space<vmem>>
      %dma_wait3A_808 = arith.constant 0 : i32
      %dma_wait3A_809 = arith.constant 0 : i32
      %dma_wait3A_810 = tpu.memref_slice %arg5[%dma_wait3A_808, %dma_wait3A_809] : memref<32x1000000xf32, #tpu.memory_space<hbm>> -> memref<32x128xf32, #tpu.memory_space<hbm>>
      tpu.wait_dma2 semaphore(%arg13 : memref<!tpu.dma_semaphore, #tpu.memory_space<semaphore_mem>>) src(%dma_wait3A_810 : memref<32x128xf32, #tpu.memory_space<hbm>>) dst(%dma_wait3A_807 : memref<32x128xf32, #tpu.memory_space<vmem>>)
      %shift_right_arithmetic3A_811 = arith.constant 7 : i32
      %shift_right_arithmetic3A_812 = arith.shrsi %squeeze3A_35, %shift_right_arithmetic3A_811 : i32
      %shift_left3A_813 = arith.constant 7 : i32
      %shift_left3A_814 = arith.shli %shift_right_arithmetic3A_812, %shift_left3A_813 : i32
      %multiple_of3A_815 = tpu.assume_multiple %shift_left3A_814, 128 : i32
      %shift_right_arithmetic3A_816 = arith.constant 7 : i32
      %shift_right_arithmetic3A_817 = arith.shrsi %squeeze3A_67, %shift_right_arithmetic3A_816 : i32
      %shift_left3A_818 = arith.constant 7 : i32
      %shift_left3A_819 = arith.shli %shift_right_arithmetic3A_817, %shift_left3A_818 : i32
      %multiple_of3A_820 = tpu.assume_multiple %shift_left3A_819, 128 : i32
      %dma_start3A_821 = arith.constant 0 : i32
      %dma_start3A_822 = arith.constant 0 : i32
      %dma_start3A_823 = arith.constant 0 : i32
      %dma_start3A_824 = arith.constant 0 : i32
      %dma_start3A_825 = tpu.memref_slice %arg9[%dma_start3A_821, %dma_start3A_822, %dma_start3A_823, %dma_start3A_824] : memref<2x4x32x128xf32, #tpu.memory_space<vmem>> -> memref<1x1x32x128xf32, #tpu.memory_space<vmem>>
      %dma_start3A_826 = tpu.memref_squeeze %dma_start3A_825 : memref<1x1x32x128xf32, #tpu.memory_space<vmem>> -> memref<32x128xf32, #tpu.memory_space<vmem>>
      %dma_start3A_827 = arith.constant 0 : i32
      %dma_start3A_828 = tpu.memref_slice %arg4[%dma_start3A_827, %multiple_of3A_815] : memref<32x1000000xf32, #tpu.memory_space<hbm>> -> memref<32x128xf32, #tpu.memory_space<hbm>>
      %dma_start3A_829 = arith.constant 0 : i32
      %dma_start3A_830 = arith.constant 0 : i32
      %dma_start3A_831 = tpu.memref_slice %arg9[%dma_start3A_821, %dma_start3A_822, %dma_start3A_829, %dma_start3A_830] : memref<2x4x32x128xf32, #tpu.memory_space<vmem>> -> memref<1x1x32x128xf32, #tpu.memory_space<vmem>>
      %dma_start3A_832 = tpu.memref_squeeze %dma_start3A_831 : memref<1x1x32x128xf32, #tpu.memory_space<vmem>> -> memref<32x128xf32, #tpu.memory_space<vmem>>
      %dma_start3A_833 = arith.constant 0 : i32
      %dma_start3A_834 = tpu.memref_slice %arg4[%dma_start3A_833, %multiple_of3A_815] : memref<32x1000000xf32, #tpu.memory_space<hbm>> -> memref<32x128xf32, #tpu.memory_space<hbm>>
      tpu.enqueue_dma source(%dma_start3A_834 : memref<32x128xf32, #tpu.memory_space<hbm>>) target(%dma_start3A_832 : memref<32x128xf32, #tpu.memory_space<vmem>>) target_semaphore(%arg12 : memref<!tpu.dma_semaphore, #tpu.memory_space<semaphore_mem>>)
      %dma_start3A_835 = arith.constant 0 : i32
      %dma_start3A_836 = arith.constant 0 : i32
      %dma_start3A_837 = arith.constant 0 : i32
      %dma_start3A_838 = arith.constant 0 : i32
      %dma_start3A_839 = tpu.memref_slice %arg10[%dma_start3A_835, %dma_start3A_836, %dma_start3A_837, %dma_start3A_838] : memref<2x4x32x128xf32, #tpu.memory_space<vmem>> -> memref<1x1x32x128xf32, #tpu.memory_space<vmem>>
      %dma_start3A_840 = tpu.memref_squeeze %dma_start3A_839 : memref<1x1x32x128xf32, #tpu.memory_space<vmem>> -> memref<32x128xf32, #tpu.memory_space<vmem>>
      %dma_start3A_841 = arith.constant 0 : i32
      %dma_start3A_842 = tpu.memref_slice %arg5[%dma_start3A_841, %multiple_of3A_820] : memref<32x1000000xf32, #tpu.memory_space<hbm>> -> memref<32x128xf32, #tpu.memory_space<hbm>>
      %dma_start3A_843 = arith.constant 0 : i32
      %dma_start3A_844 = arith.constant 0 : i32
      %dma_start3A_845 = tpu.memref_slice %arg10[%dma_start3A_835, %dma_start3A_836, %dma_start3A_843, %dma_start3A_844] : memref<2x4x32x128xf32, #tpu.memory_space<vmem>> -> memref<1x1x32x128xf32, #tpu.memory_space<vmem>>
      %dma_start3A_846 = tpu.memref_squeeze %dma_start3A_845 : memref<1x1x32x128xf32, #tpu.memory_space<vmem>> -> memref<32x128xf32, #tpu.memory_space<vmem>>
      %dma_start3A_847 = arith.constant 0 : i32
      %dma_start3A_848 = tpu.memref_slice %arg5[%dma_start3A_847, %multiple_of3A_820] : memref<32x1000000xf32, #tpu.memory_space<hbm>> -> memref<32x128xf32, #tpu.memory_space<hbm>>
      tpu.enqueue_dma source(%dma_start3A_848 : memref<32x128xf32, #tpu.memory_space<hbm>>) target(%dma_start3A_846 : memref<32x128xf32, #tpu.memory_space<vmem>>) target_semaphore(%arg13 : memref<!tpu.dma_semaphore, #tpu.memory_space<semaphore_mem>>)
      %shift_right_arithmetic3A_849 = arith.constant 7 : i32
      %shift_right_arithmetic3A_850 = arith.shrsi %squeeze3A_37, %shift_right_arithmetic3A_849 : i32
      %shift_left3A_851 = arith.constant 7 : i32
      %shift_left3A_852 = arith.shli %shift_right_arithmetic3A_850, %shift_left3A_851 : i32
      %multiple_of3A_853 = tpu.assume_multiple %shift_left3A_852, 128 : i32
      %shift_right_arithmetic3A_854 = arith.constant 7 : i32
      %shift_right_arithmetic3A_855 = arith.shrsi %squeeze3A_69, %shift_right_arithmetic3A_854 : i32
      %shift_left3A_856 = arith.constant 7 : i32
      %shift_left3A_857 = arith.shli %shift_right_arithmetic3A_855, %shift_left3A_856 : i32
      %multiple_of3A_858 = tpu.assume_multiple %shift_left3A_857, 128 : i32
      %dma_start3A_859 = arith.constant 0 : i32
      %dma_start3A_860 = arith.constant 1 : i32
      %dma_start3A_861 = arith.constant 0 : i32
      %dma_start3A_862 = arith.constant 0 : i32
      %dma_start3A_863 = tpu.memref_slice %arg9[%dma_start3A_859, %dma_start3A_860, %dma_start3A_861, %dma_start3A_862] : memref<2x4x32x128xf32, #tpu.memory_space<vmem>> -> memref<1x1x32x128xf32, #tpu.memory_space<vmem>>
      %dma_start3A_864 = tpu.memref_squeeze %dma_start3A_863 : memref<1x1x32x128xf32, #tpu.memory_space<vmem>> -> memref<32x128xf32, #tpu.memory_space<vmem>>
      %dma_start3A_865 = arith.constant 0 : i32
      %dma_start3A_866 = tpu.memref_slice %arg4[%dma_start3A_865, %multiple_of3A_853] : memref<32x1000000xf32, #tpu.memory_space<hbm>> -> memref<32x128xf32, #tpu.memory_space<hbm>>
      %dma_start3A_867 = arith.constant 0 : i32
      %dma_start3A_868 = arith.constant 0 : i32
      %dma_start3A_869 = tpu.memref_slice %arg9[%dma_start3A_859, %dma_start3A_860, %dma_start3A_867, %dma_start3A_868] : memref<2x4x32x128xf32, #tpu.memory_space<vmem>> -> memref<1x1x32x128xf32, #tpu.memory_space<vmem>>
      %dma_start3A_870 = tpu.memref_squeeze %dma_start3A_869 : memref<1x1x32x128xf32, #tpu.memory_space<vmem>> -> memref<32x128xf32, #tpu.memory_space<vmem>>
      %dma_start3A_871 = arith.constant 0 : i32
      %dma_start3A_872 = tpu.memref_slice %arg4[%dma_start3A_871, %multiple_of3A_853] : memref<32x1000000xf32, #tpu.memory_space<hbm>> -> memref<32x128xf32, #tpu.memory_space<hbm>>
      tpu.enqueue_dma source(%dma_start3A_872 : memref<32x128xf32, #tpu.memory_space<hbm>>) target(%dma_start3A_870 : memref<32x128xf32, #tpu.memory_space<vmem>>) target_semaphore(%arg12 : memref<!tpu.dma_semaphore, #tpu.memory_space<semaphore_mem>>)
      %dma_start3A_873 = arith.constant 0 : i32
      %dma_start3A_874 = arith.constant 1 : i32
      %dma_start3A_875 = arith.constant 0 : i32
      %dma_start3A_876 = arith.constant 0 : i32
      %dma_start3A_877 = tpu.memref_slice %arg10[%dma_start3A_873, %dma_start3A_874, %dma_start3A_875, %dma_start3A_876] : memref<2x4x32x128xf32, #tpu.memory_space<vmem>> -> memref<1x1x32x128xf32, #tpu.memory_space<vmem>>
      %dma_start3A_878 = tpu.memref_squeeze %dma_start3A_877 : memref<1x1x32x128xf32, #tpu.memory_space<vmem>> -> memref<32x128xf32, #tpu.memory_space<vmem>>
      %dma_start3A_879 = arith.constant 0 : i32
      %dma_start3A_880 = tpu.memref_slice %arg5[%dma_start3A_879, %multiple_of3A_858] : memref<32x1000000xf32, #tpu.memory_space<hbm>> -> memref<32x128xf32, #tpu.memory_space<hbm>>
      %dma_start3A_881 = arith.constant 0 : i32
      %dma_start3A_882 = arith.constant 0 : i32
      %dma_start3A_883 = tpu.memref_slice %arg10[%dma_start3A_873, %dma_start3A_874, %dma_start3A_881, %dma_start3A_882] : memref<2x4x32x128xf32, #tpu.memory_space<vmem>> -> memref<1x1x32x128xf32, #tpu.memory_space<vmem>>
      %dma_start3A_884 = tpu.memref_squeeze %dma_start3A_883 : memref<1x1x32x128xf32, #tpu.memory_space<vmem>> -> memref<32x128xf32, #tpu.memory_space<vmem>>
      %dma_start3A_885 = arith.constant 0 : i32
      %dma_start3A_886 = tpu.memref_slice %arg5[%dma_start3A_885, %multiple_of3A_858] : memref<32x1000000xf32, #tpu.memory_space<hbm>> -> memref<32x128xf32, #tpu.memory_space<hbm>>
      tpu.enqueue_dma source(%dma_start3A_886 : memref<32x128xf32, #tpu.memory_space<hbm>>) target(%dma_start3A_884 : memref<32x128xf32, #tpu.memory_space<vmem>>) target_semaphore(%arg13 : memref<!tpu.dma_semaphore, #tpu.memory_space<semaphore_mem>>)
      %shift_right_arithmetic3A_887 = arith.constant 7 : i32
      %shift_right_arithmetic3A_888 = arith.shrsi %squeeze3A_39, %shift_right_arithmetic3A_887 : i32
      %shift_left3A_889 = arith.constant 7 : i32
      %shift_left3A_890 = arith.shli %shift_right_arithmetic3A_888, %shift_left3A_889 : i32
      %multiple_of3A_891 = tpu.assume_multiple %shift_left3A_890, 128 : i32
      %shift_right_arithmetic3A_892 = arith.constant 7 : i32
      %shift_right_arithmetic3A_893 = arith.shrsi %squeeze3A_71, %shift_right_arithmetic3A_892 : i32
      %shift_left3A_894 = arith.constant 7 : i32
      %shift_left3A_895 = arith.shli %shift_right_arithmetic3A_893, %shift_left3A_894 : i32
      %multiple_of3A_896 = tpu.assume_multiple %shift_left3A_895, 128 : i32
      %dma_start3A_897 = arith.constant 0 : i32
      %dma_start3A_898 = arith.constant 2 : i32
      %dma_start3A_899 = arith.constant 0 : i32
      %dma_start3A_900 = arith.constant 0 : i32
      %dma_start3A_901 = tpu.memref_slice %arg9[%dma_start3A_897, %dma_start3A_898, %dma_start3A_899, %dma_start3A_900] : memref<2x4x32x128xf32, #tpu.memory_space<vmem>> -> memref<1x1x32x128xf32, #tpu.memory_space<vmem>>
      %dma_start3A_902 = tpu.memref_squeeze %dma_start3A_901 : memref<1x1x32x128xf32, #tpu.memory_space<vmem>> -> memref<32x128xf32, #tpu.memory_space<vmem>>
      %dma_start3A_903 = arith.constant 0 : i32
      %dma_start3A_904 = tpu.memref_slice %arg4[%dma_start3A_903, %multiple_of3A_891] : memref<32x1000000xf32, #tpu.memory_space<hbm>> -> memref<32x128xf32, #tpu.memory_space<hbm>>
      %dma_start3A_905 = arith.constant 0 : i32
      %dma_start3A_906 = arith.constant 0 : i32
      %dma_start3A_907 = tpu.memref_slice %arg9[%dma_start3A_897, %dma_start3A_898, %dma_start3A_905, %dma_start3A_906] : memref<2x4x32x128xf32, #tpu.memory_space<vmem>> -> memref<1x1x32x128xf32, #tpu.memory_space<vmem>>
      %dma_start3A_908 = tpu.memref_squeeze %dma_start3A_907 : memref<1x1x32x128xf32, #tpu.memory_space<vmem>> -> memref<32x128xf32, #tpu.memory_space<vmem>>
      %dma_start3A_909 = arith.constant 0 : i32
      %dma_start3A_910 = tpu.memref_slice %arg4[%dma_start3A_909, %multiple_of3A_891] : memref<32x1000000xf32, #tpu.memory_space<hbm>> -> memref<32x128xf32, #tpu.memory_space<hbm>>
      tpu.enqueue_dma source(%dma_start3A_910 : memref<32x128xf32, #tpu.memory_space<hbm>>) target(%dma_start3A_908 : memref<32x128xf32, #tpu.memory_space<vmem>>) target_semaphore(%arg12 : memref<!tpu.dma_semaphore, #tpu.memory_space<semaphore_mem>>)
      %dma_start3A_911 = arith.constant 0 : i32
      %dma_start3A_912 = arith.constant 2 : i32
      %dma_start3A_913 = arith.constant 0 : i32
      %dma_start3A_914 = arith.constant 0 : i32
      %dma_start3A_915 = tpu.memref_slice %arg10[%dma_start3A_911, %dma_start3A_912, %dma_start3A_913, %dma_start3A_914] : memref<2x4x32x128xf32, #tpu.memory_space<vmem>> -> memref<1x1x32x128xf32, #tpu.memory_space<vmem>>
      %dma_start3A_916 = tpu.memref_squeeze %dma_start3A_915 : memref<1x1x32x128xf32, #tpu.memory_space<vmem>> -> memref<32x128xf32, #tpu.memory_space<vmem>>
      %dma_start3A_917 = arith.constant 0 : i32
      %dma_start3A_918 = tpu.memref_slice %arg5[%dma_start3A_917, %multiple_of3A_896] : memref<32x1000000xf32, #tpu.memory_space<hbm>> -> memref<32x128xf32, #tpu.memory_space<hbm>>
      %dma_start3A_919 = arith.constant 0 : i32
      %dma_start3A_920 = arith.constant 0 : i32
      %dma_start3A_921 = tpu.memref_slice %arg10[%dma_start3A_911, %dma_start3A_912, %dma_start3A_919, %dma_start3A_920] : memref<2x4x32x128xf32, #tpu.memory_space<vmem>> -> memref<1x1x32x128xf32, #tpu.memory_space<vmem>>
      %dma_start3A_922 = tpu.memref_squeeze %dma_start3A_921 : memref<1x1x32x128xf32, #tpu.memory_space<vmem>> -> memref<32x128xf32, #tpu.memory_space<vmem>>
      %dma_start3A_923 = arith.constant 0 : i32
      %dma_start3A_924 = tpu.memref_slice %arg5[%dma_start3A_923, %multiple_of3A_896] : memref<32x1000000xf32, #tpu.memory_space<hbm>> -> memref<32x128xf32, #tpu.memory_space<hbm>>
      tpu.enqueue_dma source(%dma_start3A_924 : memref<32x128xf32, #tpu.memory_space<hbm>>) target(%dma_start3A_922 : memref<32x128xf32, #tpu.memory_space<vmem>>) target_semaphore(%arg13 : memref<!tpu.dma_semaphore, #tpu.memory_space<semaphore_mem>>)
      %shift_right_arithmetic3A_925 = arith.constant 7 : i32
      %shift_right_arithmetic3A_926 = arith.shrsi %squeeze3A_41, %shift_right_arithmetic3A_925 : i32
      %shift_left3A_927 = arith.constant 7 : i32
      %shift_left3A_928 = arith.shli %shift_right_arithmetic3A_926, %shift_left3A_927 : i32
      %multiple_of3A_929 = tpu.assume_multiple %shift_left3A_928, 128 : i32
      %shift_right_arithmetic3A_930 = arith.constant 7 : i32
      %shift_right_arithmetic3A_931 = arith.shrsi %squeeze3A_73, %shift_right_arithmetic3A_930 : i32
      %shift_left3A_932 = arith.constant 7 : i32
      %shift_left3A_933 = arith.shli %shift_right_arithmetic3A_931, %shift_left3A_932 : i32
      %multiple_of3A_934 = tpu.assume_multiple %shift_left3A_933, 128 : i32
      %dma_start3A_935 = arith.constant 0 : i32
      %dma_start3A_936 = arith.constant 3 : i32
      %dma_start3A_937 = arith.constant 0 : i32
      %dma_start3A_938 = arith.constant 0 : i32
      %dma_start3A_939 = tpu.memref_slice %arg9[%dma_start3A_935, %dma_start3A_936, %dma_start3A_937, %dma_start3A_938] : memref<2x4x32x128xf32, #tpu.memory_space<vmem>> -> memref<1x1x32x128xf32, #tpu.memory_space<vmem>>
      %dma_start3A_940 = tpu.memref_squeeze %dma_start3A_939 : memref<1x1x32x128xf32, #tpu.memory_space<vmem>> -> memref<32x128xf32, #tpu.memory_space<vmem>>
      %dma_start3A_941 = arith.constant 0 : i32
      %dma_start3A_942 = tpu.memref_slice %arg4[%dma_start3A_941, %multiple_of3A_929] : memref<32x1000000xf32, #tpu.memory_space<hbm>> -> memref<32x128xf32, #tpu.memory_space<hbm>>
      %dma_start3A_943 = arith.constant 0 : i32
      %dma_start3A_944 = arith.constant 0 : i32
      %dma_start3A_945 = tpu.memref_slice %arg9[%dma_start3A_935, %dma_start3A_936, %dma_start3A_943, %dma_start3A_944] : memref<2x4x32x128xf32, #tpu.memory_space<vmem>> -> memref<1x1x32x128xf32, #tpu.memory_space<vmem>>
      %dma_start3A_946 = tpu.memref_squeeze %dma_start3A_945 : memref<1x1x32x128xf32, #tpu.memory_space<vmem>> -> memref<32x128xf32, #tpu.memory_space<vmem>>
      %dma_start3A_947 = arith.constant 0 : i32
      %dma_start3A_948 = tpu.memref_slice %arg4[%dma_start3A_947, %multiple_of3A_929] : memref<32x1000000xf32, #tpu.memory_space<hbm>> -> memref<32x128xf32, #tpu.memory_space<hbm>>
      tpu.enqueue_dma source(%dma_start3A_948 : memref<32x128xf32, #tpu.memory_space<hbm>>) target(%dma_start3A_946 : memref<32x128xf32, #tpu.memory_space<vmem>>) target_semaphore(%arg12 : memref<!tpu.dma_semaphore, #tpu.memory_space<semaphore_mem>>)
      %dma_start3A_949 = arith.constant 0 : i32
      %dma_start3A_950 = arith.constant 3 : i32
      %dma_start3A_951 = arith.constant 0 : i32
      %dma_start3A_952 = arith.constant 0 : i32
      %dma_start3A_953 = tpu.memref_slice %arg10[%dma_start3A_949, %dma_start3A_950, %dma_start3A_951, %dma_start3A_952] : memref<2x4x32x128xf32, #tpu.memory_space<vmem>> -> memref<1x1x32x128xf32, #tpu.memory_space<vmem>>
      %dma_start3A_954 = tpu.memref_squeeze %dma_start3A_953 : memref<1x1x32x128xf32, #tpu.memory_space<vmem>> -> memref<32x128xf32, #tpu.memory_space<vmem>>
      %dma_start3A_955 = arith.constant 0 : i32
      %dma_start3A_956 = tpu.memref_slice %arg5[%dma_start3A_955, %multiple_of3A_934] : memref<32x1000000xf32, #tpu.memory_space<hbm>> -> memref<32x128xf32, #tpu.memory_space<hbm>>
      %dma_start3A_957 = arith.constant 0 : i32
      %dma_start3A_958 = arith.constant 0 : i32
      %dma_start3A_959 = tpu.memref_slice %arg10[%dma_start3A_949, %dma_start3A_950, %dma_start3A_957, %dma_start3A_958] : memref<2x4x32x128xf32, #tpu.memory_space<vmem>> -> memref<1x1x32x128xf32, #tpu.memory_space<vmem>>
      %dma_start3A_960 = tpu.memref_squeeze %dma_start3A_959 : memref<1x1x32x128xf32, #tpu.memory_space<vmem>> -> memref<32x128xf32, #tpu.memory_space<vmem>>
      %dma_start3A_961 = arith.constant 0 : i32
      %dma_start3A_962 = tpu.memref_slice %arg5[%dma_start3A_961, %multiple_of3A_934] : memref<32x1000000xf32, #tpu.memory_space<hbm>> -> memref<32x128xf32, #tpu.memory_space<hbm>>
      tpu.enqueue_dma source(%dma_start3A_962 : memref<32x128xf32, #tpu.memory_space<hbm>>) target(%dma_start3A_960 : memref<32x128xf32, #tpu.memory_space<vmem>>) target_semaphore(%arg13 : memref<!tpu.dma_semaphore, #tpu.memory_space<semaphore_mem>>)
      %and3A_963 = arith.constant 127 : i32
      %and3A_964 = arith.andi %squeeze3A_27, %and3A_963 : i32
      %add3A_965 = vector.broadcast %and3A_964 : i32 to vector<16xi32>
      %add3A_966 = arith.addi %broadcast_in_dim3A_6, %add3A_965 : vector<16xi32>
      %and3A_967 = arith.constant 127 : i32
      %and3A_968 = arith.andi %squeeze3A_59, %and3A_967 : i32
      %add3A_969 = vector.broadcast %and3A_968 : i32 to vector<16xi32>
      %add3A_970 = arith.addi %broadcast_in_dim3A_6, %add3A_969 : vector<16xi32>
      %mul3A_971 = arith.constant 16 : i32
      %mul3A_972 = arith.muli %scan3A_12, %mul3A_971 : i32
      %add3A_973 = arith.constant 4 : i32
      %add3A_974 = arith.addi %mul3A_972, %add3A_973 : i32
      %add3A_975 = vector.broadcast %add3A_974 : i32 to vector<16xi32>
      %add3A_976 = arith.addi %broadcast_in_dim3A_6, %add3A_975 : vector<16xi32>
      %gather3A_977 = arith.constant 1 : i32
      %gather3A_978 = arith.constant 0 : i32
      %gather3A_979 = arith.constant 0 : i32
      %gather3A_980 = arith.constant 0 : i32
      %gather3A_981 = tpu.memref_slice %arg9[%gather3A_977, %gather3A_978, %gather3A_979, %gather3A_980] : memref<2x4x32x128xf32, #tpu.memory_space<vmem>> -> memref<1x1x32x128xf32, #tpu.memory_space<vmem>>
      %gather3A_982 = tpu.memref_squeeze %gather3A_981 : memref<1x1x32x128xf32, #tpu.memory_space<vmem>> -> memref<32x128xf32, #tpu.memory_space<vmem>>
      %gather3A_983 = tpu.vector_load_idx %gather3A_982[%iota3A, %add3A_966] : memref<32x128xf32, #tpu.memory_space<vmem>>[vector<16xi32>, vector<16xi32>], vector<16xf32>,
      %gather3A_984 = arith.constant 1 : i32
      %gather3A_985 = arith.constant 0 : i32
      %gather3A_986 = arith.constant 0 : i32
      %gather3A_987 = arith.constant 0 : i32
      %gather3A_988 = tpu.memref_slice %arg10[%gather3A_984, %gather3A_985, %gather3A_986, %gather3A_987] : memref<2x4x32x128xf32, #tpu.memory_space<vmem>> -> memref<1x1x32x128xf32, #tpu.memory_space<vmem>>
      %gather3A_989 = tpu.memref_squeeze %gather3A_988 : memref<1x1x32x128xf32, #tpu.memory_space<vmem>> -> memref<32x128xf32, #tpu.memory_space<vmem>>
      %gather3A_990 = tpu.vector_load_idx %gather3A_989[%iota3A, %add3A_970] : memref<32x128xf32, #tpu.memory_space<vmem>>[vector<16xi32>, vector<16xi32>], vector<16xf32>,
      %mul3A_991 = arith.mulf %gather3A_983, %gather3A_990 : vector<16xf32>
      tpu.vector_store_idx %arg11[%iota3A, %add3A_976], %mul3A_991 : memref<32x512xf32, #tpu.memory_space<vmem>>[vector<16xi32>, vector<16xi32>], vector<16xf32>,
      %gather3A_992 = arith.constant 1 : i32
      %gather3A_993 = arith.constant 0 : i32
      %gather3A_994 = arith.constant 0 : i32
      %gather3A_995 = arith.constant 0 : i32
      %gather3A_996 = tpu.memref_slice %arg9[%gather3A_992, %gather3A_993, %gather3A_994, %gather3A_995] : memref<2x4x32x128xf32, #tpu.memory_space<vmem>> -> memref<1x1x32x128xf32, #tpu.memory_space<vmem>>
      %gather3A_997 = tpu.memref_squeeze %gather3A_996 : memref<1x1x32x128xf32, #tpu.memory_space<vmem>> -> memref<32x128xf32, #tpu.memory_space<vmem>>
      %gather3A_998 = tpu.vector_load_idx %gather3A_997[%add3A_5, %add3A_966] : memref<32x128xf32, #tpu.memory_space<vmem>>[vector<16xi32>, vector<16xi32>], vector<16xf32>,
      %gather3A_999 = arith.constant 1 : i32
      %gather3A_1000 = arith.constant 0 : i32
      %gather3A_1001 = arith.constant 0 : i32
      %gather3A_1002 = arith.constant 0 : i32
      %gather3A_1003 = tpu.memref_slice %arg10[%gather3A_999, %gather3A_1000, %gather3A_1001, %gather3A_1002] : memref<2x4x32x128xf32, #tpu.memory_space<vmem>> -> memref<1x1x32x128xf32, #tpu.memory_space<vmem>>
      %gather3A_1004 = tpu.memref_squeeze %gather3A_1003 : memref<1x1x32x128xf32, #tpu.memory_space<vmem>> -> memref<32x128xf32, #tpu.memory_space<vmem>>
      %gather3A_1005 = tpu.vector_load_idx %gather3A_1004[%add3A_5, %add3A_970] : memref<32x128xf32, #tpu.memory_space<vmem>>[vector<16xi32>, vector<16xi32>], vector<16xf32>,
      %mul3A_1006 = arith.mulf %gather3A_998, %gather3A_1005 : vector<16xf32>
      tpu.vector_store_idx %arg11[%add3A_5, %add3A_976], %mul3A_1006 : memref<32x512xf32, #tpu.memory_space<vmem>>[vector<16xi32>, vector<16xi32>], vector<16xf32>,
      %and3A_1007 = arith.constant 127 : i32
      %and3A_1008 = arith.andi %squeeze3A_29, %and3A_1007 : i32
      %add3A_1009 = vector.broadcast %and3A_1008 : i32 to vector<16xi32>
      %add3A_1010 = arith.addi %broadcast_in_dim3A_6, %add3A_1009 : vector<16xi32>
      %and3A_1011 = arith.constant 127 : i32
      %and3A_1012 = arith.andi %squeeze3A_61, %and3A_1011 : i32
      %add3A_1013 = vector.broadcast %and3A_1012 : i32 to vector<16xi32>
      %add3A_1014 = arith.addi %broadcast_in_dim3A_6, %add3A_1013 : vector<16xi32>
      %mul3A_1015 = arith.constant 16 : i32
      %mul3A_1016 = arith.muli %scan3A_12, %mul3A_1015 : i32
      %add3A_1017 = arith.constant 5 : i32
      %add3A_1018 = arith.addi %mul3A_1016, %add3A_1017 : i32
      %add3A_1019 = vector.broadcast %add3A_1018 : i32 to vector<16xi32>
      %add3A_1020 = arith.addi %broadcast_in_dim3A_6, %add3A_1019 : vector<16xi32>
      %gather3A_1021 = arith.constant 1 : i32
      %gather3A_1022 = arith.constant 1 : i32
      %gather3A_1023 = arith.constant 0 : i32
      %gather3A_1024 = arith.constant 0 : i32
      %gather3A_1025 = tpu.memref_slice %arg9[%gather3A_1021, %gather3A_1022, %gather3A_1023, %gather3A_1024] : memref<2x4x32x128xf32, #tpu.memory_space<vmem>> -> memref<1x1x32x128xf32, #tpu.memory_space<vmem>>
      %gather3A_1026 = tpu.memref_squeeze %gather3A_1025 : memref<1x1x32x128xf32, #tpu.memory_space<vmem>> -> memref<32x128xf32, #tpu.memory_space<vmem>>
      %gather3A_1027 = tpu.vector_load_idx %gather3A_1026[%iota3A, %add3A_1010] : memref<32x128xf32, #tpu.memory_space<vmem>>[vector<16xi32>, vector<16xi32>], vector<16xf32>,
      %gather3A_1028 = arith.constant 1 : i32
      %gather3A_1029 = arith.constant 1 : i32
      %gather3A_1030 = arith.constant 0 : i32
      %gather3A_1031 = arith.constant 0 : i32
      %gather3A_1032 = tpu.memref_slice %arg10[%gather3A_1028, %gather3A_1029, %gather3A_1030, %gather3A_1031] : memref<2x4x32x128xf32, #tpu.memory_space<vmem>> -> memref<1x1x32x128xf32, #tpu.memory_space<vmem>>
      %gather3A_1033 = tpu.memref_squeeze %gather3A_1032 : memref<1x1x32x128xf32, #tpu.memory_space<vmem>> -> memref<32x128xf32, #tpu.memory_space<vmem>>
      %gather3A_1034 = tpu.vector_load_idx %gather3A_1033[%iota3A, %add3A_1014] : memref<32x128xf32, #tpu.memory_space<vmem>>[vector<16xi32>, vector<16xi32>], vector<16xf32>,
      %mul3A_1035 = arith.mulf %gather3A_1027, %gather3A_1034 : vector<16xf32>
      tpu.vector_store_idx %arg11[%iota3A, %add3A_1020], %mul3A_1035 : memref<32x512xf32, #tpu.memory_space<vmem>>[vector<16xi32>, vector<16xi32>], vector<16xf32>,
      %gather3A_1036 = arith.constant 1 : i32
      %gather3A_1037 = arith.constant 1 : i32
      %gather3A_1038 = arith.constant 0 : i32
      %gather3A_1039 = arith.constant 0 : i32
      %gather3A_1040 = tpu.memref_slice %arg9[%gather3A_1036, %gather3A_1037, %gather3A_1038, %gather3A_1039] : memref<2x4x32x128xf32, #tpu.memory_space<vmem>> -> memref<1x1x32x128xf32, #tpu.memory_space<vmem>>
      %gather3A_1041 = tpu.memref_squeeze %gather3A_1040 : memref<1x1x32x128xf32, #tpu.memory_space<vmem>> -> memref<32x128xf32, #tpu.memory_space<vmem>>
      %gather3A_1042 = tpu.vector_load_idx %gather3A_1041[%add3A_5, %add3A_1010] : memref<32x128xf32, #tpu.memory_space<vmem>>[vector<16xi32>, vector<16xi32>], vector<16xf32>,
      %gather3A_1043 = arith.constant 1 : i32
      %gather3A_1044 = arith.constant 1 : i32
      %gather3A_1045 = arith.constant 0 : i32
      %gather3A_1046 = arith.constant 0 : i32
      %gather3A_1047 = tpu.memref_slice %arg10[%gather3A_1043, %gather3A_1044, %gather3A_1045, %gather3A_1046] : memref<2x4x32x128xf32, #tpu.memory_space<vmem>> -> memref<1x1x32x128xf32, #tpu.memory_space<vmem>>
      %gather3A_1048 = tpu.memref_squeeze %gather3A_1047 : memref<1x1x32x128xf32, #tpu.memory_space<vmem>> -> memref<32x128xf32, #tpu.memory_space<vmem>>
      %gather3A_1049 = tpu.vector_load_idx %gather3A_1048[%add3A_5, %add3A_1014] : memref<32x128xf32, #tpu.memory_space<vmem>>[vector<16xi32>, vector<16xi32>], vector<16xf32>,
      %mul3A_1050 = arith.mulf %gather3A_1042, %gather3A_1049 : vector<16xf32>
      tpu.vector_store_idx %arg11[%add3A_5, %add3A_1020], %mul3A_1050 : memref<32x512xf32, #tpu.memory_space<vmem>>[vector<16xi32>, vector<16xi32>], vector<16xf32>,
      %and3A_1051 = arith.constant 127 : i32
      %and3A_1052 = arith.andi %squeeze3A_31, %and3A_1051 : i32
      %add3A_1053 = vector.broadcast %and3A_1052 : i32 to vector<16xi32>
      %add3A_1054 = arith.addi %broadcast_in_dim3A_6, %add3A_1053 : vector<16xi32>
      %and3A_1055 = arith.constant 127 : i32
      %and3A_1056 = arith.andi %squeeze3A_63, %and3A_1055 : i32
      %add3A_1057 = vector.broadcast %and3A_1056 : i32 to vector<16xi32>
      %add3A_1058 = arith.addi %broadcast_in_dim3A_6, %add3A_1057 : vector<16xi32>
      %mul3A_1059 = arith.constant 16 : i32
      %mul3A_1060 = arith.muli %scan3A_12, %mul3A_1059 : i32
      %add3A_1061 = arith.constant 6 : i32
      %add3A_1062 = arith.addi %mul3A_1060, %add3A_1061 : i32
      %add3A_1063 = vector.broadcast %add3A_1062 : i32 to vector<16xi32>
      %add3A_1064 = arith.addi %broadcast_in_dim3A_6, %add3A_1063 : vector<16xi32>
      %gather3A_1065 = arith.constant 1 : i32
      %gather3A_1066 = arith.constant 2 : i32
      %gather3A_1067 = arith.constant 0 : i32
      %gather3A_1068 = arith.constant 0 : i32
      %gather3A_1069 = tpu.memref_slice %arg9[%gather3A_1065, %gather3A_1066, %gather3A_1067, %gather3A_1068] : memref<2x4x32x128xf32, #tpu.memory_space<vmem>> -> memref<1x1x32x128xf32, #tpu.memory_space<vmem>>
      %gather3A_1070 = tpu.memref_squeeze %gather3A_1069 : memref<1x1x32x128xf32, #tpu.memory_space<vmem>> -> memref<32x128xf32, #tpu.memory_space<vmem>>
      %gather3A_1071 = tpu.vector_load_idx %gather3A_1070[%iota3A, %add3A_1054] : memref<32x128xf32, #tpu.memory_space<vmem>>[vector<16xi32>, vector<16xi32>], vector<16xf32>,
      %gather3A_1072 = arith.constant 1 : i32
      %gather3A_1073 = arith.constant 2 : i32
      %gather3A_1074 = arith.constant 0 : i32
      %gather3A_1075 = arith.constant 0 : i32
      %gather3A_1076 = tpu.memref_slice %arg10[%gather3A_1072, %gather3A_1073, %gather3A_1074, %gather3A_1075] : memref<2x4x32x128xf32, #tpu.memory_space<vmem>> -> memref<1x1x32x128xf32, #tpu.memory_space<vmem>>
      %gather3A_1077 = tpu.memref_squeeze %gather3A_1076 : memref<1x1x32x128xf32, #tpu.memory_space<vmem>> -> memref<32x128xf32, #tpu.memory_space<vmem>>
      %gather3A_1078 = tpu.vector_load_idx %gather3A_1077[%iota3A, %add3A_1058] : memref<32x128xf32, #tpu.memory_space<vmem>>[vector<16xi32>, vector<16xi32>], vector<16xf32>,
      %mul3A_1079 = arith.mulf %gather3A_1071, %gather3A_1078 : vector<16xf32>
      tpu.vector_store_idx %arg11[%iota3A, %add3A_1064], %mul3A_1079 : memref<32x512xf32, #tpu.memory_space<vmem>>[vector<16xi32>, vector<16xi32>], vector<16xf32>,
      %gather3A_1080 = arith.constant 1 : i32
      %gather3A_1081 = arith.constant 2 : i32
      %gather3A_1082 = arith.constant 0 : i32
      %gather3A_1083 = arith.constant 0 : i32
      %gather3A_1084 = tpu.memref_slice %arg9[%gather3A_1080, %gather3A_1081, %gather3A_1082, %gather3A_1083] : memref<2x4x32x128xf32, #tpu.memory_space<vmem>> -> memref<1x1x32x128xf32, #tpu.memory_space<vmem>>
      %gather3A_1085 = tpu.memref_squeeze %gather3A_1084 : memref<1x1x32x128xf32, #tpu.memory_space<vmem>> -> memref<32x128xf32, #tpu.memory_space<vmem>>
      %gather3A_1086 = tpu.vector_load_idx %gather3A_1085[%add3A_5, %add3A_1054] : memref<32x128xf32, #tpu.memory_space<vmem>>[vector<16xi32>, vector<16xi32>], vector<16xf32>,
      %gather3A_1087 = arith.constant 1 : i32
      %gather3A_1088 = arith.constant 2 : i32
      %gather3A_1089 = arith.constant 0 : i32
      %gather3A_1090 = arith.constant 0 : i32
      %gather3A_1091 = tpu.memref_slice %arg10[%gather3A_1087, %gather3A_1088, %gather3A_1089, %gather3A_1090] : memref<2x4x32x128xf32, #tpu.memory_space<vmem>> -> memref<1x1x32x128xf32, #tpu.memory_space<vmem>>
      %gather3A_1092 = tpu.memref_squeeze %gather3A_1091 : memref<1x1x32x128xf32, #tpu.memory_space<vmem>> -> memref<32x128xf32, #tpu.memory_space<vmem>>
      %gather3A_1093 = tpu.vector_load_idx %gather3A_1092[%add3A_5, %add3A_1058] : memref<32x128xf32, #tpu.memory_space<vmem>>[vector<16xi32>, vector<16xi32>], vector<16xf32>,
      %mul3A_1094 = arith.mulf %gather3A_1086, %gather3A_1093 : vector<16xf32>
      tpu.vector_store_idx %arg11[%add3A_5, %add3A_1064], %mul3A_1094 : memref<32x512xf32, #tpu.memory_space<vmem>>[vector<16xi32>, vector<16xi32>], vector<16xf32>,
      %and3A_1095 = arith.constant 127 : i32
      %and3A_1096 = arith.andi %squeeze3A_33, %and3A_1095 : i32
      %add3A_1097 = vector.broadcast %and3A_1096 : i32 to vector<16xi32>
      %add3A_1098 = arith.addi %broadcast_in_dim3A_6, %add3A_1097 : vector<16xi32>
      %and3A_1099 = arith.constant 127 : i32
      %and3A_1100 = arith.andi %squeeze3A_65, %and3A_1099 : i32
      %add3A_1101 = vector.broadcast %and3A_1100 : i32 to vector<16xi32>
      %add3A_1102 = arith.addi %broadcast_in_dim3A_6, %add3A_1101 : vector<16xi32>
      %mul3A_1103 = arith.constant 16 : i32
      %mul3A_1104 = arith.muli %scan3A_12, %mul3A_1103 : i32
      %add3A_1105 = arith.constant 7 : i32
      %add3A_1106 = arith.addi %mul3A_1104, %add3A_1105 : i32
      %add3A_1107 = vector.broadcast %add3A_1106 : i32 to vector<16xi32>
      %add3A_1108 = arith.addi %broadcast_in_dim3A_6, %add3A_1107 : vector<16xi32>
      %gather3A_1109 = arith.constant 1 : i32
      %gather3A_1110 = arith.constant 3 : i32
      %gather3A_1111 = arith.constant 0 : i32
      %gather3A_1112 = arith.constant 0 : i32
      %gather3A_1113 = tpu.memref_slice %arg9[%gather3A_1109, %gather3A_1110, %gather3A_1111, %gather3A_1112] : memref<2x4x32x128xf32, #tpu.memory_space<vmem>> -> memref<1x1x32x128xf32, #tpu.memory_space<vmem>>
      %gather3A_1114 = tpu.memref_squeeze %gather3A_1113 : memref<1x1x32x128xf32, #tpu.memory_space<vmem>> -> memref<32x128xf32, #tpu.memory_space<vmem>>
      %gather3A_1115 = tpu.vector_load_idx %gather3A_1114[%iota3A, %add3A_1098] : memref<32x128xf32, #tpu.memory_space<vmem>>[vector<16xi32>, vector<16xi32>], vector<16xf32>,
      %gather3A_1116 = arith.constant 1 : i32
      %gather3A_1117 = arith.constant 3 : i32
      %gather3A_1118 = arith.constant 0 : i32
      %gather3A_1119 = arith.constant 0 : i32
      %gather3A_1120 = tpu.memref_slice %arg10[%gather3A_1116, %gather3A_1117, %gather3A_1118, %gather3A_1119] : memref<2x4x32x128xf32, #tpu.memory_space<vmem>> -> memref<1x1x32x128xf32, #tpu.memory_space<vmem>>
      %gather3A_1121 = tpu.memref_squeeze %gather3A_1120 : memref<1x1x32x128xf32, #tpu.memory_space<vmem>> -> memref<32x128xf32, #tpu.memory_space<vmem>>
      %gather3A_1122 = tpu.vector_load_idx %gather3A_1121[%iota3A, %add3A_1102] : memref<32x128xf32, #tpu.memory_space<vmem>>[vector<16xi32>, vector<16xi32>], vector<16xf32>,
      %mul3A_1123 = arith.mulf %gather3A_1115, %gather3A_1122 : vector<16xf32>
      tpu.vector_store_idx %arg11[%iota3A, %add3A_1108], %mul3A_1123 : memref<32x512xf32, #tpu.memory_space<vmem>>[vector<16xi32>, vector<16xi32>], vector<16xf32>,
      %gather3A_1124 = arith.constant 1 : i32
      %gather3A_1125 = arith.constant 3 : i32
      %gather3A_1126 = arith.constant 0 : i32
      %gather3A_1127 = arith.constant 0 : i32
      %gather3A_1128 = tpu.memref_slice %arg9[%gather3A_1124, %gather3A_1125, %gather3A_1126, %gather3A_1127] : memref<2x4x32x128xf32, #tpu.memory_space<vmem>> -> memref<1x1x32x128xf32, #tpu.memory_space<vmem>>
      %gather3A_1129 = tpu.memref_squeeze %gather3A_1128 : memref<1x1x32x128xf32, #tpu.memory_space<vmem>> -> memref<32x128xf32, #tpu.memory_space<vmem>>
      %gather3A_1130 = tpu.vector_load_idx %gather3A_1129[%add3A_5, %add3A_1098] : memref<32x128xf32, #tpu.memory_space<vmem>>[vector<16xi32>, vector<16xi32>], vector<16xf32>,
      %gather3A_1131 = arith.constant 1 : i32
      %gather3A_1132 = arith.constant 3 : i32
      %gather3A_1133 = arith.constant 0 : i32
      %gather3A_1134 = arith.constant 0 : i32
      %gather3A_1135 = tpu.memref_slice %arg10[%gather3A_1131, %gather3A_1132, %gather3A_1133, %gather3A_1134] : memref<2x4x32x128xf32, #tpu.memory_space<vmem>> -> memref<1x1x32x128xf32, #tpu.memory_space<vmem>>
      %gather3A_1136 = tpu.memref_squeeze %gather3A_1135 : memref<1x1x32x128xf32, #tpu.memory_space<vmem>> -> memref<32x128xf32, #tpu.memory_space<vmem>>
      %gather3A_1137 = tpu.vector_load_idx %gather3A_1136[%add3A_5, %add3A_1102] : memref<32x128xf32, #tpu.memory_space<vmem>>[vector<16xi32>, vector<16xi32>], vector<16xf32>,
      %mul3A_1138 = arith.mulf %gather3A_1130, %gather3A_1137 : vector<16xf32>
      tpu.vector_store_idx %arg11[%add3A_5, %add3A_1108], %mul3A_1138 : memref<32x512xf32, #tpu.memory_space<vmem>>[vector<16xi32>, vector<16xi32>], vector<16xf32>,
      %dma_wait3A_1139 = arith.constant 0 : i32
      %dma_wait3A_1140 = arith.constant 0 : i32
      %dma_wait3A_1141 = arith.constant 0 : i32
      %dma_wait3A_1142 = arith.constant 0 : i32
      %dma_wait3A_1143 = tpu.memref_slice %arg9[%dma_wait3A_1139, %dma_wait3A_1140, %dma_wait3A_1141, %dma_wait3A_1142] : memref<2x4x32x128xf32, #tpu.memory_space<vmem>> -> memref<1x1x32x128xf32, #tpu.memory_space<vmem>>
      %dma_wait3A_1144 = tpu.memref_squeeze %dma_wait3A_1143 : memref<1x1x32x128xf32, #tpu.memory_space<vmem>> -> memref<32x128xf32, #tpu.memory_space<vmem>>
      %dma_wait3A_1145 = arith.constant 0 : i32
      %dma_wait3A_1146 = arith.constant 0 : i32
      %dma_wait3A_1147 = tpu.memref_slice %arg4[%dma_wait3A_1145, %dma_wait3A_1146] : memref<32x1000000xf32, #tpu.memory_space<hbm>> -> memref<32x128xf32, #tpu.memory_space<hbm>>
      %dma_wait3A_1148 = arith.constant 0 : i32
      %dma_wait3A_1149 = arith.constant 0 : i32
      %dma_wait3A_1150 = tpu.memref_slice %arg9[%dma_wait3A_1139, %dma_wait3A_1140, %dma_wait3A_1148, %dma_wait3A_1149] : memref<2x4x32x128xf32, #tpu.memory_space<vmem>> -> memref<1x1x32x128xf32, #tpu.memory_space<vmem>>
      %dma_wait3A_1151 = tpu.memref_squeeze %dma_wait3A_1150 : memref<1x1x32x128xf32, #tpu.memory_space<vmem>> -> memref<32x128xf32, #tpu.memory_space<vmem>>
      %dma_wait3A_1152 = arith.constant 0 : i32
      %dma_wait3A_1153 = arith.constant 0 : i32
      %dma_wait3A_1154 = tpu.memref_slice %arg4[%dma_wait3A_1152, %dma_wait3A_1153] : memref<32x1000000xf32, #tpu.memory_space<hbm>> -> memref<32x128xf32, #tpu.memory_space<hbm>>
      tpu.wait_dma2 semaphore(%arg12 : memref<!tpu.dma_semaphore, #tpu.memory_space<semaphore_mem>>) src(%dma_wait3A_1154 : memref<32x128xf32, #tpu.memory_space<hbm>>) dst(%dma_wait3A_1151 : memref<32x128xf32, #tpu.memory_space<vmem>>)
      %dma_wait3A_1155 = arith.constant 0 : i32
      %dma_wait3A_1156 = arith.constant 0 : i32
      %dma_wait3A_1157 = arith.constant 0 : i32
      %dma_wait3A_1158 = arith.constant 0 : i32
      %dma_wait3A_1159 = tpu.memref_slice %arg10[%dma_wait3A_1155, %dma_wait3A_1156, %dma_wait3A_1157, %dma_wait3A_1158] : memref<2x4x32x128xf32, #tpu.memory_space<vmem>> -> memref<1x1x32x128xf32, #tpu.memory_space<vmem>>
      %dma_wait3A_1160 = tpu.memref_squeeze %dma_wait3A_1159 : memref<1x1x32x128xf32, #tpu.memory_space<vmem>> -> memref<32x128xf32, #tpu.memory_space<vmem>>
      %dma_wait3A_1161 = arith.constant 0 : i32
      %dma_wait3A_1162 = arith.constant 0 : i32
      %dma_wait3A_1163 = tpu.memref_slice %arg5[%dma_wait3A_1161, %dma_wait3A_1162] : memref<32x1000000xf32, #tpu.memory_space<hbm>> -> memref<32x128xf32, #tpu.memory_space<hbm>>
      %dma_wait3A_1164 = arith.constant 0 : i32
      %dma_wait3A_1165 = arith.constant 0 : i32
      %dma_wait3A_1166 = tpu.memref_slice %arg10[%dma_wait3A_1155, %dma_wait3A_1156, %dma_wait3A_1164, %dma_wait3A_1165] : memref<2x4x32x128xf32, #tpu.memory_space<vmem>> -> memref<1x1x32x128xf32, #tpu.memory_space<vmem>>
      %dma_wait3A_1167 = tpu.memref_squeeze %dma_wait3A_1166 : memref<1x1x32x128xf32, #tpu.memory_space<vmem>> -> memref<32x128xf32, #tpu.memory_space<vmem>>
      %dma_wait3A_1168 = arith.constant 0 : i32
      %dma_wait3A_1169 = arith.constant 0 : i32
      %dma_wait3A_1170 = tpu.memref_slice %arg5[%dma_wait3A_1168, %dma_wait3A_1169] : memref<32x1000000xf32, #tpu.memory_space<hbm>> -> memref<32x128xf32, #tpu.memory_space<hbm>>
      tpu.wait_dma2 semaphore(%arg13 : memref<!tpu.dma_semaphore, #tpu.memory_space<semaphore_mem>>) src(%dma_wait3A_1170 : memref<32x128xf32, #tpu.memory_space<hbm>>) dst(%dma_wait3A_1167 : memref<32x128xf32, #tpu.memory_space<vmem>>)
      %dma_wait3A_1171 = arith.constant 0 : i32
      %dma_wait3A_1172 = arith.constant 1 : i32
      %dma_wait3A_1173 = arith.constant 0 : i32
      %dma_wait3A_1174 = arith.constant 0 : i32
      %dma_wait3A_1175 = tpu.memref_slice %arg9[%dma_wait3A_1171, %dma_wait3A_1172, %dma_wait3A_1173, %dma_wait3A_1174] : memref<2x4x32x128xf32, #tpu.memory_space<vmem>> -> memref<1x1x32x128xf32, #tpu.memory_space<vmem>>
      %dma_wait3A_1176 = tpu.memref_squeeze %dma_wait3A_1175 : memref<1x1x32x128xf32, #tpu.memory_space<vmem>> -> memref<32x128xf32, #tpu.memory_space<vmem>>
      %dma_wait3A_1177 = arith.constant 0 : i32
      %dma_wait3A_1178 = arith.constant 0 : i32
      %dma_wait3A_1179 = tpu.memref_slice %arg4[%dma_wait3A_1177, %dma_wait3A_1178] : memref<32x1000000xf32, #tpu.memory_space<hbm>> -> memref<32x128xf32, #tpu.memory_space<hbm>>
      %dma_wait3A_1180 = arith.constant 0 : i32
      %dma_wait3A_1181 = arith.constant 0 : i32
      %dma_wait3A_1182 = tpu.memref_slice %arg9[%dma_wait3A_1171, %dma_wait3A_1172, %dma_wait3A_1180, %dma_wait3A_1181] : memref<2x4x32x128xf32, #tpu.memory_space<vmem>> -> memref<1x1x32x128xf32, #tpu.memory_space<vmem>>
      %dma_wait3A_1183 = tpu.memref_squeeze %dma_wait3A_1182 : memref<1x1x32x128xf32, #tpu.memory_space<vmem>> -> memref<32x128xf32, #tpu.memory_space<vmem>>
      %dma_wait3A_1184 = arith.constant 0 : i32
      %dma_wait3A_1185 = arith.constant 0 : i32
      %dma_wait3A_1186 = tpu.memref_slice %arg4[%dma_wait3A_1184, %dma_wait3A_1185] : memref<32x1000000xf32, #tpu.memory_space<hbm>> -> memref<32x128xf32, #tpu.memory_space<hbm>>
      tpu.wait_dma2 semaphore(%arg12 : memref<!tpu.dma_semaphore, #tpu.memory_space<semaphore_mem>>) src(%dma_wait3A_1186 : memref<32x128xf32, #tpu.memory_space<hbm>>) dst(%dma_wait3A_1183 : memref<32x128xf32, #tpu.memory_space<vmem>>)
      %dma_wait3A_1187 = arith.constant 0 : i32
      %dma_wait3A_1188 = arith.constant 1 : i32
      %dma_wait3A_1189 = arith.constant 0 : i32
      %dma_wait3A_1190 = arith.constant 0 : i32
      %dma_wait3A_1191 = tpu.memref_slice %arg10[%dma_wait3A_1187, %dma_wait3A_1188, %dma_wait3A_1189, %dma_wait3A_1190] : memref<2x4x32x128xf32, #tpu.memory_space<vmem>> -> memref<1x1x32x128xf32, #tpu.memory_space<vmem>>
      %dma_wait3A_1192 = tpu.memref_squeeze %dma_wait3A_1191 : memref<1x1x32x128xf32, #tpu.memory_space<vmem>> -> memref<32x128xf32, #tpu.memory_space<vmem>>
      %dma_wait3A_1193 = arith.constant 0 : i32
      %dma_wait3A_1194 = arith.constant 0 : i32
      %dma_wait3A_1195 = tpu.memref_slice %arg5[%dma_wait3A_1193, %dma_wait3A_1194] : memref<32x1000000xf32, #tpu.memory_space<hbm>> -> memref<32x128xf32, #tpu.memory_space<hbm>>
      %dma_wait3A_1196 = arith.constant 0 : i32
      %dma_wait3A_1197 = arith.constant 0 : i32
      %dma_wait3A_1198 = tpu.memref_slice %arg10[%dma_wait3A_1187, %dma_wait3A_1188, %dma_wait3A_1196, %dma_wait3A_1197] : memref<2x4x32x128xf32, #tpu.memory_space<vmem>> -> memref<1x1x32x128xf32, #tpu.memory_space<vmem>>
      %dma_wait3A_1199 = tpu.memref_squeeze %dma_wait3A_1198 : memref<1x1x32x128xf32, #tpu.memory_space<vmem>> -> memref<32x128xf32, #tpu.memory_space<vmem>>
      %dma_wait3A_1200 = arith.constant 0 : i32
      %dma_wait3A_1201 = arith.constant 0 : i32
      %dma_wait3A_1202 = tpu.memref_slice %arg5[%dma_wait3A_1200, %dma_wait3A_1201] : memref<32x1000000xf32, #tpu.memory_space<hbm>> -> memref<32x128xf32, #tpu.memory_space<hbm>>
      tpu.wait_dma2 semaphore(%arg13 : memref<!tpu.dma_semaphore, #tpu.memory_space<semaphore_mem>>) src(%dma_wait3A_1202 : memref<32x128xf32, #tpu.memory_space<hbm>>) dst(%dma_wait3A_1199 : memref<32x128xf32, #tpu.memory_space<vmem>>)
      %dma_wait3A_1203 = arith.constant 0 : i32
      %dma_wait3A_1204 = arith.constant 2 : i32
      %dma_wait3A_1205 = arith.constant 0 : i32
      %dma_wait3A_1206 = arith.constant 0 : i32
      %dma_wait3A_1207 = tpu.memref_slice %arg9[%dma_wait3A_1203, %dma_wait3A_1204, %dma_wait3A_1205, %dma_wait3A_1206] : memref<2x4x32x128xf32, #tpu.memory_space<vmem>> -> memref<1x1x32x128xf32, #tpu.memory_space<vmem>>
      %dma_wait3A_1208 = tpu.memref_squeeze %dma_wait3A_1207 : memref<1x1x32x128xf32, #tpu.memory_space<vmem>> -> memref<32x128xf32, #tpu.memory_space<vmem>>
      %dma_wait3A_1209 = arith.constant 0 : i32
      %dma_wait3A_1210 = arith.constant 0 : i32
      %dma_wait3A_1211 = tpu.memref_slice %arg4[%dma_wait3A_1209, %dma_wait3A_1210] : memref<32x1000000xf32, #tpu.memory_space<hbm>> -> memref<32x128xf32, #tpu.memory_space<hbm>>
      %dma_wait3A_1212 = arith.constant 0 : i32
      %dma_wait3A_1213 = arith.constant 0 : i32
      %dma_wait3A_1214 = tpu.memref_slice %arg9[%dma_wait3A_1203, %dma_wait3A_1204, %dma_wait3A_1212, %dma_wait3A_1213] : memref<2x4x32x128xf32, #tpu.memory_space<vmem>> -> memref<1x1x32x128xf32, #tpu.memory_space<vmem>>
      %dma_wait3A_1215 = tpu.memref_squeeze %dma_wait3A_1214 : memref<1x1x32x128xf32, #tpu.memory_space<vmem>> -> memref<32x128xf32, #tpu.memory_space<vmem>>
      %dma_wait3A_1216 = arith.constant 0 : i32
      %dma_wait3A_1217 = arith.constant 0 : i32
      %dma_wait3A_1218 = tpu.memref_slice %arg4[%dma_wait3A_1216, %dma_wait3A_1217] : memref<32x1000000xf32, #tpu.memory_space<hbm>> -> memref<32x128xf32, #tpu.memory_space<hbm>>
      tpu.wait_dma2 semaphore(%arg12 : memref<!tpu.dma_semaphore, #tpu.memory_space<semaphore_mem>>) src(%dma_wait3A_1218 : memref<32x128xf32, #tpu.memory_space<hbm>>) dst(%dma_wait3A_1215 : memref<32x128xf32, #tpu.memory_space<vmem>>)
      %dma_wait3A_1219 = arith.constant 0 : i32
      %dma_wait3A_1220 = arith.constant 2 : i32
      %dma_wait3A_1221 = arith.constant 0 : i32
      %dma_wait3A_1222 = arith.constant 0 : i32
      %dma_wait3A_1223 = tpu.memref_slice %arg10[%dma_wait3A_1219, %dma_wait3A_1220, %dma_wait3A_1221, %dma_wait3A_1222] : memref<2x4x32x128xf32, #tpu.memory_space<vmem>> -> memref<1x1x32x128xf32, #tpu.memory_space<vmem>>
      %dma_wait3A_1224 = tpu.memref_squeeze %dma_wait3A_1223 : memref<1x1x32x128xf32, #tpu.memory_space<vmem>> -> memref<32x128xf32, #tpu.memory_space<vmem>>
      %dma_wait3A_1225 = arith.constant 0 : i32
      %dma_wait3A_1226 = arith.constant 0 : i32
      %dma_wait3A_1227 = tpu.memref_slice %arg5[%dma_wait3A_1225, %dma_wait3A_1226] : memref<32x1000000xf32, #tpu.memory_space<hbm>> -> memref<32x128xf32, #tpu.memory_space<hbm>>
      %dma_wait3A_1228 = arith.constant 0 : i32
      %dma_wait3A_1229 = arith.constant 0 : i32
      %dma_wait3A_1230 = tpu.memref_slice %arg10[%dma_wait3A_1219, %dma_wait3A_1220, %dma_wait3A_1228, %dma_wait3A_1229] : memref<2x4x32x128xf32, #tpu.memory_space<vmem>> -> memref<1x1x32x128xf32, #tpu.memory_space<vmem>>
      %dma_wait3A_1231 = tpu.memref_squeeze %dma_wait3A_1230 : memref<1x1x32x128xf32, #tpu.memory_space<vmem>> -> memref<32x128xf32, #tpu.memory_space<vmem>>
      %dma_wait3A_1232 = arith.constant 0 : i32
      %dma_wait3A_1233 = arith.constant 0 : i32
      %dma_wait3A_1234 = tpu.memref_slice %arg5[%dma_wait3A_1232, %dma_wait3A_1233] : memref<32x1000000xf32, #tpu.memory_space<hbm>> -> memref<32x128xf32, #tpu.memory_space<hbm>>
      tpu.wait_dma2 semaphore(%arg13 : memref<!tpu.dma_semaphore, #tpu.memory_space<semaphore_mem>>) src(%dma_wait3A_1234 : memref<32x128xf32, #tpu.memory_space<hbm>>) dst(%dma_wait3A_1231 : memref<32x128xf32, #tpu.memory_space<vmem>>)
      %dma_wait3A_1235 = arith.constant 0 : i32
      %dma_wait3A_1236 = arith.constant 3 : i32
      %dma_wait3A_1237 = arith.constant 0 : i32
      %dma_wait3A_1238 = arith.constant 0 : i32
      %dma_wait3A_1239 = tpu.memref_slice %arg9[%dma_wait3A_1235, %dma_wait3A_1236, %dma_wait3A_1237, %dma_wait3A_1238] : memref<2x4x32x128xf32, #tpu.memory_space<vmem>> -> memref<1x1x32x128xf32, #tpu.memory_space<vmem>>
      %dma_wait3A_1240 = tpu.memref_squeeze %dma_wait3A_1239 : memref<1x1x32x128xf32, #tpu.memory_space<vmem>> -> memref<32x128xf32, #tpu.memory_space<vmem>>
      %dma_wait3A_1241 = arith.constant 0 : i32
      %dma_wait3A_1242 = arith.constant 0 : i32
      %dma_wait3A_1243 = tpu.memref_slice %arg4[%dma_wait3A_1241, %dma_wait3A_1242] : memref<32x1000000xf32, #tpu.memory_space<hbm>> -> memref<32x128xf32, #tpu.memory_space<hbm>>
      %dma_wait3A_1244 = arith.constant 0 : i32
      %dma_wait3A_1245 = arith.constant 0 : i32
      %dma_wait3A_1246 = tpu.memref_slice %arg9[%dma_wait3A_1235, %dma_wait3A_1236, %dma_wait3A_1244, %dma_wait3A_1245] : memref<2x4x32x128xf32, #tpu.memory_space<vmem>> -> memref<1x1x32x128xf32, #tpu.memory_space<vmem>>
      %dma_wait3A_1247 = tpu.memref_squeeze %dma_wait3A_1246 : memref<1x1x32x128xf32, #tpu.memory_space<vmem>> -> memref<32x128xf32, #tpu.memory_space<vmem>>
      %dma_wait3A_1248 = arith.constant 0 : i32
      %dma_wait3A_1249 = arith.constant 0 : i32
      %dma_wait3A_1250 = tpu.memref_slice %arg4[%dma_wait3A_1248, %dma_wait3A_1249] : memref<32x1000000xf32, #tpu.memory_space<hbm>> -> memref<32x128xf32, #tpu.memory_space<hbm>>
      tpu.wait_dma2 semaphore(%arg12 : memref<!tpu.dma_semaphore, #tpu.memory_space<semaphore_mem>>) src(%dma_wait3A_1250 : memref<32x128xf32, #tpu.memory_space<hbm>>) dst(%dma_wait3A_1247 : memref<32x128xf32, #tpu.memory_space<vmem>>)
      %dma_wait3A_1251 = arith.constant 0 : i32
      %dma_wait3A_1252 = arith.constant 3 : i32
      %dma_wait3A_1253 = arith.constant 0 : i32
      %dma_wait3A_1254 = arith.constant 0 : i32
      %dma_wait3A_1255 = tpu.memref_slice %arg10[%dma_wait3A_1251, %dma_wait3A_1252, %dma_wait3A_1253, %dma_wait3A_1254] : memref<2x4x32x128xf32, #tpu.memory_space<vmem>> -> memref<1x1x32x128xf32, #tpu.memory_space<vmem>>
      %dma_wait3A_1256 = tpu.memref_squeeze %dma_wait3A_1255 : memref<1x1x32x128xf32, #tpu.memory_space<vmem>> -> memref<32x128xf32, #tpu.memory_space<vmem>>
      %dma_wait3A_1257 = arith.constant 0 : i32
      %dma_wait3A_1258 = arith.constant 0 : i32
      %dma_wait3A_1259 = tpu.memref_slice %arg5[%dma_wait3A_1257, %dma_wait3A_1258] : memref<32x1000000xf32, #tpu.memory_space<hbm>> -> memref<32x128xf32, #tpu.memory_space<hbm>>
      %dma_wait3A_1260 = arith.constant 0 : i32
      %dma_wait3A_1261 = arith.constant 0 : i32
      %dma_wait3A_1262 = tpu.memref_slice %arg10[%dma_wait3A_1251, %dma_wait3A_1252, %dma_wait3A_1260, %dma_wait3A_1261] : memref<2x4x32x128xf32, #tpu.memory_space<vmem>> -> memref<1x1x32x128xf32, #tpu.memory_space<vmem>>
      %dma_wait3A_1263 = tpu.memref_squeeze %dma_wait3A_1262 : memref<1x1x32x128xf32, #tpu.memory_space<vmem>> -> memref<32x128xf32, #tpu.memory_space<vmem>>
      %dma_wait3A_1264 = arith.constant 0 : i32
      %dma_wait3A_1265 = arith.constant 0 : i32
      %dma_wait3A_1266 = tpu.memref_slice %arg5[%dma_wait3A_1264, %dma_wait3A_1265] : memref<32x1000000xf32, #tpu.memory_space<hbm>> -> memref<32x128xf32, #tpu.memory_space<hbm>>
      tpu.wait_dma2 semaphore(%arg13 : memref<!tpu.dma_semaphore, #tpu.memory_space<semaphore_mem>>) src(%dma_wait3A_1266 : memref<32x128xf32, #tpu.memory_space<hbm>>) dst(%dma_wait3A_1263 : memref<32x128xf32, #tpu.memory_space<vmem>>)
      %shift_right_arithmetic3A_1267 = arith.constant 7 : i32
      %shift_right_arithmetic3A_1268 = arith.shrsi %squeeze3A_43, %shift_right_arithmetic3A_1267 : i32
      %shift_left3A_1269 = arith.constant 7 : i32
      %shift_left3A_1270 = arith.shli %shift_right_arithmetic3A_1268, %shift_left3A_1269 : i32
      %multiple_of3A_1271 = tpu.assume_multiple %shift_left3A_1270, 128 : i32
      %shift_right_arithmetic3A_1272 = arith.constant 7 : i32
      %shift_right_arithmetic3A_1273 = arith.shrsi %squeeze3A_75, %shift_right_arithmetic3A_1272 : i32
      %shift_left3A_1274 = arith.constant 7 : i32
      %shift_left3A_1275 = arith.shli %shift_right_arithmetic3A_1273, %shift_left3A_1274 : i32
      %multiple_of3A_1276 = tpu.assume_multiple %shift_left3A_1275, 128 : i32
      %dma_start3A_1277 = arith.constant 1 : i32
      %dma_start3A_1278 = arith.constant 0 : i32
      %dma_start3A_1279 = arith.constant 0 : i32
      %dma_start3A_1280 = arith.constant 0 : i32
      %dma_start3A_1281 = tpu.memref_slice %arg9[%dma_start3A_1277, %dma_start3A_1278, %dma_start3A_1279, %dma_start3A_1280] : memref<2x4x32x128xf32, #tpu.memory_space<vmem>> -> memref<1x1x32x128xf32, #tpu.memory_space<vmem>>
      %dma_start3A_1282 = tpu.memref_squeeze %dma_start3A_1281 : memref<1x1x32x128xf32, #tpu.memory_space<vmem>> -> memref<32x128xf32, #tpu.memory_space<vmem>>
      %dma_start3A_1283 = arith.constant 0 : i32
      %dma_start3A_1284 = tpu.memref_slice %arg4[%dma_start3A_1283, %multiple_of3A_1271] : memref<32x1000000xf32, #tpu.memory_space<hbm>> -> memref<32x128xf32, #tpu.memory_space<hbm>>
      %dma_start3A_1285 = arith.constant 0 : i32
      %dma_start3A_1286 = arith.constant 0 : i32
      %dma_start3A_1287 = tpu.memref_slice %arg9[%dma_start3A_1277, %dma_start3A_1278, %dma_start3A_1285, %dma_start3A_1286] : memref<2x4x32x128xf32, #tpu.memory_space<vmem>> -> memref<1x1x32x128xf32, #tpu.memory_space<vmem>>
      %dma_start3A_1288 = tpu.memref_squeeze %dma_start3A_1287 : memref<1x1x32x128xf32, #tpu.memory_space<vmem>> -> memref<32x128xf32, #tpu.memory_space<vmem>>
      %dma_start3A_1289 = arith.constant 0 : i32
      %dma_start3A_1290 = tpu.memref_slice %arg4[%dma_start3A_1289, %multiple_of3A_1271] : memref<32x1000000xf32, #tpu.memory_space<hbm>> -> memref<32x128xf32, #tpu.memory_space<hbm>>
      tpu.enqueue_dma source(%dma_start3A_1290 : memref<32x128xf32, #tpu.memory_space<hbm>>) target(%dma_start3A_1288 : memref<32x128xf32, #tpu.memory_space<vmem>>) target_semaphore(%arg12 : memref<!tpu.dma_semaphore, #tpu.memory_space<semaphore_mem>>)
      %dma_start3A_1291 = arith.constant 1 : i32
      %dma_start3A_1292 = arith.constant 0 : i32
      %dma_start3A_1293 = arith.constant 0 : i32
      %dma_start3A_1294 = arith.constant 0 : i32
      %dma_start3A_1295 = tpu.memref_slice %arg10[%dma_start3A_1291, %dma_start3A_1292, %dma_start3A_1293, %dma_start3A_1294] : memref<2x4x32x128xf32, #tpu.memory_space<vmem>> -> memref<1x1x32x128xf32, #tpu.memory_space<vmem>>
      %dma_start3A_1296 = tpu.memref_squeeze %dma_start3A_1295 : memref<1x1x32x128xf32, #tpu.memory_space<vmem>> -> memref<32x128xf32, #tpu.memory_space<vmem>>
      %dma_start3A_1297 = arith.constant 0 : i32
      %dma_start3A_1298 = tpu.memref_slice %arg5[%dma_start3A_1297, %multiple_of3A_1276] : memref<32x1000000xf32, #tpu.memory_space<hbm>> -> memref<32x128xf32, #tpu.memory_space<hbm>>
      %dma_start3A_1299 = arith.constant 0 : i32
      %dma_start3A_1300 = arith.constant 0 : i32
      %dma_start3A_1301 = tpu.memref_slice %arg10[%dma_start3A_1291, %dma_start3A_1292, %dma_start3A_1299, %dma_start3A_1300] : memref<2x4x32x128xf32, #tpu.memory_space<vmem>> -> memref<1x1x32x128xf32, #tpu.memory_space<vmem>>
      %dma_start3A_1302 = tpu.memref_squeeze %dma_start3A_1301 : memref<1x1x32x128xf32, #tpu.memory_space<vmem>> -> memref<32x128xf32, #tpu.memory_space<vmem>>
      %dma_start3A_1303 = arith.constant 0 : i32
      %dma_start3A_1304 = tpu.memref_slice %arg5[%dma_start3A_1303, %multiple_of3A_1276] : memref<32x1000000xf32, #tpu.memory_space<hbm>> -> memref<32x128xf32, #tpu.memory_space<hbm>>
      tpu.enqueue_dma source(%dma_start3A_1304 : memref<32x128xf32, #tpu.memory_space<hbm>>) target(%dma_start3A_1302 : memref<32x128xf32, #tpu.memory_space<vmem>>) target_semaphore(%arg13 : memref<!tpu.dma_semaphore, #tpu.memory_space<semaphore_mem>>)
      %shift_right_arithmetic3A_1305 = arith.constant 7 : i32
      %shift_right_arithmetic3A_1306 = arith.shrsi %squeeze3A_45, %shift_right_arithmetic3A_1305 : i32
      %shift_left3A_1307 = arith.constant 7 : i32
      %shift_left3A_1308 = arith.shli %shift_right_arithmetic3A_1306, %shift_left3A_1307 : i32
      %multiple_of3A_1309 = tpu.assume_multiple %shift_left3A_1308, 128 : i32
      %shift_right_arithmetic3A_1310 = arith.constant 7 : i32
      %shift_right_arithmetic3A_1311 = arith.shrsi %squeeze3A_77, %shift_right_arithmetic3A_1310 : i32
      %shift_left3A_1312 = arith.constant 7 : i32
      %shift_left3A_1313 = arith.shli %shift_right_arithmetic3A_1311, %shift_left3A_1312 : i32
      %multiple_of3A_1314 = tpu.assume_multiple %shift_left3A_1313, 128 : i32
      %dma_start3A_1315 = arith.constant 1 : i32
      %dma_start3A_1316 = arith.constant 1 : i32
      %dma_start3A_1317 = arith.constant 0 : i32
      %dma_start3A_1318 = arith.constant 0 : i32
      %dma_start3A_1319 = tpu.memref_slice %arg9[%dma_start3A_1315, %dma_start3A_1316, %dma_start3A_1317, %dma_start3A_1318] : memref<2x4x32x128xf32, #tpu.memory_space<vmem>> -> memref<1x1x32x128xf32, #tpu.memory_space<vmem>>
      %dma_start3A_1320 = tpu.memref_squeeze %dma_start3A_1319 : memref<1x1x32x128xf32, #tpu.memory_space<vmem>> -> memref<32x128xf32, #tpu.memory_space<vmem>>
      %dma_start3A_1321 = arith.constant 0 : i32
      %dma_start3A_1322 = tpu.memref_slice %arg4[%dma_start3A_1321, %multiple_of3A_1309] : memref<32x1000000xf32, #tpu.memory_space<hbm>> -> memref<32x128xf32, #tpu.memory_space<hbm>>
      %dma_start3A_1323 = arith.constant 0 : i32
      %dma_start3A_1324 = arith.constant 0 : i32
      %dma_start3A_1325 = tpu.memref_slice %arg9[%dma_start3A_1315, %dma_start3A_1316, %dma_start3A_1323, %dma_start3A_1324] : memref<2x4x32x128xf32, #tpu.memory_space<vmem>> -> memref<1x1x32x128xf32, #tpu.memory_space<vmem>>
      %dma_start3A_1326 = tpu.memref_squeeze %dma_start3A_1325 : memref<1x1x32x128xf32, #tpu.memory_space<vmem>> -> memref<32x128xf32, #tpu.memory_space<vmem>>
      %dma_start3A_1327 = arith.constant 0 : i32
      %dma_start3A_1328 = tpu.memref_slice %arg4[%dma_start3A_1327, %multiple_of3A_1309] : memref<32x1000000xf32, #tpu.memory_space<hbm>> -> memref<32x128xf32, #tpu.memory_space<hbm>>
      tpu.enqueue_dma source(%dma_start3A_1328 : memref<32x128xf32, #tpu.memory_space<hbm>>) target(%dma_start3A_1326 : memref<32x128xf32, #tpu.memory_space<vmem>>) target_semaphore(%arg12 : memref<!tpu.dma_semaphore, #tpu.memory_space<semaphore_mem>>)
      %dma_start3A_1329 = arith.constant 1 : i32
      %dma_start3A_1330 = arith.constant 1 : i32
      %dma_start3A_1331 = arith.constant 0 : i32
      %dma_start3A_1332 = arith.constant 0 : i32
      %dma_start3A_1333 = tpu.memref_slice %arg10[%dma_start3A_1329, %dma_start3A_1330, %dma_start3A_1331, %dma_start3A_1332] : memref<2x4x32x128xf32, #tpu.memory_space<vmem>> -> memref<1x1x32x128xf32, #tpu.memory_space<vmem>>
      %dma_start3A_1334 = tpu.memref_squeeze %dma_start3A_1333 : memref<1x1x32x128xf32, #tpu.memory_space<vmem>> -> memref<32x128xf32, #tpu.memory_space<vmem>>
      %dma_start3A_1335 = arith.constant 0 : i32
      %dma_start3A_1336 = tpu.memref_slice %arg5[%dma_start3A_1335, %multiple_of3A_1314] : memref<32x1000000xf32, #tpu.memory_space<hbm>> -> memref<32x128xf32, #tpu.memory_space<hbm>>
      %dma_start3A_1337 = arith.constant 0 : i32
      %dma_start3A_1338 = arith.constant 0 : i32
      %dma_start3A_1339 = tpu.memref_slice %arg10[%dma_start3A_1329, %dma_start3A_1330, %dma_start3A_1337, %dma_start3A_1338] : memref<2x4x32x128xf32, #tpu.memory_space<vmem>> -> memref<1x1x32x128xf32, #tpu.memory_space<vmem>>
      %dma_start3A_1340 = tpu.memref_squeeze %dma_start3A_1339 : memref<1x1x32x128xf32, #tpu.memory_space<vmem>> -> memref<32x128xf32, #tpu.memory_space<vmem>>
      %dma_start3A_1341 = arith.constant 0 : i32
      %dma_start3A_1342 = tpu.memref_slice %arg5[%dma_start3A_1341, %multiple_of3A_1314] : memref<32x1000000xf32, #tpu.memory_space<hbm>> -> memref<32x128xf32, #tpu.memory_space<hbm>>
      tpu.enqueue_dma source(%dma_start3A_1342 : memref<32x128xf32, #tpu.memory_space<hbm>>) target(%dma_start3A_1340 : memref<32x128xf32, #tpu.memory_space<vmem>>) target_semaphore(%arg13 : memref<!tpu.dma_semaphore, #tpu.memory_space<semaphore_mem>>)
      %shift_right_arithmetic3A_1343 = arith.constant 7 : i32
      %shift_right_arithmetic3A_1344 = arith.shrsi %squeeze3A_47, %shift_right_arithmetic3A_1343 : i32
      %shift_left3A_1345 = arith.constant 7 : i32
      %shift_left3A_1346 = arith.shli %shift_right_arithmetic3A_1344, %shift_left3A_1345 : i32
      %multiple_of3A_1347 = tpu.assume_multiple %shift_left3A_1346, 128 : i32
      %shift_right_arithmetic3A_1348 = arith.constant 7 : i32
      %shift_right_arithmetic3A_1349 = arith.shrsi %squeeze3A_79, %shift_right_arithmetic3A_1348 : i32
      %shift_left3A_1350 = arith.constant 7 : i32
      %shift_left3A_1351 = arith.shli %shift_right_arithmetic3A_1349, %shift_left3A_1350 : i32
      %multiple_of3A_1352 = tpu.assume_multiple %shift_left3A_1351, 128 : i32
      %dma_start3A_1353 = arith.constant 1 : i32
      %dma_start3A_1354 = arith.constant 2 : i32
      %dma_start3A_1355 = arith.constant 0 : i32
      %dma_start3A_1356 = arith.constant 0 : i32
      %dma_start3A_1357 = tpu.memref_slice %arg9[%dma_start3A_1353, %dma_start3A_1354, %dma_start3A_1355, %dma_start3A_1356] : memref<2x4x32x128xf32, #tpu.memory_space<vmem>> -> memref<1x1x32x128xf32, #tpu.memory_space<vmem>>
      %dma_start3A_1358 = tpu.memref_squeeze %dma_start3A_1357 : memref<1x1x32x128xf32, #tpu.memory_space<vmem>> -> memref<32x128xf32, #tpu.memory_space<vmem>>
      %dma_start3A_1359 = arith.constant 0 : i32
      %dma_start3A_1360 = tpu.memref_slice %arg4[%dma_start3A_1359, %multiple_of3A_1347] : memref<32x1000000xf32, #tpu.memory_space<hbm>> -> memref<32x128xf32, #tpu.memory_space<hbm>>
      %dma_start3A_1361 = arith.constant 0 : i32
      %dma_start3A_1362 = arith.constant 0 : i32
      %dma_start3A_1363 = tpu.memref_slice %arg9[%dma_start3A_1353, %dma_start3A_1354, %dma_start3A_1361, %dma_start3A_1362] : memref<2x4x32x128xf32, #tpu.memory_space<vmem>> -> memref<1x1x32x128xf32, #tpu.memory_space<vmem>>
      %dma_start3A_1364 = tpu.memref_squeeze %dma_start3A_1363 : memref<1x1x32x128xf32, #tpu.memory_space<vmem>> -> memref<32x128xf32, #tpu.memory_space<vmem>>
      %dma_start3A_1365 = arith.constant 0 : i32
      %dma_start3A_1366 = tpu.memref_slice %arg4[%dma_start3A_1365, %multiple_of3A_1347] : memref<32x1000000xf32, #tpu.memory_space<hbm>> -> memref<32x128xf32, #tpu.memory_space<hbm>>
      tpu.enqueue_dma source(%dma_start3A_1366 : memref<32x128xf32, #tpu.memory_space<hbm>>) target(%dma_start3A_1364 : memref<32x128xf32, #tpu.memory_space<vmem>>) target_semaphore(%arg12 : memref<!tpu.dma_semaphore, #tpu.memory_space<semaphore_mem>>)
      %dma_start3A_1367 = arith.constant 1 : i32
      %dma_start3A_1368 = arith.constant 2 : i32
      %dma_start3A_1369 = arith.constant 0 : i32
      %dma_start3A_1370 = arith.constant 0 : i32
      %dma_start3A_1371 = tpu.memref_slice %arg10[%dma_start3A_1367, %dma_start3A_1368, %dma_start3A_1369, %dma_start3A_1370] : memref<2x4x32x128xf32, #tpu.memory_space<vmem>> -> memref<1x1x32x128xf32, #tpu.memory_space<vmem>>
      %dma_start3A_1372 = tpu.memref_squeeze %dma_start3A_1371 : memref<1x1x32x128xf32, #tpu.memory_space<vmem>> -> memref<32x128xf32, #tpu.memory_space<vmem>>
      %dma_start3A_1373 = arith.constant 0 : i32
      %dma_start3A_1374 = tpu.memref_slice %arg5[%dma_start3A_1373, %multiple_of3A_1352] : memref<32x1000000xf32, #tpu.memory_space<hbm>> -> memref<32x128xf32, #tpu.memory_space<hbm>>
      %dma_start3A_1375 = arith.constant 0 : i32
      %dma_start3A_1376 = arith.constant 0 : i32
      %dma_start3A_1377 = tpu.memref_slice %arg10[%dma_start3A_1367, %dma_start3A_1368, %dma_start3A_1375, %dma_start3A_1376] : memref<2x4x32x128xf32, #tpu.memory_space<vmem>> -> memref<1x1x32x128xf32, #tpu.memory_space<vmem>>
      %dma_start3A_1378 = tpu.memref_squeeze %dma_start3A_1377 : memref<1x1x32x128xf32, #tpu.memory_space<vmem>> -> memref<32x128xf32, #tpu.memory_space<vmem>>
      %dma_start3A_1379 = arith.constant 0 : i32
      %dma_start3A_1380 = tpu.memref_slice %arg5[%dma_start3A_1379, %multiple_of3A_1352] : memref<32x1000000xf32, #tpu.memory_space<hbm>> -> memref<32x128xf32, #tpu.memory_space<hbm>>
      tpu.enqueue_dma source(%dma_start3A_1380 : memref<32x128xf32, #tpu.memory_space<hbm>>) target(%dma_start3A_1378 : memref<32x128xf32, #tpu.memory_space<vmem>>) target_semaphore(%arg13 : memref<!tpu.dma_semaphore, #tpu.memory_space<semaphore_mem>>)
      %shift_right_arithmetic3A_1381 = arith.constant 7 : i32
      %shift_right_arithmetic3A_1382 = arith.shrsi %squeeze3A_49, %shift_right_arithmetic3A_1381 : i32
      %shift_left3A_1383 = arith.constant 7 : i32
      %shift_left3A_1384 = arith.shli %shift_right_arithmetic3A_1382, %shift_left3A_1383 : i32
      %multiple_of3A_1385 = tpu.assume_multiple %shift_left3A_1384, 128 : i32
      %shift_right_arithmetic3A_1386 = arith.constant 7 : i32
      %shift_right_arithmetic3A_1387 = arith.shrsi %squeeze3A_81, %shift_right_arithmetic3A_1386 : i32
      %shift_left3A_1388 = arith.constant 7 : i32
      %shift_left3A_1389 = arith.shli %shift_right_arithmetic3A_1387, %shift_left3A_1388 : i32
      %multiple_of3A_1390 = tpu.assume_multiple %shift_left3A_1389, 128 : i32
      %dma_start3A_1391 = arith.constant 1 : i32
      %dma_start3A_1392 = arith.constant 3 : i32
      %dma_start3A_1393 = arith.constant 0 : i32
      %dma_start3A_1394 = arith.constant 0 : i32
      %dma_start3A_1395 = tpu.memref_slice %arg9[%dma_start3A_1391, %dma_start3A_1392, %dma_start3A_1393, %dma_start3A_1394] : memref<2x4x32x128xf32, #tpu.memory_space<vmem>> -> memref<1x1x32x128xf32, #tpu.memory_space<vmem>>
      %dma_start3A_1396 = tpu.memref_squeeze %dma_start3A_1395 : memref<1x1x32x128xf32, #tpu.memory_space<vmem>> -> memref<32x128xf32, #tpu.memory_space<vmem>>
      %dma_start3A_1397 = arith.constant 0 : i32
      %dma_start3A_1398 = tpu.memref_slice %arg4[%dma_start3A_1397, %multiple_of3A_1385] : memref<32x1000000xf32, #tpu.memory_space<hbm>> -> memref<32x128xf32, #tpu.memory_space<hbm>>
      %dma_start3A_1399 = arith.constant 0 : i32
      %dma_start3A_1400 = arith.constant 0 : i32
      %dma_start3A_1401 = tpu.memref_slice %arg9[%dma_start3A_1391, %dma_start3A_1392, %dma_start3A_1399, %dma_start3A_1400] : memref<2x4x32x128xf32, #tpu.memory_space<vmem>> -> memref<1x1x32x128xf32, #tpu.memory_space<vmem>>
      %dma_start3A_1402 = tpu.memref_squeeze %dma_start3A_1401 : memref<1x1x32x128xf32, #tpu.memory_space<vmem>> -> memref<32x128xf32, #tpu.memory_space<vmem>>
      %dma_start3A_1403 = arith.constant 0 : i32
      %dma_start3A_1404 = tpu.memref_slice %arg4[%dma_start3A_1403, %multiple_of3A_1385] : memref<32x1000000xf32, #tpu.memory_space<hbm>> -> memref<32x128xf32, #tpu.memory_space<hbm>>
      tpu.enqueue_dma source(%dma_start3A_1404 : memref<32x128xf32, #tpu.memory_space<hbm>>) target(%dma_start3A_1402 : memref<32x128xf32, #tpu.memory_space<vmem>>) target_semaphore(%arg12 : memref<!tpu.dma_semaphore, #tpu.memory_space<semaphore_mem>>)
      %dma_start3A_1405 = arith.constant 1 : i32
      %dma_start3A_1406 = arith.constant 3 : i32
      %dma_start3A_1407 = arith.constant 0 : i32
      %dma_start3A_1408 = arith.constant 0 : i32
      %dma_start3A_1409 = tpu.memref_slice %arg10[%dma_start3A_1405, %dma_start3A_1406, %dma_start3A_1407, %dma_start3A_1408] : memref<2x4x32x128xf32, #tpu.memory_space<vmem>> -> memref<1x1x32x128xf32, #tpu.memory_space<vmem>>
      %dma_start3A_1410 = tpu.memref_squeeze %dma_start3A_1409 : memref<1x1x32x128xf32, #tpu.memory_space<vmem>> -> memref<32x128xf32, #tpu.memory_space<vmem>>
      %dma_start3A_1411 = arith.constant 0 : i32
      %dma_start3A_1412 = tpu.memref_slice %arg5[%dma_start3A_1411, %multiple_of3A_1390] : memref<32x1000000xf32, #tpu.memory_space<hbm>> -> memref<32x128xf32, #tpu.memory_space<hbm>>
      %dma_start3A_1413 = arith.constant 0 : i32
      %dma_start3A_1414 = arith.constant 0 : i32
      %dma_start3A_1415 = tpu.memref_slice %arg10[%dma_start3A_1405, %dma_start3A_1406, %dma_start3A_1413, %dma_start3A_1414] : memref<2x4x32x128xf32, #tpu.memory_space<vmem>> -> memref<1x1x32x128xf32, #tpu.memory_space<vmem>>
      %dma_start3A_1416 = tpu.memref_squeeze %dma_start3A_1415 : memref<1x1x32x128xf32, #tpu.memory_space<vmem>> -> memref<32x128xf32, #tpu.memory_space<vmem>>
      %dma_start3A_1417 = arith.constant 0 : i32
      %dma_start3A_1418 = tpu.memref_slice %arg5[%dma_start3A_1417, %multiple_of3A_1390] : memref<32x1000000xf32, #tpu.memory_space<hbm>> -> memref<32x128xf32, #tpu.memory_space<hbm>>
      tpu.enqueue_dma source(%dma_start3A_1418 : memref<32x128xf32, #tpu.memory_space<hbm>>) target(%dma_start3A_1416 : memref<32x128xf32, #tpu.memory_space<vmem>>) target_semaphore(%arg13 : memref<!tpu.dma_semaphore, #tpu.memory_space<semaphore_mem>>)
      %and3A_1419 = arith.constant 127 : i32
      %and3A_1420 = arith.andi %squeeze3A_35, %and3A_1419 : i32
      %add3A_1421 = vector.broadcast %and3A_1420 : i32 to vector<16xi32>
      %add3A_1422 = arith.addi %broadcast_in_dim3A_6, %add3A_1421 : vector<16xi32>
      %and3A_1423 = arith.constant 127 : i32
      %and3A_1424 = arith.andi %squeeze3A_67, %and3A_1423 : i32
      %add3A_1425 = vector.broadcast %and3A_1424 : i32 to vector<16xi32>
      %add3A_1426 = arith.addi %broadcast_in_dim3A_6, %add3A_1425 : vector<16xi32>
      %mul3A_1427 = arith.constant 16 : i32
      %mul3A_1428 = arith.muli %scan3A_12, %mul3A_1427 : i32
      %add3A_1429 = arith.constant 8 : i32
      %add3A_1430 = arith.addi %mul3A_1428, %add3A_1429 : i32
      %add3A_1431 = vector.broadcast %add3A_1430 : i32 to vector<16xi32>
      %add3A_1432 = arith.addi %broadcast_in_dim3A_6, %add3A_1431 : vector<16xi32>
      %gather3A_1433 = arith.constant 0 : i32
      %gather3A_1434 = arith.constant 0 : i32
      %gather3A_1435 = arith.constant 0 : i32
      %gather3A_1436 = arith.constant 0 : i32
      %gather3A_1437 = tpu.memref_slice %arg9[%gather3A_1433, %gather3A_1434, %gather3A_1435, %gather3A_1436] : memref<2x4x32x128xf32, #tpu.memory_space<vmem>> -> memref<1x1x32x128xf32, #tpu.memory_space<vmem>>
      %gather3A_1438 = tpu.memref_squeeze %gather3A_1437 : memref<1x1x32x128xf32, #tpu.memory_space<vmem>> -> memref<32x128xf32, #tpu.memory_space<vmem>>
      %gather3A_1439 = tpu.vector_load_idx %gather3A_1438[%iota3A, %add3A_1422] : memref<32x128xf32, #tpu.memory_space<vmem>>[vector<16xi32>, vector<16xi32>], vector<16xf32>,
      %gather3A_1440 = arith.constant 0 : i32
      %gather3A_1441 = arith.constant 0 : i32
      %gather3A_1442 = arith.constant 0 : i32
      %gather3A_1443 = arith.constant 0 : i32
      %gather3A_1444 = tpu.memref_slice %arg10[%gather3A_1440, %gather3A_1441, %gather3A_1442, %gather3A_1443] : memref<2x4x32x128xf32, #tpu.memory_space<vmem>> -> memref<1x1x32x128xf32, #tpu.memory_space<vmem>>
      %gather3A_1445 = tpu.memref_squeeze %gather3A_1444 : memref<1x1x32x128xf32, #tpu.memory_space<vmem>> -> memref<32x128xf32, #tpu.memory_space<vmem>>
      %gather3A_1446 = tpu.vector_load_idx %gather3A_1445[%iota3A, %add3A_1426] : memref<32x128xf32, #tpu.memory_space<vmem>>[vector<16xi32>, vector<16xi32>], vector<16xf32>,
      %mul3A_1447 = arith.mulf %gather3A_1439, %gather3A_1446 : vector<16xf32>
      tpu.vector_store_idx %arg11[%iota3A, %add3A_1432], %mul3A_1447 : memref<32x512xf32, #tpu.memory_space<vmem>>[vector<16xi32>, vector<16xi32>], vector<16xf32>,
      %gather3A_1448 = arith.constant 0 : i32
      %gather3A_1449 = arith.constant 0 : i32
      %gather3A_1450 = arith.constant 0 : i32
      %gather3A_1451 = arith.constant 0 : i32
      %gather3A_1452 = tpu.memref_slice %arg9[%gather3A_1448, %gather3A_1449, %gather3A_1450, %gather3A_1451] : memref<2x4x32x128xf32, #tpu.memory_space<vmem>> -> memref<1x1x32x128xf32, #tpu.memory_space<vmem>>
      %gather3A_1453 = tpu.memref_squeeze %gather3A_1452 : memref<1x1x32x128xf32, #tpu.memory_space<vmem>> -> memref<32x128xf32, #tpu.memory_space<vmem>>
      %gather3A_1454 = tpu.vector_load_idx %gather3A_1453[%add3A_5, %add3A_1422] : memref<32x128xf32, #tpu.memory_space<vmem>>[vector<16xi32>, vector<16xi32>], vector<16xf32>,
      %gather3A_1455 = arith.constant 0 : i32
      %gather3A_1456 = arith.constant 0 : i32
      %gather3A_1457 = arith.constant 0 : i32
      %gather3A_1458 = arith.constant 0 : i32
      %gather3A_1459 = tpu.memref_slice %arg10[%gather3A_1455, %gather3A_1456, %gather3A_1457, %gather3A_1458] : memref<2x4x32x128xf32, #tpu.memory_space<vmem>> -> memref<1x1x32x128xf32, #tpu.memory_space<vmem>>
      %gather3A_1460 = tpu.memref_squeeze %gather3A_1459 : memref<1x1x32x128xf32, #tpu.memory_space<vmem>> -> memref<32x128xf32, #tpu.memory_space<vmem>>
      %gather3A_1461 = tpu.vector_load_idx %gather3A_1460[%add3A_5, %add3A_1426] : memref<32x128xf32, #tpu.memory_space<vmem>>[vector<16xi32>, vector<16xi32>], vector<16xf32>,
      %mul3A_1462 = arith.mulf %gather3A_1454, %gather3A_1461 : vector<16xf32>
      tpu.vector_store_idx %arg11[%add3A_5, %add3A_1432], %mul3A_1462 : memref<32x512xf32, #tpu.memory_space<vmem>>[vector<16xi32>, vector<16xi32>], vector<16xf32>,
      %and3A_1463 = arith.constant 127 : i32
      %and3A_1464 = arith.andi %squeeze3A_37, %and3A_1463 : i32
      %add3A_1465 = vector.broadcast %and3A_1464 : i32 to vector<16xi32>
      %add3A_1466 = arith.addi %broadcast_in_dim3A_6, %add3A_1465 : vector<16xi32>
      %and3A_1467 = arith.constant 127 : i32
      %and3A_1468 = arith.andi %squeeze3A_69, %and3A_1467 : i32
      %add3A_1469 = vector.broadcast %and3A_1468 : i32 to vector<16xi32>
      %add3A_1470 = arith.addi %broadcast_in_dim3A_6, %add3A_1469 : vector<16xi32>
      %mul3A_1471 = arith.constant 16 : i32
      %mul3A_1472 = arith.muli %scan3A_12, %mul3A_1471 : i32
      %add3A_1473 = arith.constant 9 : i32
      %add3A_1474 = arith.addi %mul3A_1472, %add3A_1473 : i32
      %add3A_1475 = vector.broadcast %add3A_1474 : i32 to vector<16xi32>
      %add3A_1476 = arith.addi %broadcast_in_dim3A_6, %add3A_1475 : vector<16xi32>
      %gather3A_1477 = arith.constant 0 : i32
      %gather3A_1478 = arith.constant 1 : i32
      %gather3A_1479 = arith.constant 0 : i32
      %gather3A_1480 = arith.constant 0 : i32
      %gather3A_1481 = tpu.memref_slice %arg9[%gather3A_1477, %gather3A_1478, %gather3A_1479, %gather3A_1480] : memref<2x4x32x128xf32, #tpu.memory_space<vmem>> -> memref<1x1x32x128xf32, #tpu.memory_space<vmem>>
      %gather3A_1482 = tpu.memref_squeeze %gather3A_1481 : memref<1x1x32x128xf32, #tpu.memory_space<vmem>> -> memref<32x128xf32, #tpu.memory_space<vmem>>
      %gather3A_1483 = tpu.vector_load_idx %gather3A_1482[%iota3A, %add3A_1466] : memref<32x128xf32, #tpu.memory_space<vmem>>[vector<16xi32>, vector<16xi32>], vector<16xf32>,
      %gather3A_1484 = arith.constant 0 : i32
      %gather3A_1485 = arith.constant 1 : i32
      %gather3A_1486 = arith.constant 0 : i32
      %gather3A_1487 = arith.constant 0 : i32
      %gather3A_1488 = tpu.memref_slice %arg10[%gather3A_1484, %gather3A_1485, %gather3A_1486, %gather3A_1487] : memref<2x4x32x128xf32, #tpu.memory_space<vmem>> -> memref<1x1x32x128xf32, #tpu.memory_space<vmem>>
      %gather3A_1489 = tpu.memref_squeeze %gather3A_1488 : memref<1x1x32x128xf32, #tpu.memory_space<vmem>> -> memref<32x128xf32, #tpu.memory_space<vmem>>
      %gather3A_1490 = tpu.vector_load_idx %gather3A_1489[%iota3A, %add3A_1470] : memref<32x128xf32, #tpu.memory_space<vmem>>[vector<16xi32>, vector<16xi32>], vector<16xf32>,
      %mul3A_1491 = arith.mulf %gather3A_1483, %gather3A_1490 : vector<16xf32>
      tpu.vector_store_idx %arg11[%iota3A, %add3A_1476], %mul3A_1491 : memref<32x512xf32, #tpu.memory_space<vmem>>[vector<16xi32>, vector<16xi32>], vector<16xf32>,
      %gather3A_1492 = arith.constant 0 : i32
      %gather3A_1493 = arith.constant 1 : i32
      %gather3A_1494 = arith.constant 0 : i32
      %gather3A_1495 = arith.constant 0 : i32
      %gather3A_1496 = tpu.memref_slice %arg9[%gather3A_1492, %gather3A_1493, %gather3A_1494, %gather3A_1495] : memref<2x4x32x128xf32, #tpu.memory_space<vmem>> -> memref<1x1x32x128xf32, #tpu.memory_space<vmem>>
      %gather3A_1497 = tpu.memref_squeeze %gather3A_1496 : memref<1x1x32x128xf32, #tpu.memory_space<vmem>> -> memref<32x128xf32, #tpu.memory_space<vmem>>
      %gather3A_1498 = tpu.vector_load_idx %gather3A_1497[%add3A_5, %add3A_1466] : memref<32x128xf32, #tpu.memory_space<vmem>>[vector<16xi32>, vector<16xi32>], vector<16xf32>,
      %gather3A_1499 = arith.constant 0 : i32
      %gather3A_1500 = arith.constant 1 : i32
      %gather3A_1501 = arith.constant 0 : i32
      %gather3A_1502 = arith.constant 0 : i32
      %gather3A_1503 = tpu.memref_slice %arg10[%gather3A_1499, %gather3A_1500, %gather3A_1501, %gather3A_1502] : memref<2x4x32x128xf32, #tpu.memory_space<vmem>> -> memref<1x1x32x128xf32, #tpu.memory_space<vmem>>
      %gather3A_1504 = tpu.memref_squeeze %gather3A_1503 : memref<1x1x32x128xf32, #tpu.memory_space<vmem>> -> memref<32x128xf32, #tpu.memory_space<vmem>>
      %gather3A_1505 = tpu.vector_load_idx %gather3A_1504[%add3A_5, %add3A_1470] : memref<32x128xf32, #tpu.memory_space<vmem>>[vector<16xi32>, vector<16xi32>], vector<16xf32>,
      %mul3A_1506 = arith.mulf %gather3A_1498, %gather3A_1505 : vector<16xf32>
      tpu.vector_store_idx %arg11[%add3A_5, %add3A_1476], %mul3A_1506 : memref<32x512xf32, #tpu.memory_space<vmem>>[vector<16xi32>, vector<16xi32>], vector<16xf32>,
      %and3A_1507 = arith.constant 127 : i32
      %and3A_1508 = arith.andi %squeeze3A_39, %and3A_1507 : i32
      %add3A_1509 = vector.broadcast %and3A_1508 : i32 to vector<16xi32>
      %add3A_1510 = arith.addi %broadcast_in_dim3A_6, %add3A_1509 : vector<16xi32>
      %and3A_1511 = arith.constant 127 : i32
      %and3A_1512 = arith.andi %squeeze3A_71, %and3A_1511 : i32
      %add3A_1513 = vector.broadcast %and3A_1512 : i32 to vector<16xi32>
      %add3A_1514 = arith.addi %broadcast_in_dim3A_6, %add3A_1513 : vector<16xi32>
      %mul3A_1515 = arith.constant 16 : i32
      %mul3A_1516 = arith.muli %scan3A_12, %mul3A_1515 : i32
      %add3A_1517 = arith.constant 10 : i32
      %add3A_1518 = arith.addi %mul3A_1516, %add3A_1517 : i32
      %add3A_1519 = vector.broadcast %add3A_1518 : i32 to vector<16xi32>
      %add3A_1520 = arith.addi %broadcast_in_dim3A_6, %add3A_1519 : vector<16xi32>
      %gather3A_1521 = arith.constant 0 : i32
      %gather3A_1522 = arith.constant 2 : i32
      %gather3A_1523 = arith.constant 0 : i32
      %gather3A_1524 = arith.constant 0 : i32
      %gather3A_1525 = tpu.memref_slice %arg9[%gather3A_1521, %gather3A_1522, %gather3A_1523, %gather3A_1524] : memref<2x4x32x128xf32, #tpu.memory_space<vmem>> -> memref<1x1x32x128xf32, #tpu.memory_space<vmem>>
      %gather3A_1526 = tpu.memref_squeeze %gather3A_1525 : memref<1x1x32x128xf32, #tpu.memory_space<vmem>> -> memref<32x128xf32, #tpu.memory_space<vmem>>
      %gather3A_1527 = tpu.vector_load_idx %gather3A_1526[%iota3A, %add3A_1510] : memref<32x128xf32, #tpu.memory_space<vmem>>[vector<16xi32>, vector<16xi32>], vector<16xf32>,
      %gather3A_1528 = arith.constant 0 : i32
      %gather3A_1529 = arith.constant 2 : i32
      %gather3A_1530 = arith.constant 0 : i32
      %gather3A_1531 = arith.constant 0 : i32
      %gather3A_1532 = tpu.memref_slice %arg10[%gather3A_1528, %gather3A_1529, %gather3A_1530, %gather3A_1531] : memref<2x4x32x128xf32, #tpu.memory_space<vmem>> -> memref<1x1x32x128xf32, #tpu.memory_space<vmem>>
      %gather3A_1533 = tpu.memref_squeeze %gather3A_1532 : memref<1x1x32x128xf32, #tpu.memory_space<vmem>> -> memref<32x128xf32, #tpu.memory_space<vmem>>
      %gather3A_1534 = tpu.vector_load_idx %gather3A_1533[%iota3A, %add3A_1514] : memref<32x128xf32, #tpu.memory_space<vmem>>[vector<16xi32>, vector<16xi32>], vector<16xf32>,
      %mul3A_1535 = arith.mulf %gather3A_1527, %gather3A_1534 : vector<16xf32>
      tpu.vector_store_idx %arg11[%iota3A, %add3A_1520], %mul3A_1535 : memref<32x512xf32, #tpu.memory_space<vmem>>[vector<16xi32>, vector<16xi32>], vector<16xf32>,
      %gather3A_1536 = arith.constant 0 : i32
      %gather3A_1537 = arith.constant 2 : i32
      %gather3A_1538 = arith.constant 0 : i32
      %gather3A_1539 = arith.constant 0 : i32
      %gather3A_1540 = tpu.memref_slice %arg9[%gather3A_1536, %gather3A_1537, %gather3A_1538, %gather3A_1539] : memref<2x4x32x128xf32, #tpu.memory_space<vmem>> -> memref<1x1x32x128xf32, #tpu.memory_space<vmem>>
      %gather3A_1541 = tpu.memref_squeeze %gather3A_1540 : memref<1x1x32x128xf32, #tpu.memory_space<vmem>> -> memref<32x128xf32, #tpu.memory_space<vmem>>
      %gather3A_1542 = tpu.vector_load_idx %gather3A_1541[%add3A_5, %add3A_1510] : memref<32x128xf32, #tpu.memory_space<vmem>>[vector<16xi32>, vector<16xi32>], vector<16xf32>,
      %gather3A_1543 = arith.constant 0 : i32
      %gather3A_1544 = arith.constant 2 : i32
      %gather3A_1545 = arith.constant 0 : i32
      %gather3A_1546 = arith.constant 0 : i32
      %gather3A_1547 = tpu.memref_slice %arg10[%gather3A_1543, %gather3A_1544, %gather3A_1545, %gather3A_1546] : memref<2x4x32x128xf32, #tpu.memory_space<vmem>> -> memref<1x1x32x128xf32, #tpu.memory_space<vmem>>
      %gather3A_1548 = tpu.memref_squeeze %gather3A_1547 : memref<1x1x32x128xf32, #tpu.memory_space<vmem>> -> memref<32x128xf32, #tpu.memory_space<vmem>>
      %gather3A_1549 = tpu.vector_load_idx %gather3A_1548[%add3A_5, %add3A_1514] : memref<32x128xf32, #tpu.memory_space<vmem>>[vector<16xi32>, vector<16xi32>], vector<16xf32>,
      %mul3A_1550 = arith.mulf %gather3A_1542, %gather3A_1549 : vector<16xf32>
      tpu.vector_store_idx %arg11[%add3A_5, %add3A_1520], %mul3A_1550 : memref<32x512xf32, #tpu.memory_space<vmem>>[vector<16xi32>, vector<16xi32>], vector<16xf32>,
      %and3A_1551 = arith.constant 127 : i32
      %and3A_1552 = arith.andi %squeeze3A_41, %and3A_1551 : i32
      %add3A_1553 = vector.broadcast %and3A_1552 : i32 to vector<16xi32>
      %add3A_1554 = arith.addi %broadcast_in_dim3A_6, %add3A_1553 : vector<16xi32>
      %and3A_1555 = arith.constant 127 : i32
      %and3A_1556 = arith.andi %squeeze3A_73, %and3A_1555 : i32
      %add3A_1557 = vector.broadcast %and3A_1556 : i32 to vector<16xi32>
      %add3A_1558 = arith.addi %broadcast_in_dim3A_6, %add3A_1557 : vector<16xi32>
      %mul3A_1559 = arith.constant 16 : i32
      %mul3A_1560 = arith.muli %scan3A_12, %mul3A_1559 : i32
      %add3A_1561 = arith.constant 11 : i32
      %add3A_1562 = arith.addi %mul3A_1560, %add3A_1561 : i32
      %add3A_1563 = vector.broadcast %add3A_1562 : i32 to vector<16xi32>
      %add3A_1564 = arith.addi %broadcast_in_dim3A_6, %add3A_1563 : vector<16xi32>
      %gather3A_1565 = arith.constant 0 : i32
      %gather3A_1566 = arith.constant 3 : i32
      %gather3A_1567 = arith.constant 0 : i32
      %gather3A_1568 = arith.constant 0 : i32
      %gather3A_1569 = tpu.memref_slice %arg9[%gather3A_1565, %gather3A_1566, %gather3A_1567, %gather3A_1568] : memref<2x4x32x128xf32, #tpu.memory_space<vmem>> -> memref<1x1x32x128xf32, #tpu.memory_space<vmem>>
      %gather3A_1570 = tpu.memref_squeeze %gather3A_1569 : memref<1x1x32x128xf32, #tpu.memory_space<vmem>> -> memref<32x128xf32, #tpu.memory_space<vmem>>
      %gather3A_1571 = tpu.vector_load_idx %gather3A_1570[%iota3A, %add3A_1554] : memref<32x128xf32, #tpu.memory_space<vmem>>[vector<16xi32>, vector<16xi32>], vector<16xf32>,
      %gather3A_1572 = arith.constant 0 : i32
      %gather3A_1573 = arith.constant 3 : i32
      %gather3A_1574 = arith.constant 0 : i32
      %gather3A_1575 = arith.constant 0 : i32
      %gather3A_1576 = tpu.memref_slice %arg10[%gather3A_1572, %gather3A_1573, %gather3A_1574, %gather3A_1575] : memref<2x4x32x128xf32, #tpu.memory_space<vmem>> -> memref<1x1x32x128xf32, #tpu.memory_space<vmem>>
      %gather3A_1577 = tpu.memref_squeeze %gather3A_1576 : memref<1x1x32x128xf32, #tpu.memory_space<vmem>> -> memref<32x128xf32, #tpu.memory_space<vmem>>
      %gather3A_1578 = tpu.vector_load_idx %gather3A_1577[%iota3A, %add3A_1558] : memref<32x128xf32, #tpu.memory_space<vmem>>[vector<16xi32>, vector<16xi32>], vector<16xf32>,
      %mul3A_1579 = arith.mulf %gather3A_1571, %gather3A_1578 : vector<16xf32>
      tpu.vector_store_idx %arg11[%iota3A, %add3A_1564], %mul3A_1579 : memref<32x512xf32, #tpu.memory_space<vmem>>[vector<16xi32>, vector<16xi32>], vector<16xf32>,
      %gather3A_1580 = arith.constant 0 : i32
      %gather3A_1581 = arith.constant 3 : i32
      %gather3A_1582 = arith.constant 0 : i32
      %gather3A_1583 = arith.constant 0 : i32
      %gather3A_1584 = tpu.memref_slice %arg9[%gather3A_1580, %gather3A_1581, %gather3A_1582, %gather3A_1583] : memref<2x4x32x128xf32, #tpu.memory_space<vmem>> -> memref<1x1x32x128xf32, #tpu.memory_space<vmem>>
      %gather3A_1585 = tpu.memref_squeeze %gather3A_1584 : memref<1x1x32x128xf32, #tpu.memory_space<vmem>> -> memref<32x128xf32, #tpu.memory_space<vmem>>
      %gather3A_1586 = tpu.vector_load_idx %gather3A_1585[%add3A_5, %add3A_1554] : memref<32x128xf32, #tpu.memory_space<vmem>>[vector<16xi32>, vector<16xi32>], vector<16xf32>,
      %gather3A_1587 = arith.constant 0 : i32
      %gather3A_1588 = arith.constant 3 : i32
      %gather3A_1589 = arith.constant 0 : i32
      %gather3A_1590 = arith.constant 0 : i32
      %gather3A_1591 = tpu.memref_slice %arg10[%gather3A_1587, %gather3A_1588, %gather3A_1589, %gather3A_1590] : memref<2x4x32x128xf32, #tpu.memory_space<vmem>> -> memref<1x1x32x128xf32, #tpu.memory_space<vmem>>
      %gather3A_1592 = tpu.memref_squeeze %gather3A_1591 : memref<1x1x32x128xf32, #tpu.memory_space<vmem>> -> memref<32x128xf32, #tpu.memory_space<vmem>>
      %gather3A_1593 = tpu.vector_load_idx %gather3A_1592[%add3A_5, %add3A_1558] : memref<32x128xf32, #tpu.memory_space<vmem>>[vector<16xi32>, vector<16xi32>], vector<16xf32>,
      %mul3A_1594 = arith.mulf %gather3A_1586, %gather3A_1593 : vector<16xf32>
      tpu.vector_store_idx %arg11[%add3A_5, %add3A_1564], %mul3A_1594 : memref<32x512xf32, #tpu.memory_space<vmem>>[vector<16xi32>, vector<16xi32>], vector<16xf32>,
      %dma_wait3A_1595 = arith.constant 1 : i32
      %dma_wait3A_1596 = arith.constant 0 : i32
      %dma_wait3A_1597 = arith.constant 0 : i32
      %dma_wait3A_1598 = arith.constant 0 : i32
      %dma_wait3A_1599 = tpu.memref_slice %arg9[%dma_wait3A_1595, %dma_wait3A_1596, %dma_wait3A_1597, %dma_wait3A_1598] : memref<2x4x32x128xf32, #tpu.memory_space<vmem>> -> memref<1x1x32x128xf32, #tpu.memory_space<vmem>>
      %dma_wait3A_1600 = tpu.memref_squeeze %dma_wait3A_1599 : memref<1x1x32x128xf32, #tpu.memory_space<vmem>> -> memref<32x128xf32, #tpu.memory_space<vmem>>
      %dma_wait3A_1601 = arith.constant 0 : i32
      %dma_wait3A_1602 = arith.constant 0 : i32
      %dma_wait3A_1603 = tpu.memref_slice %arg4[%dma_wait3A_1601, %dma_wait3A_1602] : memref<32x1000000xf32, #tpu.memory_space<hbm>> -> memref<32x128xf32, #tpu.memory_space<hbm>>
      %dma_wait3A_1604 = arith.constant 0 : i32
      %dma_wait3A_1605 = arith.constant 0 : i32
      %dma_wait3A_1606 = tpu.memref_slice %arg9[%dma_wait3A_1595, %dma_wait3A_1596, %dma_wait3A_1604, %dma_wait3A_1605] : memref<2x4x32x128xf32, #tpu.memory_space<vmem>> -> memref<1x1x32x128xf32, #tpu.memory_space<vmem>>
      %dma_wait3A_1607 = tpu.memref_squeeze %dma_wait3A_1606 : memref<1x1x32x128xf32, #tpu.memory_space<vmem>> -> memref<32x128xf32, #tpu.memory_space<vmem>>
      %dma_wait3A_1608 = arith.constant 0 : i32
      %dma_wait3A_1609 = arith.constant 0 : i32
      %dma_wait3A_1610 = tpu.memref_slice %arg4[%dma_wait3A_1608, %dma_wait3A_1609] : memref<32x1000000xf32, #tpu.memory_space<hbm>> -> memref<32x128xf32, #tpu.memory_space<hbm>>
      tpu.wait_dma2 semaphore(%arg12 : memref<!tpu.dma_semaphore, #tpu.memory_space<semaphore_mem>>) src(%dma_wait3A_1610 : memref<32x128xf32, #tpu.memory_space<hbm>>) dst(%dma_wait3A_1607 : memref<32x128xf32, #tpu.memory_space<vmem>>)
      %dma_wait3A_1611 = arith.constant 1 : i32
      %dma_wait3A_1612 = arith.constant 0 : i32
      %dma_wait3A_1613 = arith.constant 0 : i32
      %dma_wait3A_1614 = arith.constant 0 : i32
      %dma_wait3A_1615 = tpu.memref_slice %arg10[%dma_wait3A_1611, %dma_wait3A_1612, %dma_wait3A_1613, %dma_wait3A_1614] : memref<2x4x32x128xf32, #tpu.memory_space<vmem>> -> memref<1x1x32x128xf32, #tpu.memory_space<vmem>>
      %dma_wait3A_1616 = tpu.memref_squeeze %dma_wait3A_1615 : memref<1x1x32x128xf32, #tpu.memory_space<vmem>> -> memref<32x128xf32, #tpu.memory_space<vmem>>
      %dma_wait3A_1617 = arith.constant 0 : i32
      %dma_wait3A_1618 = arith.constant 0 : i32
      %dma_wait3A_1619 = tpu.memref_slice %arg5[%dma_wait3A_1617, %dma_wait3A_1618] : memref<32x1000000xf32, #tpu.memory_space<hbm>> -> memref<32x128xf32, #tpu.memory_space<hbm>>
      %dma_wait3A_1620 = arith.constant 0 : i32
      %dma_wait3A_1621 = arith.constant 0 : i32
      %dma_wait3A_1622 = tpu.memref_slice %arg10[%dma_wait3A_1611, %dma_wait3A_1612, %dma_wait3A_1620, %dma_wait3A_1621] : memref<2x4x32x128xf32, #tpu.memory_space<vmem>> -> memref<1x1x32x128xf32, #tpu.memory_space<vmem>>
      %dma_wait3A_1623 = tpu.memref_squeeze %dma_wait3A_1622 : memref<1x1x32x128xf32, #tpu.memory_space<vmem>> -> memref<32x128xf32, #tpu.memory_space<vmem>>
      %dma_wait3A_1624 = arith.constant 0 : i32
      %dma_wait3A_1625 = arith.constant 0 : i32
      %dma_wait3A_1626 = tpu.memref_slice %arg5[%dma_wait3A_1624, %dma_wait3A_1625] : memref<32x1000000xf32, #tpu.memory_space<hbm>> -> memref<32x128xf32, #tpu.memory_space<hbm>>
      tpu.wait_dma2 semaphore(%arg13 : memref<!tpu.dma_semaphore, #tpu.memory_space<semaphore_mem>>) src(%dma_wait3A_1626 : memref<32x128xf32, #tpu.memory_space<hbm>>) dst(%dma_wait3A_1623 : memref<32x128xf32, #tpu.memory_space<vmem>>)
      %dma_wait3A_1627 = arith.constant 1 : i32
      %dma_wait3A_1628 = arith.constant 1 : i32
      %dma_wait3A_1629 = arith.constant 0 : i32
      %dma_wait3A_1630 = arith.constant 0 : i32
      %dma_wait3A_1631 = tpu.memref_slice %arg9[%dma_wait3A_1627, %dma_wait3A_1628, %dma_wait3A_1629, %dma_wait3A_1630] : memref<2x4x32x128xf32, #tpu.memory_space<vmem>> -> memref<1x1x32x128xf32, #tpu.memory_space<vmem>>
      %dma_wait3A_1632 = tpu.memref_squeeze %dma_wait3A_1631 : memref<1x1x32x128xf32, #tpu.memory_space<vmem>> -> memref<32x128xf32, #tpu.memory_space<vmem>>
      %dma_wait3A_1633 = arith.constant 0 : i32
      %dma_wait3A_1634 = arith.constant 0 : i32
      %dma_wait3A_1635 = tpu.memref_slice %arg4[%dma_wait3A_1633, %dma_wait3A_1634] : memref<32x1000000xf32, #tpu.memory_space<hbm>> -> memref<32x128xf32, #tpu.memory_space<hbm>>
      %dma_wait3A_1636 = arith.constant 0 : i32
      %dma_wait3A_1637 = arith.constant 0 : i32
      %dma_wait3A_1638 = tpu.memref_slice %arg9[%dma_wait3A_1627, %dma_wait3A_1628, %dma_wait3A_1636, %dma_wait3A_1637] : memref<2x4x32x128xf32, #tpu.memory_space<vmem>> -> memref<1x1x32x128xf32, #tpu.memory_space<vmem>>
      %dma_wait3A_1639 = tpu.memref_squeeze %dma_wait3A_1638 : memref<1x1x32x128xf32, #tpu.memory_space<vmem>> -> memref<32x128xf32, #tpu.memory_space<vmem>>
      %dma_wait3A_1640 = arith.constant 0 : i32
      %dma_wait3A_1641 = arith.constant 0 : i32
      %dma_wait3A_1642 = tpu.memref_slice %arg4[%dma_wait3A_1640, %dma_wait3A_1641] : memref<32x1000000xf32, #tpu.memory_space<hbm>> -> memref<32x128xf32, #tpu.memory_space<hbm>>
      tpu.wait_dma2 semaphore(%arg12 : memref<!tpu.dma_semaphore, #tpu.memory_space<semaphore_mem>>) src(%dma_wait3A_1642 : memref<32x128xf32, #tpu.memory_space<hbm>>) dst(%dma_wait3A_1639 : memref<32x128xf32, #tpu.memory_space<vmem>>)
      %dma_wait3A_1643 = arith.constant 1 : i32
      %dma_wait3A_1644 = arith.constant 1 : i32
      %dma_wait3A_1645 = arith.constant 0 : i32
      %dma_wait3A_1646 = arith.constant 0 : i32
      %dma_wait3A_1647 = tpu.memref_slice %arg10[%dma_wait3A_1643, %dma_wait3A_1644, %dma_wait3A_1645, %dma_wait3A_1646] : memref<2x4x32x128xf32, #tpu.memory_space<vmem>> -> memref<1x1x32x128xf32, #tpu.memory_space<vmem>>
      %dma_wait3A_1648 = tpu.memref_squeeze %dma_wait3A_1647 : memref<1x1x32x128xf32, #tpu.memory_space<vmem>> -> memref<32x128xf32, #tpu.memory_space<vmem>>
      %dma_wait3A_1649 = arith.constant 0 : i32
      %dma_wait3A_1650 = arith.constant 0 : i32
      %dma_wait3A_1651 = tpu.memref_slice %arg5[%dma_wait3A_1649, %dma_wait3A_1650] : memref<32x1000000xf32, #tpu.memory_space<hbm>> -> memref<32x128xf32, #tpu.memory_space<hbm>>
      %dma_wait3A_1652 = arith.constant 0 : i32
      %dma_wait3A_1653 = arith.constant 0 : i32
      %dma_wait3A_1654 = tpu.memref_slice %arg10[%dma_wait3A_1643, %dma_wait3A_1644, %dma_wait3A_1652, %dma_wait3A_1653] : memref<2x4x32x128xf32, #tpu.memory_space<vmem>> -> memref<1x1x32x128xf32, #tpu.memory_space<vmem>>
      %dma_wait3A_1655 = tpu.memref_squeeze %dma_wait3A_1654 : memref<1x1x32x128xf32, #tpu.memory_space<vmem>> -> memref<32x128xf32, #tpu.memory_space<vmem>>
      %dma_wait3A_1656 = arith.constant 0 : i32
      %dma_wait3A_1657 = arith.constant 0 : i32
      %dma_wait3A_1658 = tpu.memref_slice %arg5[%dma_wait3A_1656, %dma_wait3A_1657] : memref<32x1000000xf32, #tpu.memory_space<hbm>> -> memref<32x128xf32, #tpu.memory_space<hbm>>
      tpu.wait_dma2 semaphore(%arg13 : memref<!tpu.dma_semaphore, #tpu.memory_space<semaphore_mem>>) src(%dma_wait3A_1658 : memref<32x128xf32, #tpu.memory_space<hbm>>) dst(%dma_wait3A_1655 : memref<32x128xf32, #tpu.memory_space<vmem>>)
      %dma_wait3A_1659 = arith.constant 1 : i32
      %dma_wait3A_1660 = arith.constant 2 : i32
      %dma_wait3A_1661 = arith.constant 0 : i32
      %dma_wait3A_1662 = arith.constant 0 : i32
      %dma_wait3A_1663 = tpu.memref_slice %arg9[%dma_wait3A_1659, %dma_wait3A_1660, %dma_wait3A_1661, %dma_wait3A_1662] : memref<2x4x32x128xf32, #tpu.memory_space<vmem>> -> memref<1x1x32x128xf32, #tpu.memory_space<vmem>>
      %dma_wait3A_1664 = tpu.memref_squeeze %dma_wait3A_1663 : memref<1x1x32x128xf32, #tpu.memory_space<vmem>> -> memref<32x128xf32, #tpu.memory_space<vmem>>
      %dma_wait3A_1665 = arith.constant 0 : i32
      %dma_wait3A_1666 = arith.constant 0 : i32
      %dma_wait3A_1667 = tpu.memref_slice %arg4[%dma_wait3A_1665, %dma_wait3A_1666] : memref<32x1000000xf32, #tpu.memory_space<hbm>> -> memref<32x128xf32, #tpu.memory_space<hbm>>
      %dma_wait3A_1668 = arith.constant 0 : i32
      %dma_wait3A_1669 = arith.constant 0 : i32
      %dma_wait3A_1670 = tpu.memref_slice %arg9[%dma_wait3A_1659, %dma_wait3A_1660, %dma_wait3A_1668, %dma_wait3A_1669] : memref<2x4x32x128xf32, #tpu.memory_space<vmem>> -> memref<1x1x32x128xf32, #tpu.memory_space<vmem>>
      %dma_wait3A_1671 = tpu.memref_squeeze %dma_wait3A_1670 : memref<1x1x32x128xf32, #tpu.memory_space<vmem>> -> memref<32x128xf32, #tpu.memory_space<vmem>>
      %dma_wait3A_1672 = arith.constant 0 : i32
      %dma_wait3A_1673 = arith.constant 0 : i32
      %dma_wait3A_1674 = tpu.memref_slice %arg4[%dma_wait3A_1672, %dma_wait3A_1673] : memref<32x1000000xf32, #tpu.memory_space<hbm>> -> memref<32x128xf32, #tpu.memory_space<hbm>>
      tpu.wait_dma2 semaphore(%arg12 : memref<!tpu.dma_semaphore, #tpu.memory_space<semaphore_mem>>) src(%dma_wait3A_1674 : memref<32x128xf32, #tpu.memory_space<hbm>>) dst(%dma_wait3A_1671 : memref<32x128xf32, #tpu.memory_space<vmem>>)
      %dma_wait3A_1675 = arith.constant 1 : i32
      %dma_wait3A_1676 = arith.constant 2 : i32
      %dma_wait3A_1677 = arith.constant 0 : i32
      %dma_wait3A_1678 = arith.constant 0 : i32
      %dma_wait3A_1679 = tpu.memref_slice %arg10[%dma_wait3A_1675, %dma_wait3A_1676, %dma_wait3A_1677, %dma_wait3A_1678] : memref<2x4x32x128xf32, #tpu.memory_space<vmem>> -> memref<1x1x32x128xf32, #tpu.memory_space<vmem>>
      %dma_wait3A_1680 = tpu.memref_squeeze %dma_wait3A_1679 : memref<1x1x32x128xf32, #tpu.memory_space<vmem>> -> memref<32x128xf32, #tpu.memory_space<vmem>>
      %dma_wait3A_1681 = arith.constant 0 : i32
      %dma_wait3A_1682 = arith.constant 0 : i32
      %dma_wait3A_1683 = tpu.memref_slice %arg5[%dma_wait3A_1681, %dma_wait3A_1682] : memref<32x1000000xf32, #tpu.memory_space<hbm>> -> memref<32x128xf32, #tpu.memory_space<hbm>>
      %dma_wait3A_1684 = arith.constant 0 : i32
      %dma_wait3A_1685 = arith.constant 0 : i32
      %dma_wait3A_1686 = tpu.memref_slice %arg10[%dma_wait3A_1675, %dma_wait3A_1676, %dma_wait3A_1684, %dma_wait3A_1685] : memref<2x4x32x128xf32, #tpu.memory_space<vmem>> -> memref<1x1x32x128xf32, #tpu.memory_space<vmem>>
      %dma_wait3A_1687 = tpu.memref_squeeze %dma_wait3A_1686 : memref<1x1x32x128xf32, #tpu.memory_space<vmem>> -> memref<32x128xf32, #tpu.memory_space<vmem>>
      %dma_wait3A_1688 = arith.constant 0 : i32
      %dma_wait3A_1689 = arith.constant 0 : i32
      %dma_wait3A_1690 = tpu.memref_slice %arg5[%dma_wait3A_1688, %dma_wait3A_1689] : memref<32x1000000xf32, #tpu.memory_space<hbm>> -> memref<32x128xf32, #tpu.memory_space<hbm>>
      tpu.wait_dma2 semaphore(%arg13 : memref<!tpu.dma_semaphore, #tpu.memory_space<semaphore_mem>>) src(%dma_wait3A_1690 : memref<32x128xf32, #tpu.memory_space<hbm>>) dst(%dma_wait3A_1687 : memref<32x128xf32, #tpu.memory_space<vmem>>)
      %dma_wait3A_1691 = arith.constant 1 : i32
      %dma_wait3A_1692 = arith.constant 3 : i32
      %dma_wait3A_1693 = arith.constant 0 : i32
      %dma_wait3A_1694 = arith.constant 0 : i32
      %dma_wait3A_1695 = tpu.memref_slice %arg9[%dma_wait3A_1691, %dma_wait3A_1692, %dma_wait3A_1693, %dma_wait3A_1694] : memref<2x4x32x128xf32, #tpu.memory_space<vmem>> -> memref<1x1x32x128xf32, #tpu.memory_space<vmem>>
      %dma_wait3A_1696 = tpu.memref_squeeze %dma_wait3A_1695 : memref<1x1x32x128xf32, #tpu.memory_space<vmem>> -> memref<32x128xf32, #tpu.memory_space<vmem>>
      %dma_wait3A_1697 = arith.constant 0 : i32
      %dma_wait3A_1698 = arith.constant 0 : i32
      %dma_wait3A_1699 = tpu.memref_slice %arg4[%dma_wait3A_1697, %dma_wait3A_1698] : memref<32x1000000xf32, #tpu.memory_space<hbm>> -> memref<32x128xf32, #tpu.memory_space<hbm>>
      %dma_wait3A_1700 = arith.constant 0 : i32
      %dma_wait3A_1701 = arith.constant 0 : i32
      %dma_wait3A_1702 = tpu.memref_slice %arg9[%dma_wait3A_1691, %dma_wait3A_1692, %dma_wait3A_1700, %dma_wait3A_1701] : memref<2x4x32x128xf32, #tpu.memory_space<vmem>> -> memref<1x1x32x128xf32, #tpu.memory_space<vmem>>
      %dma_wait3A_1703 = tpu.memref_squeeze %dma_wait3A_1702 : memref<1x1x32x128xf32, #tpu.memory_space<vmem>> -> memref<32x128xf32, #tpu.memory_space<vmem>>
      %dma_wait3A_1704 = arith.constant 0 : i32
      %dma_wait3A_1705 = arith.constant 0 : i32
      %dma_wait3A_1706 = tpu.memref_slice %arg4[%dma_wait3A_1704, %dma_wait3A_1705] : memref<32x1000000xf32, #tpu.memory_space<hbm>> -> memref<32x128xf32, #tpu.memory_space<hbm>>
      tpu.wait_dma2 semaphore(%arg12 : memref<!tpu.dma_semaphore, #tpu.memory_space<semaphore_mem>>) src(%dma_wait3A_1706 : memref<32x128xf32, #tpu.memory_space<hbm>>) dst(%dma_wait3A_1703 : memref<32x128xf32, #tpu.memory_space<vmem>>)
      %dma_wait3A_1707 = arith.constant 1 : i32
      %dma_wait3A_1708 = arith.constant 3 : i32
      %dma_wait3A_1709 = arith.constant 0 : i32
      %dma_wait3A_1710 = arith.constant 0 : i32
      %dma_wait3A_1711 = tpu.memref_slice %arg10[%dma_wait3A_1707, %dma_wait3A_1708, %dma_wait3A_1709, %dma_wait3A_1710] : memref<2x4x32x128xf32, #tpu.memory_space<vmem>> -> memref<1x1x32x128xf32, #tpu.memory_space<vmem>>
      %dma_wait3A_1712 = tpu.memref_squeeze %dma_wait3A_1711 : memref<1x1x32x128xf32, #tpu.memory_space<vmem>> -> memref<32x128xf32, #tpu.memory_space<vmem>>
      %dma_wait3A_1713 = arith.constant 0 : i32
      %dma_wait3A_1714 = arith.constant 0 : i32
      %dma_wait3A_1715 = tpu.memref_slice %arg5[%dma_wait3A_1713, %dma_wait3A_1714] : memref<32x1000000xf32, #tpu.memory_space<hbm>> -> memref<32x128xf32, #tpu.memory_space<hbm>>
      %dma_wait3A_1716 = arith.constant 0 : i32
      %dma_wait3A_1717 = arith.constant 0 : i32
      %dma_wait3A_1718 = tpu.memref_slice %arg10[%dma_wait3A_1707, %dma_wait3A_1708, %dma_wait3A_1716, %dma_wait3A_1717] : memref<2x4x32x128xf32, #tpu.memory_space<vmem>> -> memref<1x1x32x128xf32, #tpu.memory_space<vmem>>
      %dma_wait3A_1719 = tpu.memref_squeeze %dma_wait3A_1718 : memref<1x1x32x128xf32, #tpu.memory_space<vmem>> -> memref<32x128xf32, #tpu.memory_space<vmem>>
      %dma_wait3A_1720 = arith.constant 0 : i32
      %dma_wait3A_1721 = arith.constant 0 : i32
      %dma_wait3A_1722 = tpu.memref_slice %arg5[%dma_wait3A_1720, %dma_wait3A_1721] : memref<32x1000000xf32, #tpu.memory_space<hbm>> -> memref<32x128xf32, #tpu.memory_space<hbm>>
      tpu.wait_dma2 semaphore(%arg13 : memref<!tpu.dma_semaphore, #tpu.memory_space<semaphore_mem>>) src(%dma_wait3A_1722 : memref<32x128xf32, #tpu.memory_space<hbm>>) dst(%dma_wait3A_1719 : memref<32x128xf32, #tpu.memory_space<vmem>>)
      %and3A_1723 = arith.constant 127 : i32
      %and3A_1724 = arith.andi %squeeze3A_43, %and3A_1723 : i32
      %add3A_1725 = vector.broadcast %and3A_1724 : i32 to vector<16xi32>
      %add3A_1726 = arith.addi %broadcast_in_dim3A_6, %add3A_1725 : vector<16xi32>
      %and3A_1727 = arith.constant 127 : i32
      %and3A_1728 = arith.andi %squeeze3A_75, %and3A_1727 : i32
      %add3A_1729 = vector.broadcast %and3A_1728 : i32 to vector<16xi32>
      %add3A_1730 = arith.addi %broadcast_in_dim3A_6, %add3A_1729 : vector<16xi32>
      %mul3A_1731 = arith.constant 16 : i32
      %mul3A_1732 = arith.muli %scan3A_12, %mul3A_1731 : i32
      %add3A_1733 = arith.constant 12 : i32
      %add3A_1734 = arith.addi %mul3A_1732, %add3A_1733 : i32
      %add3A_1735 = vector.broadcast %add3A_1734 : i32 to vector<16xi32>
      %add3A_1736 = arith.addi %broadcast_in_dim3A_6, %add3A_1735 : vector<16xi32>
      %gather3A_1737 = arith.constant 1 : i32
      %gather3A_1738 = arith.constant 0 : i32
      %gather3A_1739 = arith.constant 0 : i32
      %gather3A_1740 = arith.constant 0 : i32
      %gather3A_1741 = tpu.memref_slice %arg9[%gather3A_1737, %gather3A_1738, %gather3A_1739, %gather3A_1740] : memref<2x4x32x128xf32, #tpu.memory_space<vmem>> -> memref<1x1x32x128xf32, #tpu.memory_space<vmem>>
      %gather3A_1742 = tpu.memref_squeeze %gather3A_1741 : memref<1x1x32x128xf32, #tpu.memory_space<vmem>> -> memref<32x128xf32, #tpu.memory_space<vmem>>
      %gather3A_1743 = tpu.vector_load_idx %gather3A_1742[%iota3A, %add3A_1726] : memref<32x128xf32, #tpu.memory_space<vmem>>[vector<16xi32>, vector<16xi32>], vector<16xf32>,
      %gather3A_1744 = arith.constant 1 : i32
      %gather3A_1745 = arith.constant 0 : i32
      %gather3A_1746 = arith.constant 0 : i32
      %gather3A_1747 = arith.constant 0 : i32
      %gather3A_1748 = tpu.memref_slice %arg10[%gather3A_1744, %gather3A_1745, %gather3A_1746, %gather3A_1747] : memref<2x4x32x128xf32, #tpu.memory_space<vmem>> -> memref<1x1x32x128xf32, #tpu.memory_space<vmem>>
      %gather3A_1749 = tpu.memref_squeeze %gather3A_1748 : memref<1x1x32x128xf32, #tpu.memory_space<vmem>> -> memref<32x128xf32, #tpu.memory_space<vmem>>
      %gather3A_1750 = tpu.vector_load_idx %gather3A_1749[%iota3A, %add3A_1730] : memref<32x128xf32, #tpu.memory_space<vmem>>[vector<16xi32>, vector<16xi32>], vector<16xf32>,
      %mul3A_1751 = arith.mulf %gather3A_1743, %gather3A_1750 : vector<16xf32>
      tpu.vector_store_idx %arg11[%iota3A, %add3A_1736], %mul3A_1751 : memref<32x512xf32, #tpu.memory_space<vmem>>[vector<16xi32>, vector<16xi32>], vector<16xf32>,
      %gather3A_1752 = arith.constant 1 : i32
      %gather3A_1753 = arith.constant 0 : i32
      %gather3A_1754 = arith.constant 0 : i32
      %gather3A_1755 = arith.constant 0 : i32
      %gather3A_1756 = tpu.memref_slice %arg9[%gather3A_1752, %gather3A_1753, %gather3A_1754, %gather3A_1755] : memref<2x4x32x128xf32, #tpu.memory_space<vmem>> -> memref<1x1x32x128xf32, #tpu.memory_space<vmem>>
      %gather3A_1757 = tpu.memref_squeeze %gather3A_1756 : memref<1x1x32x128xf32, #tpu.memory_space<vmem>> -> memref<32x128xf32, #tpu.memory_space<vmem>>
      %gather3A_1758 = tpu.vector_load_idx %gather3A_1757[%add3A_5, %add3A_1726] : memref<32x128xf32, #tpu.memory_space<vmem>>[vector<16xi32>, vector<16xi32>], vector<16xf32>,
      %gather3A_1759 = arith.constant 1 : i32
      %gather3A_1760 = arith.constant 0 : i32
      %gather3A_1761 = arith.constant 0 : i32
      %gather3A_1762 = arith.constant 0 : i32
      %gather3A_1763 = tpu.memref_slice %arg10[%gather3A_1759, %gather3A_1760, %gather3A_1761, %gather3A_1762] : memref<2x4x32x128xf32, #tpu.memory_space<vmem>> -> memref<1x1x32x128xf32, #tpu.memory_space<vmem>>
      %gather3A_1764 = tpu.memref_squeeze %gather3A_1763 : memref<1x1x32x128xf32, #tpu.memory_space<vmem>> -> memref<32x128xf32, #tpu.memory_space<vmem>>
      %gather3A_1765 = tpu.vector_load_idx %gather3A_1764[%add3A_5, %add3A_1730] : memref<32x128xf32, #tpu.memory_space<vmem>>[vector<16xi32>, vector<16xi32>], vector<16xf32>,
      %mul3A_1766 = arith.mulf %gather3A_1758, %gather3A_1765 : vector<16xf32>
      tpu.vector_store_idx %arg11[%add3A_5, %add3A_1736], %mul3A_1766 : memref<32x512xf32, #tpu.memory_space<vmem>>[vector<16xi32>, vector<16xi32>], vector<16xf32>,
      %and3A_1767 = arith.constant 127 : i32
      %and3A_1768 = arith.andi %squeeze3A_45, %and3A_1767 : i32
      %add3A_1769 = vector.broadcast %and3A_1768 : i32 to vector<16xi32>
      %add3A_1770 = arith.addi %broadcast_in_dim3A_6, %add3A_1769 : vector<16xi32>
      %and3A_1771 = arith.constant 127 : i32
      %and3A_1772 = arith.andi %squeeze3A_77, %and3A_1771 : i32
      %add3A_1773 = vector.broadcast %and3A_1772 : i32 to vector<16xi32>
      %add3A_1774 = arith.addi %broadcast_in_dim3A_6, %add3A_1773 : vector<16xi32>
      %mul3A_1775 = arith.constant 16 : i32
      %mul3A_1776 = arith.muli %scan3A_12, %mul3A_1775 : i32
      %add3A_1777 = arith.constant 13 : i32
      %add3A_1778 = arith.addi %mul3A_1776, %add3A_1777 : i32
      %add3A_1779 = vector.broadcast %add3A_1778 : i32 to vector<16xi32>
      %add3A_1780 = arith.addi %broadcast_in_dim3A_6, %add3A_1779 : vector<16xi32>
      %gather3A_1781 = arith.constant 1 : i32
      %gather3A_1782 = arith.constant 1 : i32
      %gather3A_1783 = arith.constant 0 : i32
      %gather3A_1784 = arith.constant 0 : i32
      %gather3A_1785 = tpu.memref_slice %arg9[%gather3A_1781, %gather3A_1782, %gather3A_1783, %gather3A_1784] : memref<2x4x32x128xf32, #tpu.memory_space<vmem>> -> memref<1x1x32x128xf32, #tpu.memory_space<vmem>>
      %gather3A_1786 = tpu.memref_squeeze %gather3A_1785 : memref<1x1x32x128xf32, #tpu.memory_space<vmem>> -> memref<32x128xf32, #tpu.memory_space<vmem>>
      %gather3A_1787 = tpu.vector_load_idx %gather3A_1786[%iota3A, %add3A_1770] : memref<32x128xf32, #tpu.memory_space<vmem>>[vector<16xi32>, vector<16xi32>], vector<16xf32>,
      %gather3A_1788 = arith.constant 1 : i32
      %gather3A_1789 = arith.constant 1 : i32
      %gather3A_1790 = arith.constant 0 : i32
      %gather3A_1791 = arith.constant 0 : i32
      %gather3A_1792 = tpu.memref_slice %arg10[%gather3A_1788, %gather3A_1789, %gather3A_1790, %gather3A_1791] : memref<2x4x32x128xf32, #tpu.memory_space<vmem>> -> memref<1x1x32x128xf32, #tpu.memory_space<vmem>>
      %gather3A_1793 = tpu.memref_squeeze %gather3A_1792 : memref<1x1x32x128xf32, #tpu.memory_space<vmem>> -> memref<32x128xf32, #tpu.memory_space<vmem>>
      %gather3A_1794 = tpu.vector_load_idx %gather3A_1793[%iota3A, %add3A_1774] : memref<32x128xf32, #tpu.memory_space<vmem>>[vector<16xi32>, vector<16xi32>], vector<16xf32>,
      %mul3A_1795 = arith.mulf %gather3A_1787, %gather3A_1794 : vector<16xf32>
      tpu.vector_store_idx %arg11[%iota3A, %add3A_1780], %mul3A_1795 : memref<32x512xf32, #tpu.memory_space<vmem>>[vector<16xi32>, vector<16xi32>], vector<16xf32>,
      %gather3A_1796 = arith.constant 1 : i32
      %gather3A_1797 = arith.constant 1 : i32
      %gather3A_1798 = arith.constant 0 : i32
      %gather3A_1799 = arith.constant 0 : i32
      %gather3A_1800 = tpu.memref_slice %arg9[%gather3A_1796, %gather3A_1797, %gather3A_1798, %gather3A_1799] : memref<2x4x32x128xf32, #tpu.memory_space<vmem>> -> memref<1x1x32x128xf32, #tpu.memory_space<vmem>>
      %gather3A_1801 = tpu.memref_squeeze %gather3A_1800 : memref<1x1x32x128xf32, #tpu.memory_space<vmem>> -> memref<32x128xf32, #tpu.memory_space<vmem>>
      %gather3A_1802 = tpu.vector_load_idx %gather3A_1801[%add3A_5, %add3A_1770] : memref<32x128xf32, #tpu.memory_space<vmem>>[vector<16xi32>, vector<16xi32>], vector<16xf32>,
      %gather3A_1803 = arith.constant 1 : i32
      %gather3A_1804 = arith.constant 1 : i32
      %gather3A_1805 = arith.constant 0 : i32
      %gather3A_1806 = arith.constant 0 : i32
      %gather3A_1807 = tpu.memref_slice %arg10[%gather3A_1803, %gather3A_1804, %gather3A_1805, %gather3A_1806] : memref<2x4x32x128xf32, #tpu.memory_space<vmem>> -> memref<1x1x32x128xf32, #tpu.memory_space<vmem>>
      %gather3A_1808 = tpu.memref_squeeze %gather3A_1807 : memref<1x1x32x128xf32, #tpu.memory_space<vmem>> -> memref<32x128xf32, #tpu.memory_space<vmem>>
      %gather3A_1809 = tpu.vector_load_idx %gather3A_1808[%add3A_5, %add3A_1774] : memref<32x128xf32, #tpu.memory_space<vmem>>[vector<16xi32>, vector<16xi32>], vector<16xf32>,
      %mul3A_1810 = arith.mulf %gather3A_1802, %gather3A_1809 : vector<16xf32>
      tpu.vector_store_idx %arg11[%add3A_5, %add3A_1780], %mul3A_1810 : memref<32x512xf32, #tpu.memory_space<vmem>>[vector<16xi32>, vector<16xi32>], vector<16xf32>,
      %and3A_1811 = arith.constant 127 : i32
      %and3A_1812 = arith.andi %squeeze3A_47, %and3A_1811 : i32
      %add3A_1813 = vector.broadcast %and3A_1812 : i32 to vector<16xi32>
      %add3A_1814 = arith.addi %broadcast_in_dim3A_6, %add3A_1813 : vector<16xi32>
      %and3A_1815 = arith.constant 127 : i32
      %and3A_1816 = arith.andi %squeeze3A_79, %and3A_1815 : i32
      %add3A_1817 = vector.broadcast %and3A_1816 : i32 to vector<16xi32>
      %add3A_1818 = arith.addi %broadcast_in_dim3A_6, %add3A_1817 : vector<16xi32>
      %mul3A_1819 = arith.constant 16 : i32
      %mul3A_1820 = arith.muli %scan3A_12, %mul3A_1819 : i32
      %add3A_1821 = arith.constant 14 : i32
      %add3A_1822 = arith.addi %mul3A_1820, %add3A_1821 : i32
      %add3A_1823 = vector.broadcast %add3A_1822 : i32 to vector<16xi32>
      %add3A_1824 = arith.addi %broadcast_in_dim3A_6, %add3A_1823 : vector<16xi32>
      %gather3A_1825 = arith.constant 1 : i32
      %gather3A_1826 = arith.constant 2 : i32
      %gather3A_1827 = arith.constant 0 : i32
      %gather3A_1828 = arith.constant 0 : i32
      %gather3A_1829 = tpu.memref_slice %arg9[%gather3A_1825, %gather3A_1826, %gather3A_1827, %gather3A_1828] : memref<2x4x32x128xf32, #tpu.memory_space<vmem>> -> memref<1x1x32x128xf32, #tpu.memory_space<vmem>>
      %gather3A_1830 = tpu.memref_squeeze %gather3A_1829 : memref<1x1x32x128xf32, #tpu.memory_space<vmem>> -> memref<32x128xf32, #tpu.memory_space<vmem>>
      %gather3A_1831 = tpu.vector_load_idx %gather3A_1830[%iota3A, %add3A_1814] : memref<32x128xf32, #tpu.memory_space<vmem>>[vector<16xi32>, vector<16xi32>], vector<16xf32>,
      %gather3A_1832 = arith.constant 1 : i32
      %gather3A_1833 = arith.constant 2 : i32
      %gather3A_1834 = arith.constant 0 : i32
      %gather3A_1835 = arith.constant 0 : i32
      %gather3A_1836 = tpu.memref_slice %arg10[%gather3A_1832, %gather3A_1833, %gather3A_1834, %gather3A_1835] : memref<2x4x32x128xf32, #tpu.memory_space<vmem>> -> memref<1x1x32x128xf32, #tpu.memory_space<vmem>>
      %gather3A_1837 = tpu.memref_squeeze %gather3A_1836 : memref<1x1x32x128xf32, #tpu.memory_space<vmem>> -> memref<32x128xf32, #tpu.memory_space<vmem>>
      %gather3A_1838 = tpu.vector_load_idx %gather3A_1837[%iota3A, %add3A_1818] : memref<32x128xf32, #tpu.memory_space<vmem>>[vector<16xi32>, vector<16xi32>], vector<16xf32>,
      %mul3A_1839 = arith.mulf %gather3A_1831, %gather3A_1838 : vector<16xf32>
      tpu.vector_store_idx %arg11[%iota3A, %add3A_1824], %mul3A_1839 : memref<32x512xf32, #tpu.memory_space<vmem>>[vector<16xi32>, vector<16xi32>], vector<16xf32>,
      %gather3A_1840 = arith.constant 1 : i32
      %gather3A_1841 = arith.constant 2 : i32
      %gather3A_1842 = arith.constant 0 : i32
      %gather3A_1843 = arith.constant 0 : i32
      %gather3A_1844 = tpu.memref_slice %arg9[%gather3A_1840, %gather3A_1841, %gather3A_1842, %gather3A_1843] : memref<2x4x32x128xf32, #tpu.memory_space<vmem>> -> memref<1x1x32x128xf32, #tpu.memory_space<vmem>>
      %gather3A_1845 = tpu.memref_squeeze %gather3A_1844 : memref<1x1x32x128xf32, #tpu.memory_space<vmem>> -> memref<32x128xf32, #tpu.memory_space<vmem>>
      %gather3A_1846 = tpu.vector_load_idx %gather3A_1845[%add3A_5, %add3A_1814] : memref<32x128xf32, #tpu.memory_space<vmem>>[vector<16xi32>, vector<16xi32>], vector<16xf32>,
      %gather3A_1847 = arith.constant 1 : i32
      %gather3A_1848 = arith.constant 2 : i32
      %gather3A_1849 = arith.constant 0 : i32
      %gather3A_1850 = arith.constant 0 : i32
      %gather3A_1851 = tpu.memref_slice %arg10[%gather3A_1847, %gather3A_1848, %gather3A_1849, %gather3A_1850] : memref<2x4x32x128xf32, #tpu.memory_space<vmem>> -> memref<1x1x32x128xf32, #tpu.memory_space<vmem>>
      %gather3A_1852 = tpu.memref_squeeze %gather3A_1851 : memref<1x1x32x128xf32, #tpu.memory_space<vmem>> -> memref<32x128xf32, #tpu.memory_space<vmem>>
      %gather3A_1853 = tpu.vector_load_idx %gather3A_1852[%add3A_5, %add3A_1818] : memref<32x128xf32, #tpu.memory_space<vmem>>[vector<16xi32>, vector<16xi32>], vector<16xf32>,
      %mul3A_1854 = arith.mulf %gather3A_1846, %gather3A_1853 : vector<16xf32>
      tpu.vector_store_idx %arg11[%add3A_5, %add3A_1824], %mul3A_1854 : memref<32x512xf32, #tpu.memory_space<vmem>>[vector<16xi32>, vector<16xi32>], vector<16xf32>,
      %and3A_1855 = arith.constant 127 : i32
      %and3A_1856 = arith.andi %squeeze3A_49, %and3A_1855 : i32
      %add3A_1857 = vector.broadcast %and3A_1856 : i32 to vector<16xi32>
      %add3A_1858 = arith.addi %broadcast_in_dim3A_6, %add3A_1857 : vector<16xi32>
      %and3A_1859 = arith.constant 127 : i32
      %and3A_1860 = arith.andi %squeeze3A_81, %and3A_1859 : i32
      %add3A_1861 = vector.broadcast %and3A_1860 : i32 to vector<16xi32>
      %add3A_1862 = arith.addi %broadcast_in_dim3A_6, %add3A_1861 : vector<16xi32>
      %mul3A_1863 = arith.constant 16 : i32
      %mul3A_1864 = arith.muli %scan3A_12, %mul3A_1863 : i32
      %add3A_1865 = arith.constant 15 : i32
      %add3A_1866 = arith.addi %mul3A_1864, %add3A_1865 : i32
      %add3A_1867 = vector.broadcast %add3A_1866 : i32 to vector<16xi32>
      %add3A_1868 = arith.addi %broadcast_in_dim3A_6, %add3A_1867 : vector<16xi32>
      %gather3A_1869 = arith.constant 1 : i32
      %gather3A_1870 = arith.constant 3 : i32
      %gather3A_1871 = arith.constant 0 : i32
      %gather3A_1872 = arith.constant 0 : i32
      %gather3A_1873 = tpu.memref_slice %arg9[%gather3A_1869, %gather3A_1870, %gather3A_1871, %gather3A_1872] : memref<2x4x32x128xf32, #tpu.memory_space<vmem>> -> memref<1x1x32x128xf32, #tpu.memory_space<vmem>>
      %gather3A_1874 = tpu.memref_squeeze %gather3A_1873 : memref<1x1x32x128xf32, #tpu.memory_space<vmem>> -> memref<32x128xf32, #tpu.memory_space<vmem>>
      %gather3A_1875 = tpu.vector_load_idx %gather3A_1874[%iota3A, %add3A_1858] : memref<32x128xf32, #tpu.memory_space<vmem>>[vector<16xi32>, vector<16xi32>], vector<16xf32>,
      %gather3A_1876 = arith.constant 1 : i32
      %gather3A_1877 = arith.constant 3 : i32
      %gather3A_1878 = arith.constant 0 : i32
      %gather3A_1879 = arith.constant 0 : i32
      %gather3A_1880 = tpu.memref_slice %arg10[%gather3A_1876, %gather3A_1877, %gather3A_1878, %gather3A_1879] : memref<2x4x32x128xf32, #tpu.memory_space<vmem>> -> memref<1x1x32x128xf32, #tpu.memory_space<vmem>>
      %gather3A_1881 = tpu.memref_squeeze %gather3A_1880 : memref<1x1x32x128xf32, #tpu.memory_space<vmem>> -> memref<32x128xf32, #tpu.memory_space<vmem>>
      %gather3A_1882 = tpu.vector_load_idx %gather3A_1881[%iota3A, %add3A_1862] : memref<32x128xf32, #tpu.memory_space<vmem>>[vector<16xi32>, vector<16xi32>], vector<16xf32>,
      %mul3A_1883 = arith.mulf %gather3A_1875, %gather3A_1882 : vector<16xf32>
      tpu.vector_store_idx %arg11[%iota3A, %add3A_1868], %mul3A_1883 : memref<32x512xf32, #tpu.memory_space<vmem>>[vector<16xi32>, vector<16xi32>], vector<16xf32>,
      %gather3A_1884 = arith.constant 1 : i32
      %gather3A_1885 = arith.constant 3 : i32
      %gather3A_1886 = arith.constant 0 : i32
      %gather3A_1887 = arith.constant 0 : i32
      %gather3A_1888 = tpu.memref_slice %arg9[%gather3A_1884, %gather3A_1885, %gather3A_1886, %gather3A_1887] : memref<2x4x32x128xf32, #tpu.memory_space<vmem>> -> memref<1x1x32x128xf32, #tpu.memory_space<vmem>>
      %gather3A_1889 = tpu.memref_squeeze %gather3A_1888 : memref<1x1x32x128xf32, #tpu.memory_space<vmem>> -> memref<32x128xf32, #tpu.memory_space<vmem>>
      %gather3A_1890 = tpu.vector_load_idx %gather3A_1889[%add3A_5, %add3A_1858] : memref<32x128xf32, #tpu.memory_space<vmem>>[vector<16xi32>, vector<16xi32>], vector<16xf32>,
      %gather3A_1891 = arith.constant 1 : i32
      %gather3A_1892 = arith.constant 3 : i32
      %gather3A_1893 = arith.constant 0 : i32
      %gather3A_1894 = arith.constant 0 : i32
      %gather3A_1895 = tpu.memref_slice %arg10[%gather3A_1891, %gather3A_1892, %gather3A_1893, %gather3A_1894] : memref<2x4x32x128xf32, #tpu.memory_space<vmem>> -> memref<1x1x32x128xf32, #tpu.memory_space<vmem>>
      %gather3A_1896 = tpu.memref_squeeze %gather3A_1895 : memref<1x1x32x128xf32, #tpu.memory_space<vmem>> -> memref<32x128xf32, #tpu.memory_space<vmem>>
      %gather3A_1897 = tpu.vector_load_idx %gather3A_1896[%add3A_5, %add3A_1862] : memref<32x128xf32, #tpu.memory_space<vmem>>[vector<16xi32>, vector<16xi32>], vector<16xf32>,
      %mul3A_1898 = arith.mulf %gather3A_1890, %gather3A_1897 : vector<16xf32>
      tpu.vector_store_idx %arg11[%add3A_5, %add3A_1868], %mul3A_1898 : memref<32x512xf32, #tpu.memory_space<vmem>>[vector<16xi32>, vector<16xi32>], vector<16xf32>,
    }
    %scan3A_11 = arith.constant 32 : i32
    "tpu.region"() ({
      %run_scoped3A = tpu.sem_alloc : memref<!tpu.dma_semaphore, #tpu.memory_space<semaphore_mem>>
      %dma_start3A = arith.constant 0 : i32
      %dma_start3A_12 = tpu.memref_slice %arg6[%dma_start3A, %mul3A_2] : memref<32x16384xf32, #tpu.memory_space<hbm>> -> memref<32x512xf32, #tpu.memory_space<hbm>>
      %dma_start3A_13 = arith.constant 0 : i32
      %dma_start3A_14 = tpu.memref_slice %arg6[%dma_start3A_13, %mul3A_2] : memref<32x16384xf32, #tpu.memory_space<hbm>> -> memref<32x512xf32, #tpu.memory_space<hbm>>
      tpu.enqueue_dma source(%arg11 : memref<32x512xf32, #tpu.memory_space<vmem>>) target(%dma_start3A_14 : memref<32x512xf32, #tpu.memory_space<hbm>>) target_semaphore(%run_scoped3A : memref<!tpu.dma_semaphore, #tpu.memory_space<semaphore_mem>>)
      %dma_wait3A = arith.constant 0 : i32
      %dma_wait3A_15 = tpu.memref_slice %arg6[%dma_wait3A, %mul3A_2] : memref<32x16384xf32, #tpu.memory_space<hbm>> -> memref<32x512xf32, #tpu.memory_space<hbm>>
      %dma_wait3A_16 = arith.constant 0 : i32
      %dma_wait3A_17 = tpu.memref_slice %arg6[%dma_wait3A_16, %mul3A_2] : memref<32x16384xf32, #tpu.memory_space<hbm>> -> memref<32x512xf32, #tpu.memory_space<hbm>>
      tpu.wait_dma2 semaphore(%run_scoped3A : memref<!tpu.dma_semaphore, #tpu.memory_space<semaphore_mem>>) src(%arg11 : memref<32x512xf32, #tpu.memory_space<vmem>>) dst(%dma_wait3A_17 : memref<32x512xf32, #tpu.memory_space<hbm>>)
      tpu.yield
    }) : () -> ()
    return
  }
}

</mosaic_0001>

<sc_bundles>
// kernel: kernel.3.cloned.1.call-start
scs
__scs_entry_jumppad:
0x0: {  	(pc) =	sbr.rel $0x88, $3  }
0x1: {  	(tag) =	ssettag $0x0;
	lr =	simm.s32 $0x1  }
0x2: {  	[smem:$0x3F9D] =	sst lr;
	_ =	strace $0xD0000000  }
0x3: {  	_ = 	snop  }
0x4: {  	_ = 	snop  }
0x5: {  	_ = 	snop  }
0x6: {  	_ = 	snop  }
0x7: {  	_ = 	snop  }
__scs_overlays_trampoline_lowered:
0x8: {  	[smem:$0x3FAC] =	sst s0  }
0x9: {  	[smem:$0x3FAD] =	sst s1  }
0xa: {  	[smem:$0x3FAE] =	sst s2  }
0xb: {  	[smem:$0x3FAF] =	sst s3  }
0xc: {  	[smem:$0x3FB0] =	sst s4  }
0xd: {  	[smem:$0x3FB1] =	sst s5  }
0xe: {  	[smem:$0x3FB2] =	sst s6  }
0xf: {  	[smem:$0x3FB3] =	sst s7  }
0x10: {  	[smem:$0x3FB4] =	sst s8  }
0x11: {  	[smem:$0x3FB5] =	sst s9;
	s0 =	simm.s32 @!p0 $0x0  }
0x12: {  	s1 =	sld [smem:$0x3F9B];
	s0 =	simm.s32 @p0 $0x1  }
0x13: {  	[smem:$0x3FB6] =	sst s0;
	s0 =	simm.s32 @!p1 $0x0  }
0x14: {  	s2 =	sld [smem:$0x3F9A];
	s0 =	simm.s32 @p1 $0x1  }
0x15: {  	[smem:$0x3FB7] =	sst s0;
	s0 =	simm.s32 @!p2 $0x0  }
0x16: {  	s3 =	sld [smem:$0x3FDB];
	s0 =	simm.s32 @p2 $0x1  }
0x17: {  	s4 =	simm.s32 $0x1BF5;
	[smem:$0x3FB9] =	sst s0  }
0x18: {  	s0 =	sld [smem:$0x3F9C];
	_ =	swait.ge [sflag:s4], $0x0  }
0x19: {  	s7 =	sld [smem:$0x3F9D]  }
0x1a: {  	s8 =	sadd.s32 $0xFFFFE003, lr  }
0x1b: {  	s9 =	sadd.s32 $0xFFFFFEF7, lr;
	s5 =	simm.s32 $0xFFFFFFFF;
	p2 =	slt.u32 s8, $0xFFFFF086  }
0x1c: {  	p1 =	slt.u32 s9, $0xF7A;
	s5 =	simm.s32 @!p2 $0x0  }
0x1d: {  	s5 =	simm.s32 @p1 $0x1;
	p0 =	seq.s32 s7, s2  }
0x1e: {  	s7 =	smul.u32 @!p0 $0xF7A, s2;
	p2 =	seq.s32 @!p0 s5, $0x0  }
0x1f: {  	s9 =	smul.u32 $0xF7A, s1;
	s8 =	simm.s32 @!p0 $0x1BF5;
	p2 =	por !p2, p0  }
0x20: {  	[sflag:s8] =	ssyncset.s32 @!p0 $0xFFFFF086;
	s6 =	sadd.s32 @!p0 s3, s7;
	s7 =	simm.s32 @!p0 $0x108  }
0x21: {  	s3 =	sadd.s32 s3, s9;
	s6 =	sadd.s32 @!p0 $0x88, s6;
	s7 =	simm.s32 @p2 $0x1082  }
0x22: {  	[simem:s7], [sflag:s8] =	dma.local @!p0 [hbm:s6], $0xF7A  }
0x23: {  	s9 =	sor.u32 $0xD0000000, s2;
	s6 =	simm.s32 $0x108;
	_ =	swait.ge @!p0 [sflag:s8], $0x0  }
0x24: {  	s3 =	sadd.s32 $0x88, s3;
	s6 =	simm.s32 @!p1 $0x1082;
	[sflag:s4] =	ssyncset.s32 $0xFFFFF086  }
0x25: {  	[simem:s6], [sflag:s4] =	dma.local [hbm:s3], $0xF7A  }
0x26: {  	[smem:$0x3F9D] =	sst s1;
	(tag) =	ssettag s2;
	_ =	strace s9  }
0x27: {  	s1 =	sld [smem:$0x3FAD]  }
0x28: {  	s2 =	sld [smem:$0x3FAE]  }
0x29: {  	s4 =	sld [smem:$0x3FB0]  }
0x2a: {  	p0 =	seq.s32 s5, $0x0;
	s5 =	sld [smem:$0x3FB1]  }
0x2b: {  	s6 =	sld [smem:$0x3FB2]  }
0x2c: {  	s7 =	sld [smem:$0x3FB3]  }
0x2d: {  	s3 =	simm.s32 $0x108;
	s8 =	sld [smem:$0x3FB4]  }
0x2e: {  	s3 =	simm.s32 @!p0 $0x1082;
	s9 =	sld [smem:$0x3FB5]  }
0x2f: {  	lr =	sadd.s32 s0, s3;
	s0 =	sld [smem:$0x3FAC]  }
0x30: {  	s3 =	sld [smem:$0x3FAF]  }
0x31: {  	[smem:$0x3FB8] =	sst s10  }
0x32: {  	s10 =	sld [smem:$0x3FB6];
	_ =	sdelay $0x3  }
0x33: {  	p0 =	seq.s32 s10, $0x1;
	s10 =	sld [smem:$0x3FB8];
	_ =	sdelay $0x3  }
0x34: {  	[smem:$0x3FB8] =	sst s10  }
0x35: {  	s10 =	sld [smem:$0x3FB7];
	_ =	sdelay $0x3  }
0x36: {  	p1 =	seq.s32 s10, $0x1;
	s10 =	sld [smem:$0x3FB8];
	_ =	sdelay $0x3  }
0x37: {  	[smem:$0x3FB8] =	sst s10  }
0x38: {  	s10 =	sld [smem:$0x3FB9]  }
0x39: {  	_ = 	snop;
	(pc) =	sbr.ind lr, $3  }
0x3a: {  	_ = 	snop  }
0x3b: {  	_ = 	snop  }
0x3c: {  	p2 =	seq.s32 s10, $0x1;
	s10 =	sld [smem:$0x3FB8]  }
0x3d: {  	_ =	shalt  }
0x3e: {  	_ =	shalt  }
0x3f: {  	_ =	shalt  }
0x40: {  	_ =	shalt  }
0x41: {  	_ =	shalt  }
0x42: {  	_ =	shalt  }
0x43: {  	_ =	shalt  }
0x44: {  	_ =	shalt  }
0x45: {  	_ =	shalt  }
0x46: {  	_ =	shalt  }
0x47: {  	_ =	shalt  }
0x48: {  	_ =	shalt  }
0x49: {  	_ =	shalt  }
0x4a: {  	_ =	shalt  }
0x4b: {  	_ =	shalt  }
0x4c: {  	_ =	shalt  }
0x4d: {  	_ =	shalt  }
0x4e: {  	_ =	shalt  }
0x4f: {  	_ =	shalt  }
0x50: {  	_ =	shalt  }
0x51: {  	_ =	shalt  }
0x52: {  	_ =	shalt  }
0x53: {  	_ =	shalt  }
0x54: {  	_ =	shalt  }
0x55: {  	_ =	shalt  }
0x56: {  	_ =	shalt  }
0x57: {  	_ =	shalt  }
0x58: {  	_ =	shalt  }
0x59: {  	_ =	shalt  }
0x5a: {  	_ =	shalt  }
0x5b: {  	_ =	shalt  }
0x5c: {  	_ =	shalt  }
0x5d: {  	_ =	shalt  }
0x5e: {  	_ =	shalt  }
0x5f: {  	_ =	shalt  }
0x60: {  	_ =	shalt  }
0x61: {  	_ =	shalt  }
0x62: {  	_ =	shalt  }
0x63: {  	_ =	shalt  }
0x64: {  	_ =	shalt  }
0x65: {  	_ =	shalt  }
0x66: {  	_ =	shalt  }
0x67: {  	_ =	shalt  }
0x68: {  	_ =	shalt  }
0x69: {  	_ =	shalt  }
0x6a: {  	_ =	shalt  }
0x6b: {  	_ =	shalt  }
0x6c: {  	_ =	shalt  }
0x6d: {  	_ =	shalt  }
0x6e: {  	_ =	shalt  }
0x6f: {  	_ =	shalt  }
0x70: {  	_ =	shalt  }
0x71: {  	_ =	shalt  }
0x72: {  	_ =	shalt  }
0x73: {  	_ =	shalt  }
0x74: {  	_ =	shalt  }
0x75: {  	_ =	shalt  }
0x76: {  	_ =	shalt  }
0x77: {  	_ =	shalt  }
0x78: {  	_ =	shalt  }
0x79: {  	_ =	shalt  }
0x7a: {  	_ =	shalt  }
0x7b: {  	_ =	shalt  }
0x7c: {  	_ =	shalt  }
0x7d: {  	_ =	shalt  }
0x7e: {  	_ =	shalt  }
0x7f: {  	_ =	shalt  }
0x80: {  	_ =	shalt  }
0x81: {  	_ =	shalt  }
0x82: {  	_ =	shalt  }
0x83: {  	_ =	shalt  }
0x84: {  	_ =	shalt  }
0x85: {  	_ =	shalt  }
0x86: {  	_ =	shalt  }
0x87: {  	_ =	shalt  }
.Lfunc_end0:
.L_simem_size_0:
called_computation_lowered:
.L_overlay_start_0:
0x88: {  	s2 =	sld [smem:$0x3FD9]  }
0x89: {  	s3 =	sld [smem:$0x3FFE];
	_ =	sdelay $0x1  }
0x8a: {  	s1 =	srdreg.scid  }
0x8b: {  	s0 =	sand.u32 $0x1, s1  }
0x8c: {  	s18 =	sshll.u32 s0, $0xA;
	s2 =	sadd.s32 s3, s2  }
0x8d: {  	s2 =	sadd.s32 s2, s18  }
0x8e: {  	[smem:$0x3FC4] =	sst s2  }
0x8f: {  	_ = 	snop  }
0x90: {  	s2 =	sld [smem:$0x3FC9]  }
0x91: {  	s19 =	sld [smem:$0x3FC8]  }
0x92: {  	s4 =	sld [smem:$0x3FC7]  }
0x93: {  	s5 =	sld [smem:$0x3FC6]  }
0x94: {  	s6 =	sld [smem:$0x3FD0];
	(tm) =	ssettm $0x1  }
0x95: {  	s7 =	sld [smem:$0x3FFB];
	_ =	sdelay $0x3  }
0x96: {  	_ =	strace s7  }
0x97: {  	s7 =	sld [smem:$0x3FFC];
	_ =	sdelay $0x3  }
0x98: {  	_ =	strace s7  }
0x99: {  	s7 =	sld [smem:$0x3FFD];
	_ =	sdelay $0x3  }
0x9a: {  	_ =	strace s7  }
0x9b: {  	_ =	strace $0x8FFFFFFF  }
0x9c: {  	s20 =	sld [smem:$0x3FDB];
	_ =	sdelay $0x1  }
0x9d: {  	s8 =	simm.s32 $_scs_section_size  }
0x9e: {  	s9 =	simm.s32 $_size__tile_overlayer_lowered;
	s10 =	simm.s32 $_tile_overlayer_lowered  }
0x9f: {  	s23 =	simm.s32 $0x1BFF;
	s22 =	sshll.u32 s10, $0x1;
	s7 =	sadd.s32 s8, s20  }
0xa0: {  	s11 =	simm.s32 $0x0;
	s21 =	sshll.u32 s9, $0x1;
	s9 =	sadd.s32 s22, s7  }
0xa1: {  	[timem:s11], [sflag:s23] =	dma.local [hbm:s9], s21  }
0xa2: {  	_ =	swait.ge [sflag:s23], s21  }
0xa3: {  	s8 =	ssub.s32 $0x0, s21;
	[sflag:s23] =	ssyncset.done $0x0  }
0xa4: {  	[sflag:s23] =	ssyncadd.s32 s8;
	_ =	sdelay $0x1  }
0xa5: {  	s24 =	simm.s32 $0x1B8B  }
0xa6: {  	_ =	swait.ge [sflag:s24], $0x1  }
0xa7: {  	[sflag:s24] =	ssyncset.done $0x0  }
0xa8: {  	s25 =	simm.s32 $0x1B8E;
	[sflag:s24] =	ssyncadd.s32 $0xFFFFFFFF  }
0xa9: {  	s26 =	simm.s32 $execute0_lowered;
	[smem:$0x3FD2] =	sst s25  }
0xaa: {  	s8 =	sshll.u32 s26, $0x1;
	_ =	strace $0x80000046;
	[dreg:$0x1] =	wrdreg $0xFFFFFFFF  }
0xab: {  	s28 =	simm.s32 $_size_execute0_lowered;
	s7 =	sadd.s32 s7, s8;
	[dreg:$0x0] =	wrdreg $0x0  }
0xac: {  	s8 =	sshll.u32 s28, $0x1;
	[dreg:$0x2] =	wrdreg s7  }
0xad: {  	[dreg:$0x3] =	wrdreg s8  }
0xae: {  	[dreg:$0x4] =	wrdreg $0xC0  }
0xaf: {  	_ =	task [dreg:s11], $0x5FFFF  }
0xb0: {  	[dreg:$0x1] =	wrdreg $0xFFFFFFFF  }
0xb1: {  	[dreg:$0x0] =	wrdreg $0x60  }
0xb2: {  	[dreg:$0x2] =	wrdreg s2  }
0xb3: {  	[dreg:$0x3] =	wrdreg s19  }
0xb4: {  	[dreg:$0x4] =	wrdreg s4  }
0xb5: {  	[dreg:$0x5] =	wrdreg s5  }
0xb6: {  	[dreg:$0x6] =	wrdreg s6  }
0xb7: {  	[dreg:$0x7] =	wrdreg $0x9  }
0xb8: {  	_ =	task.clear_ibuf [dreg:s11], $0x8FFFF;
	_ =	strace $0x90000046  }
0xb9: {  	s29 =	simm.s32 $0x9;
	_ =	strace $0x80000048  }
0xba: {  	_ =	swait.ge [sflag:s29], $0x1  }
0xbb: {  	[sflag:s29] =	ssyncadd.s32 $0xFFFFFFFF  }
0xbc: {  	_ =	strace $0x90000048  }
0xbd: {  	_ =	sfence  }
0xbe: {  	s30 =	sld [smem:$0x0];
	_ =	sdelay $0x2  }
0xbf: {  	s31 =	sshll.u32 s1, $0xD;
	s1 =	sshrl.u32 s1, $0x2  }
0xc0: {  	s3 =	sand.u32 $0x4000, s31;
	s1 =	sadd.s32 s1, s30  }
0xc1: {  	s0 =	sor.u32 s3, s0;
	s1 =	sshll.u32 s1, $0x11  }
0xc2: {  	s0 =	sor.u32 s1, s0  }
0xc3: {  	s0 =	sadd.s32 $0x8F2B, s0  }
0xc4: {  	[sflag:s0] =	ssyncadd.remote.s32 $0x1  }
0xc5: {  	_ =	sfence.sel $0xFFFF  }
0xc6: {  	[dreg:$0x0] =	wrdreg $0xFFFFFFFF;
	(pc) =	sbr.abs _section_cstart, $3  }
0xc7: {  	[dreg:$0x1] =	wrdreg $0xFFFFFFFF  }
0xc8: {  	_ =	task.clear_ibuf [dreg:s11], $0x2FFFF;
	_ =	strace $0x9FFFFFFF  }
0xc9: {  	(tm) =	ssettm $0x7FFFFFFF  }
tec
execute0_lowered:
.L_overlay_start_1:
0x0: {  	(tag) =	ssettag $0x1  }
0x1: {  	v0 =	vlaneseq.u32;
	v1 =	vimm.s32 $0x1380  }
0x2: {  	s0 =	rddreg [dreg:$0x0];
	vm0 =	vcmask $0x300;
	v2 =	vimm.s32 $0x3380;
	vm1 =	vcmask $0x704  }
0x3: {  	s2 =	rddreg [dreg:$0x1];
	vm15 =	vcmask $0xB08;
	v1 =	vsel vm0, $0x0, v1;
	v2 =	vsel vm0, $0x2000, v2  }
0x4: {  	s1 =	rddreg [dreg:$0x2];
	vm4 =	vcmask $0xF0C;
	v1 =	vsel vm1, $0x80, v1;
	v2 =	vsel vm1, $0x2080, v2  }
0x5: {  	s31 =	rddreg [dreg:$0x3];
	vm5 =	vcmask $0x1310;
	v1 =	vsel vm15, $0x100, v1;
	v2 =	vsel vm15, $0x2100, v2  }
0x6: {  	s3 =	srdreg.scid;
	s4 =	rddreg [dreg:$0x4];
	vm6 =	vcmask $0x1714;
	v1 =	vsel vm4, $0x180, v1;
	v2 =	vsel vm4, $0x2180, v2  }
0x7: {  	s5 =	stileid.u32;
	s7 =	simm.s32 $0x0;
	vm7 =	vcmask $0x1B18;
	s29 =	simm.s32 $0x7A1400;
	v1 =	vsel vm5, $0x200, v1;
	v2 =	vsel vm5, $0x2200, v2  }
0x8: {  	vm8 =	vcmask $0x1F1C;
	s11 =	simm.s32 $0x400;
	s12 =	simm.s32 $0x1400;
	s16 =	simm.s32 $0x9400;
	v1 =	vsel vm6, $0x280, v1;
	v2 =	vsel vm6, $0x2280, v2  }
0x9: {  	vm9 =	vcmask $0x2320;
	s17 =	simm.s32 $0x2400;
	s28 =	simm.s32 $0x3400;
	s19 =	simm.s32 $0x1;
	v1 =	vsel vm7, $0x300, v1;
	v2 =	vsel vm7, $0x2300, v2  }
0xa: {  	vm10 =	vcmask $0x2724;
	s20 =	simm.s32 $0x2;
	s30 =	simm.s32 $0x10400;
	s3 =	sand.u32 $0x1, s3;
	v1 =	vsel vm8, $0x380, v1;
	v2 =	vsel vm8, $0x2380, v2  }
0xb: {  	vm11 =	vcmask $0x2B28;
	s5 =	sshll.u32 s5, $0xA;
	[smem:$0x7FF] =	sst s7;
	s6 =	sshll.u32 s3, $0x9;
	v1 =	vsel vm9, $0x1000, v1;
	v2 =	vsel vm9, $0x3000, v2  }
0xc: {  	vm12 =	vcmask $0x2F2C;
	s3 =	ssub.s32 $0x2, s3;
	_ =	strace $0x80000047;
	s5 =	sor.u32 s6, s5;
	v1 =	vsel vm10, $0x1080, v1;
	v2 =	vsel vm10, $0x3080, v2  }
0xd: {  	vm13 =	vcmask $0x3330;
	s22 =	sshrl.u32 s3, $0x1;
	s23 =	sshrl.u32 s5, $0x3;
	s25 =	sadd.s32 s4, s5;
	v1 =	vsel vm11, $0x1100, v1;
	v2 =	vsel vm11, $0x3100, v2  }
0xe: {  	vm14 =	vcmask $0x3734;
	s6 =	simm.s32 $0x8400;
	s0 =	sadd.s32 s0, s23;
	[dreg:$0x8] =	wrdreg s25;
	v1 =	vsel vm12, $0x1180, v1;
	v2 =	vsel vm12, $0x3180, v2  }
0xf: {  	v0 =	vmul.u32 $0x80, v0;
	s3 =	ssub.s32 s3, s22;
	s24 =	sadd.s32 s2, s23;
	[dreg:$0x6] =	wrdreg s0;
	v1 =	vsel vm13, $0x1200, v1;
	v2 =	vsel vm13, $0x3200, v2  }
0x10: {  	vm15 =	vcmask $0x3B38;
	s26 =	smax.u32 s3, $0x1;
	s3 =	simm.s32 $0x3;
	[dreg:$0x7] =	wrdreg s24;
	v1 =	vsel vm14, $0x1280, v1;
	v3 =	vsel vm14, $0x3280, v2  }
0x11: {  	s23 =	simm.s32 $0xA400;
	s2 =	simm.s32 $0x0;
	[dreg:$0x9] =	wrdreg s26;
	v2 =	vor.u32 $0x800, v0;
	v1 =	vsel vm15, $0x1300, v1;
	v3 =	vsel vm15, $0x3300, v3  }
.LBB2_1:
0x12: {  	[dreg:$0xa] =	wrdreg s2  }
0x13: {  	s0 =	simm.s32 $0x0;
	s25 =	rddreg [dreg:$0x6]  }
0x14: {  	[tilespmem:s0], [sflag:$0x3] =	stream.linear.gather [hbm4b:s25+s0], $0x200, $0x38;
	[tilespmem:$0x14400] =	vst v63  }
0x15: {  	_ =	swait.ge [sflag:s3], $0x200  }
0x16: {  	[sflag:s3] =	ssyncset.done $0x0  }
0x17: {  	s5 =	simm.s32 $0x200;
	s26 =	rddreg [dreg:$0x7];
	[sflag:s3] =	ssyncadd.s32 $0xFFFFFE00  }
0x18: {  	[tilespmem:s5], [sflag:$0x3] =	stream.linear.gather [hbm4b:s26+s0], $0x200, $0x38;
	[tilespmem:$0x14400] =	vst v63  }
0x19: {  	_ =	swait.ge [sflag:s3], $0x200  }
0x1a: {  	[sflag:s3] =	ssyncset.done $0x0  }
0x1b: {  	s0 =	simm.s32 $0x0;
	[sflag:s3] =	ssyncadd.s32 $0xFFFFFE00;
	s3 =	simm.s32 $0xF  }
.LBB2_2:
0x1c: {  	v4 =	vld [tilespmem:s0+$0x0];
	_ =	sdelay $0x4  }
0x1d: {  	(v2sf) =	vpush v4, $0x0  }
0x1e: {  	(v2sf) =	vpush v4, $0x1  }
0x1f: {  	(v2sf) =	vpush v4, $0x2  }
0x20: {  	(v2sf) =	vpush v4, $0x3  }
0x21: {  	(v2sf) =	vpush v4, $0x4  }
0x22: {  	(v2sf) =	vpush v4, $0x5  }
0x23: {  	(v2sf) =	vpush v4, $0x6  }
0x24: {  	(v2sf) =	vpush v4, $0x7  }
0x25: {  	(v2sf) =	vpush v4, $0x8  }
0x26: {  	(v2sf) =	vpush v4, $0x9  }
0x27: {  	(v2sf) =	vpush v4, $0xA  }
0x28: {  	(v2sf) =	vpush v4, $0xB  }
0x29: {  	v5 =	vld [tilespmem:s5+$0x0]  }
0x2a: {  	(v2sf) =	vpush v4, $0xC  }
0x2b: {  	(v2sf) =	vpush v4, $0xD  }
0x2c: {  	(v2sf) =	vpush v4, $0xE;
	s13 =	spop (v2sf)  }
0x2d: {  	(v2sf) =	vpush v4, $0xF;
	s9 =	spop (v2sf)  }
0x2e: {  	(v2sf) =	vpush v5, $0x0;
	s8 =	spop (v2sf)  }
0x2f: {  	s7 =	spop (v2sf)  }
0x30: {  	s18 =	spop (v2sf)  }
0x31: {  	s25 =	spop (v2sf)  }
0x32: {  	s10 =	spop (v2sf)  }
0x33: {  	s2 =	spop (v2sf)  }
0x34: {  	s4 =	spop (v2sf)  }
0x35: {  	[dreg:$0xb] =	wrdreg s5;
	(v2sf) =	vpush v5, $0x1;
	s5 =	spop (v2sf)  }
0x36: {  	[dreg:$0x17] =	wrdreg s4;
	s4 =	sand.u32 $0xFFFFF80, s13;
	s14 =	spop (v2sf)  }
0x37: {  	[dreg:$0xc] =	wrdreg s0;
	s0 =	sadd.s32 s1, s4;
	s26 =	spop (v2sf)  }
0x38: {  	[tilespmem:s11], [sflag:$0x1] =	stream.strided.gather [hbm4b:s0+s11], $0x1000, s29, s11, $0x38;
	[tilespmem:$0x14400] =	vst v63  }
0x39: {  	(v2sf) =	vpush v5, $0x2;
	s15 =	spop (v2sf)  }
0x3a: {  	s21 =	spop (v2sf)  }
0x3b: {  	s22 =	spop (v2sf)  }
0x3c: {  	s24 =	spop (v2sf)  }
0x3d: {  	[dreg:$0x10] =	wrdreg s15;
	s15 =	spop (v2sf)  }
0x3e: {  	[dreg:$0x16] =	wrdreg s5;
	(v2sf) =	vpush v5, $0x3;
	s5 =	sand.u32 $0xFFFFF80, s15  }
0x3f: {  	s0 =	sadd.s32 s31, s5  }
0x40: {  	(v2sf) =	vpush v5, $0x4;
	[tilespmem:s6], [sflag:$0x2] =	stream.strided.gather [hbm4b:s0+s11], $0x1000, s29, s11, $0x38;
	[tilespmem:$0x14400] =	vst v63  }
0x41: {  	s6 =	sand.u32 $0xFFFFF80, s9  }
0x42: {  	(v2sf) =	vpush v5, $0x5;
	s0 =	sadd.s32 s1, s6  }
0x43: {  	(v2sf) =	vpush v5, $0x6;
	[tilespmem:s12], [sflag:$0x1] =	stream.strided.gather [hbm4b:s0+s11], $0x1000, s29, s11, $0x38;
	[tilespmem:$0x14400] =	vst v63  }
0x44: {  	[dreg:$0x15] =	wrdreg s14;
	s14 =	spop (v2sf)  }
0x45: {  	[dreg:$0xf] =	wrdreg s21;
	(v2sf) =	vpush v5, $0x7;
	s21 =	sand.u32 $0xFFFFF80, s14  }
0x46: {  	[dreg:$0xe] =	wrdreg s22;
	s22 =	sand.u32 $0xFFFFF80, s8;
	(v2sf) =	vpush v5, $0x8;
	s0 =	sadd.s32 s31, s21  }
0x47: {  	(v2sf) =	vpush v5, $0x9;
	[tilespmem:s16], [sflag:$0x2] =	stream.strided.gather [hbm4b:s0+s11], $0x1000, s29, s11, $0x38;
	[tilespmem:$0x14400] =	vst v63  }
0x48: {  	(v2sf) =	vpush v5, $0xA;
	s0 =	sadd.s32 s1, s22;
	s12 =	spop (v2sf)  }
0x49: {  	(v2sf) =	vpush v5, $0xB;
	[tilespmem:s17], [sflag:$0x1] =	stream.strided.gather [hbm4b:s0+s11], $0x1000, s29, s11, $0x38;
	[tilespmem:$0x14400] =	vst v63  }
0x4a: {  	[dreg:$0xd] =	wrdreg s24;
	(v2sf) =	vpush v5, $0xC;
	s24 =	sand.u32 $0xFFFFF80, s12  }
0x4b: {  	(v2sf) =	vpush v5, $0xD;
	s0 =	sadd.s32 s31, s24  }
0x4c: {  	(v2sf) =	vpush v5, $0xE;
	[tilespmem:s23], [sflag:$0x2] =	stream.strided.gather [hbm4b:s0+s11], $0x1000, s29, s11, $0x38;
	[tilespmem:$0x14400] =	vst v63  }
0x4d: {  	s4 =	spop (v2sf);
	(v2sf) =	vpush v5, $0xF  }
0x4e: {  	s0 =	sand.u32 $0xFFFFF80, s7  }
0x4f: {  	s17 =	sadd.s32 s1, s0;
	s22 =	spop (v2sf)  }
0x50: {  	[tilespmem:s28], [sflag:$0x1] =	stream.strided.gather [hbm4b:s17+s11], $0x1000, s29, s11, $0x38;
	[tilespmem:$0x14400] =	vst v63  }
0x51: {  	[dreg:$0x1d] =	wrdreg s18;
	s5 =	sand.u32 $0xFFFFF80, s4;
	s24 =	spop (v2sf)  }
0x52: {  	s6 =	simm.s32 $0xB400;
	s17 =	sadd.s32 s31, s5;
	s23 =	spop (v2sf)  }
0x53: {  	[tilespmem:s6], [sflag:$0x2] =	stream.strided.gather [hbm4b:s17+s11], $0x1000, s29, s11, $0x38;
	[tilespmem:$0x14400] =	vst v63  }
0x54: {  	[dreg:$0x1b] =	wrdreg s25;
	s28 =	spop (v2sf)  }
0x55: {  	[dreg:$0x19] =	wrdreg s10;
	s0 =	spop (v2sf)  }
0x56: {  	[dreg:$0x18] =	wrdreg s2;
	s5 =	spop (v2sf)  }
0x57: {  	[dreg:$0x1e] =	wrdreg s0;
	s6 =	spop (v2sf)  }
0x58: {  	[dreg:$0x1c] =	wrdreg s5;
	s21 =	spop (v2sf)  }
0x59: {  	[dreg:$0x1a] =	wrdreg s6;
	s17 =	spop (v2sf)  }
0x5a: {  	[dreg:$0x14] =	wrdreg s17;
	s17 =	spop (v2sf)  }
0x5b: {  	[dreg:$0x13] =	wrdreg s17;
	s17 =	spop (v2sf)  }
0x5c: {  	[dreg:$0x12] =	wrdreg s17;
	s17 =	spop (v2sf)  }
0x5d: {  	[dreg:$0x11] =	wrdreg s17  }
0x5e: {  	_ =	swait.ge [sflag:s19], $0x1000  }
0x5f: {  	[sflag:s19] =	ssyncset.done $0x0  }
0x60: {  	[sflag:s19] =	ssyncadd.s32 $0xFFFFF000  }
0x61: {  	_ =	swait.ge [sflag:s20], $0x1000  }
0x62: {  	[sflag:s20] =	ssyncset.done $0x0  }
0x63: {  	[sflag:s20] =	ssyncadd.s32 $0xFFFFF000  }
0x64: {  	_ =	swait.ge [sflag:s19], $0x1000  }
0x65: {  	[sflag:s19] =	ssyncset.done $0x0  }
0x66: {  	[sflag:s19] =	ssyncadd.s32 $0xFFFFF000  }
0x67: {  	_ =	swait.ge [sflag:s20], $0x1000  }
0x68: {  	[sflag:s20] =	ssyncset.done $0x0  }
0x69: {  	[sflag:s20] =	ssyncadd.s32 $0xFFFFF000  }
0x6a: {  	_ =	swait.ge [sflag:s19], $0x1000  }
0x6b: {  	[sflag:s19] =	ssyncset.done $0x0  }
0x6c: {  	[sflag:s19] =	ssyncadd.s32 $0xFFFFF000  }
0x6d: {  	_ =	swait.ge [sflag:s20], $0x1000  }
0x6e: {  	[sflag:s20] =	ssyncset.done $0x0  }
0x6f: {  	[sflag:s20] =	ssyncadd.s32 $0xFFFFF000  }
0x70: {  	_ =	swait.ge [sflag:s19], $0x1000  }
0x71: {  	[sflag:s19] =	ssyncset.done $0x0  }
0x72: {  	s18 =	sand.u32 $0xFFFFF80, s18;
	[sflag:s19] =	ssyncadd.s32 $0xFFFFF000  }
0x73: {  	s25 =	sand.u32 $0xFFFFF80, s25;
	s10 =	sand.u32 $0xFFFFF80, s10;
	_ =	swait.ge [sflag:s20], $0x1000  }
0x74: {  	s13 =	sand.u32 $0x7F, s13;
	s16 =	sadd.s32 s1, s18;
	[sflag:s20] =	ssyncset.done $0x0  }
0x75: {  	s18 =	sand.u32 $0xFFFFF80, s22;
	s17 =	simm.s32 $0x4400;
	[sflag:s20] =	ssyncadd.s32 $0xFFFFF000  }
0x76: {  	[tilespmem:s17], [sflag:$0x1] =	stream.strided.gather [hbm4b:s16+s11], $0x1000, s29, s11, $0x38;
	[tilespmem:$0x14400] =	vst v63  }
0x77: {  	s15 =	sand.u32 $0x7F, s15;
	s16 =	sadd.s32 s31, s18;
	s17 =	simm.s32 $0xC400  }
0x78: {  	[tilespmem:s17], [sflag:$0x2] =	stream.strided.gather [hbm4b:s16+s11], $0x1000, s29, s11, $0x38;
	[tilespmem:$0x14400] =	vst v63  }
0x79: {  	s18 =	sand.u32 $0xFFFFF80, s24;
	s16 =	sadd.s32 s1, s25;
	s17 =	simm.s32 $0x5400  }
0x7a: {  	[tilespmem:s17], [sflag:$0x1] =	stream.strided.gather [hbm4b:s16+s11], $0x1000, s29, s11, $0x38;
	[tilespmem:$0x14400] =	vst v63  }
0x7b: {  	s25 =	simm.s32 $0xD400;
	s16 =	sadd.s32 s31, s18;
	s17 =	simm.s32 $0x6400  }
0x7c: {  	[tilespmem:s25], [sflag:$0x2] =	stream.strided.gather [hbm4b:s16+s11], $0x1000, s29, s11, $0x38;
	[tilespmem:$0x14400] =	vst v63  }
0x7d: {  	s18 =	sand.u32 $0xFFFFF80, s23;
	s16 =	sadd.s32 s1, s10;
	s25 =	smov.u32 s23  }
0x7e: {  	[tilespmem:s17], [sflag:$0x1] =	stream.strided.gather [hbm4b:s16+s11], $0x1000, s29, s11, $0x38;
	[tilespmem:$0x14400] =	vst v63  }
0x7f: {  	s23 =	simm.s32 $0xE400;
	s10 =	sand.u32 $0xFFFFF80, s2;
	s16 =	sadd.s32 s31, s18  }
0x80: {  	v4 =	vor.u32 s13, v0;
	[tilespmem:s23], [sflag:$0x2] =	stream.strided.gather [hbm4b:s16+s11], $0x1000, s29, s11, $0x38;
	[tilespmem:$0x14400] =	vst v63  }
0x81: {  	v5 =	vor.u32 s15, v0;
	s17 =	simm.s32 $0x7400;
	s18 =	sand.u32 $0xFFFFF80, s28;
	s16 =	sadd.s32 s1, s10  }
0x82: {  	[tilespmem:s17], [sflag:$0x1] =	stream.strided.gather [hbm4b:s16+s11], $0x1000, s29, s11, $0x38;
	[tilespmem:$0x14400] =	vst v63  }
0x83: {  	s2 =	simm.s32 $0xF400;
	s23 =	sadd.s32 $0xFFFFFFF1, s3;
	s16 =	sadd.s32 s31, s18  }
0x84: {  	v6 =	vmov s23;
	[tilespmem:s2], [sflag:$0x2] =	stream.strided.gather [hbm4b:s16+s11], $0x1000, s29, s11, $0x38;
	[tilespmem:$0x14400] =	vst v63  }
0x85: {  	s10 =	simm.s32 $0x8400;
	v7 =	vshll.u32 v6, $0x3;
	v4 =	vld.idx.msk [tilespmem:v4+s11+$0x0], $0xffff  }
0x86: {  	v6 =	vand.u32 $0x70, v6;
	v7 =	vand.u32 $0xC00, v7;
	v5 =	vld.idx.msk [tilespmem:v5+s10+$0x0], $0xffff  }
0x87: {  	v6 =	vor.u32 v6, v7  }
0x88: {  	v7 =	vor.u32 v1, v6  }
0x89: {  	v8 =	vor.u32 s13, v2  }
0x8a: {  	v9 =	vor.u32 s15, v2  }
0x8b: {  	v4 =	vmul.f32 v5, v4;
	_ =	sdelay $0x1  }
0x8c: {  	[tilespmem:v7+s30+$0x0] =	vst.idx.msk $0xffff, v4  }
0x8d: {  	s17 =	simm.s32 $0x8400;
	v4 =	vld.idx.msk [tilespmem:v8+s11+$0x0], $0xffff  }
0x8e: {  	v5 =	vld.idx.msk [tilespmem:v9+s17+$0x0], $0xffff;
	_ =	sdelay $0x1  }
0x8f: {  	s9 =	sand.u32 $0x7F, s9;
	v6 =	vor.u32 v3, v6  }
0x90: {  	v32 =	vor.u32 s9, v0;
	s18 =	sand.u32 $0x7F, s14  }
0x91: {  	v33 =	vor.u32 s18, v0  }
0x92: {  	v4 =	vmul.f32 v5, v4  }
0x93: {  	s10 =	sadd.s32 $0xFFFFFFF2, s3  }
0x94: {  	s15 =	simm.s32 $0x1400;
	v5 =	vmov s10;
	[tilespmem:v6+s30+$0x0] =	vst.idx.msk $0xffff, v4  }
0x95: {  	s16 =	simm.s32 $0x9400;
	v34 =	vshll.u32 v5, $0x3;
	v4 =	vld.idx.msk [tilespmem:v32+s15+$0x0], $0xffff  }
0x96: {  	v5 =	vand.u32 $0x71, v5;
	v6 =	vand.u32 $0xC00, v34;
	v35 =	vld.idx.msk [tilespmem:v33+s16+$0x0], $0xffff  }
0x97: {  	v5 =	vor.u32 v5, v6  }
0x98: {  	v6 =	vor.u32 v1, v5  }
0x99: {  	v36 =	vor.u32 s9, v2  }
0x9a: {  	v37 =	vor.u32 s18, v2  }
0x9b: {  	v4 =	vmul.f32 v35, v4;
	_ =	sdelay $0x1  }
0x9c: {  	s17 =	simm.s32 $0x1400;
	[tilespmem:v6+s30+$0x0] =	vst.idx.msk $0xffff, v4  }
0x9d: {  	v4 =	vld.idx.msk [tilespmem:v36+s17+$0x0], $0xffff  }
0x9e: {  	v6 =	vld.idx.msk [tilespmem:v37+s16+$0x0], $0xffff;
	_ =	sdelay $0x1  }
0x9f: {  	s8 =	sand.u32 $0x7F, s8;
	v5 =	vor.u32 v3, v5  }
0xa0: {  	v38 =	vor.u32 s8, v0;
	s18 =	sand.u32 $0x7F, s12  }
0xa1: {  	v39 =	vor.u32 s18, v0  }
0xa2: {  	v4 =	vmul.f32 v6, v4  }
0xa3: {  	s2 =	sadd.s32 $0xFFFFFFF3, s3  }
0xa4: {  	v40 =	vmov s2;
	s10 =	simm.s32 $0x2400;
	[tilespmem:v5+s30+$0x0] =	vst.idx.msk $0xffff, v4  }
0xa5: {  	s23 =	simm.s32 $0xA400;
	v5 =	vshll.u32 v40, $0x3;
	v4 =	vld.idx.msk [tilespmem:v38+s10+$0x0], $0xffff  }
0xa6: {  	v6 =	vand.u32 $0x72, v40;
	v41 =	vld.idx.msk [tilespmem:v39+s23+$0x0], $0xffff;
	v5 =	vand.u32 $0xC00, v5  }
0xa7: {  	v5 =	vor.u32 v6, v5  }
0xa8: {  	v6 =	vor.u32 v1, v5  }
0xa9: {  	v42 =	vor.u32 s8, v2  }
0xaa: {  	v43 =	vor.u32 s18, v2  }
0xab: {  	v4 =	vmul.f32 v41, v4;
	_ =	sdelay $0x1  }
0xac: {  	s14 =	simm.s32 $0x2400;
	[tilespmem:v6+s30+$0x0] =	vst.idx.msk $0xffff, v4  }
0xad: {  	v4 =	vld.idx.msk [tilespmem:v42+s14+$0x0], $0xffff  }
0xae: {  	v6 =	vld.idx.msk [tilespmem:v43+s23+$0x0], $0xffff;
	_ =	sdelay $0x1  }
0xaf: {  	s7 =	sand.u32 $0x7F, s7;
	v5 =	vor.u32 v3, v5  }
0xb0: {  	v44 =	vor.u32 s7, v0;
	s15 =	sand.u32 $0x7F, s4  }
0xb1: {  	v45 =	vor.u32 s15, v0  }
0xb2: {  	v4 =	vmul.f32 v6, v4  }
0xb3: {  	s17 =	sadd.s32 $0xFFFFFFF4, s3  }
0xb4: {  	s18 =	simm.s32 $0x3400;
	v46 =	vmov s17;
	[tilespmem:v5+s30+$0x0] =	vst.idx.msk $0xffff, v4  }
0xb5: {  	s4 =	simm.s32 $0xB400;
	v5 =	vshll.u32 v46, $0x3;
	v4 =	vld.idx.msk [tilespmem:v44+s18+$0x0], $0xffff  }
0xb6: {  	v6 =	vand.u32 $0x73, v46;
	v47 =	vld.idx.msk [tilespmem:v45+s4+$0x0], $0xffff;
	v5 =	vand.u32 $0xC00, v5  }
0xb7: {  	v5 =	vor.u32 v6, v5  }
0xb8: {  	v6 =	vor.u32 v1, v5  }
0xb9: {  	v48 =	vor.u32 s7, v2  }
0xba: {  	v49 =	vor.u32 s15, v2  }
0xbb: {  	v4 =	vmul.f32 v47, v4;
	_ =	sdelay $0x1  }
0xbc: {  	s9 =	simm.s32 $0x3400;
	[tilespmem:v6+s30+$0x0] =	vst.idx.msk $0xffff, v4  }
0xbd: {  	s10 =	simm.s32 $0xB400;
	v4 =	vld.idx.msk [tilespmem:v48+s9+$0x0], $0xffff  }
0xbe: {  	v6 =	vld.idx.msk [tilespmem:v49+s10+$0x0], $0xffff;
	_ =	sdelay $0x1  }
0xbf: {  	v5 =	vor.u32 v3, v5;
	_ =	sdelay $0x2  }
0xc0: {  	v4 =	vmul.f32 v6, v4;
	_ =	sdelay $0x1  }
0xc1: {  	[tilespmem:v5+s30+$0x0] =	vst.idx.msk $0xffff, v4  }
0xc2: {  	_ =	swait.ge [sflag:s19], $0x1000  }
0xc3: {  	[sflag:s19] =	ssyncset.done $0x0  }
0xc4: {  	[sflag:s19] =	ssyncadd.s32 $0xFFFFF000  }
0xc5: {  	_ =	swait.ge [sflag:s20], $0x1000  }
0xc6: {  	[sflag:s20] =	ssyncset.done $0x0  }
0xc7: {  	[sflag:s20] =	ssyncadd.s32 $0xFFFFF000  }
0xc8: {  	_ =	swait.ge [sflag:s19], $0x1000  }
0xc9: {  	[sflag:s19] =	ssyncset.done $0x0  }
0xca: {  	[sflag:s19] =	ssyncadd.s32 $0xFFFFF000  }
0xcb: {  	_ =	swait.ge [sflag:s20], $0x1000  }
0xcc: {  	[sflag:s20] =	ssyncset.done $0x0  }
0xcd: {  	[sflag:s20] =	ssyncadd.s32 $0xFFFFF000  }
0xce: {  	_ =	swait.ge [sflag:s19], $0x1000  }
0xcf: {  	[sflag:s19] =	ssyncset.done $0x0  }
0xd0: {  	[sflag:s19] =	ssyncadd.s32 $0xFFFFF000  }
0xd1: {  	_ =	swait.ge [sflag:s20], $0x1000  }
0xd2: {  	[sflag:s20] =	ssyncset.done $0x0  }
0xd3: {  	[sflag:s20] =	ssyncadd.s32 $0xFFFFF000  }
0xd4: {  	_ =	swait.ge [sflag:s19], $0x1000  }
0xd5: {  	[sflag:s19] =	ssyncset.done $0x0  }
0xd6: {  	[sflag:s19] =	ssyncadd.s32 $0xFFFFF000  }
0xd7: {  	_ =	swait.ge [sflag:s20], $0x1000  }
0xd8: {  	s15 =	rddreg [dreg:$0x17]  }
0xd9: {  	[sflag:s20] =	ssyncset.done $0x0;
	s13 =	sand.u32 $0xFFFFF80, s15  }
0xda: {  	s14 =	sand.u32 $0xFFFFF80, s0;
	[sflag:s20] =	ssyncadd.s32 $0xFFFFF000;
	s2 =	sadd.s32 s1, s13  }
0xdb: {  	[tilespmem:s11], [sflag:$0x1] =	stream.strided.gather [hbm4b:s2+s11], $0x1000, s29, s11, $0x38;
	[tilespmem:$0x14400] =	vst v63  }
0xdc: {  	s17 =	simm.s32 $0x8400;
	s2 =	sadd.s32 s31, s14  }
0xdd: {  	[tilespmem:s17], [sflag:$0x2] =	stream.strided.gather [hbm4b:s2+s11], $0x1000, s29, s11, $0x38;
	[tilespmem:$0x14400] =	vst v63  }
0xde: {  	s8 =	sand.u32 $0xFFFFF80, s26;
	s7 =	sand.u32 $0xFFFFF80, s6;
	s17 =	rddreg [dreg:$0x16]  }
0xdf: {  	s12 =	simm.s32 $0x1400;
	s0 =	sand.u32 $0xFFFFF80, s5;
	s18 =	sand.u32 $0xFFFFF80, s17  }
0xe0: {  	s5 =	simm.s32 $0x2400;
	s10 =	rddreg [dreg:$0x15];
	s2 =	sadd.s32 s1, s18  }
0xe1: {  	[tilespmem:s12], [sflag:$0x1] =	stream.strided.gather [hbm4b:s2+s11], $0x1000, s29, s11, $0x38;
	[tilespmem:$0x14400] =	vst v63  }
0xe2: {  	s9 =	rddreg [dreg:$0x1d];
	s4 =	sand.u32 $0xFFFFF80, s10;
	s2 =	sadd.s32 s31, s0  }
0xe3: {  	[tilespmem:s16], [sflag:$0x2] =	stream.strided.gather [hbm4b:s2+s11], $0x1000, s29, s11, $0x38;
	[tilespmem:$0x14400] =	vst v63  }
0xe4: {  	s13 =	sand.u32 $0x7F, s9;
	s14 =	sand.u32 $0x7F, s22;
	s2 =	sadd.s32 s1, s4  }
0xe5: {  	[tilespmem:s5], [sflag:$0x1] =	stream.strided.gather [hbm4b:s2+s11], $0x1000, s29, s11, $0x38;
	[tilespmem:$0x14400] =	vst v63  }
0xe6: {  	s22 =	simm.s32 $0x3400;
	s18 =	smov.u32 s26;
	s2 =	sadd.s32 s31, s7  }
0xe7: {  	v4 =	vor.u32 s13, v0;
	[tilespmem:s23], [sflag:$0x2] =	stream.strided.gather [hbm4b:s2+s11], $0x1000, s29, s11, $0x38;
	[tilespmem:$0x14400] =	vst v63  }
0xe8: {  	v5 =	vor.u32 s14, v0;
	s26 =	sand.u32 $0xFFFFF80, s21;
	s0 =	sadd.s32 $0xFFFFFFF5, s3;
	s2 =	sadd.s32 s1, s8  }
0xe9: {  	[tilespmem:s22], [sflag:$0x1] =	stream.strided.gather [hbm4b:s2+s11], $0x1000, s29, s11, $0x38;
	[tilespmem:$0x14400] =	vst v63  }
0xea: {  	s5 =	simm.s32 $0xB400;
	s8 =	simm.s32 $0x4400;
	s2 =	sadd.s32 s31, s26  }
0xeb: {  	v50 =	vmov s0;
	[tilespmem:s5], [sflag:$0x2] =	stream.strided.gather [hbm4b:s2+s11], $0x1000, s29, s11, $0x38;
	[tilespmem:$0x14400] =	vst v63  }
0xec: {  	s9 =	simm.s32 $0xC400;
	v51 =	vshll.u32 v50, $0x3;
	v4 =	vld.idx.msk [tilespmem:v4+s8+$0x0], $0xffff  }
0xed: {  	v6 =	vand.u32 $0x74, v50;
	v7 =	vand.u32 $0xC00, v51;
	v5 =	vld.idx.msk [tilespmem:v5+s9+$0x0], $0xffff  }
0xee: {  	v6 =	vor.u32 v6, v7  }
0xef: {  	v7 =	vor.u32 v1, v6  }
0xf0: {  	v52 =	vor.u32 s13, v2  }
0xf1: {  	v53 =	vor.u32 s14, v2  }
0xf2: {  	v4 =	vmul.f32 v5, v4;
	_ =	sdelay $0x1  }
0xf3: {  	s13 =	simm.s32 $0x4400;
	[tilespmem:v7+s30+$0x0] =	vst.idx.msk $0xffff, v4  }
0xf4: {  	s14 =	simm.s32 $0xC400;
	v4 =	vld.idx.msk [tilespmem:v52+s13+$0x0], $0xffff  }
0xf5: {  	v5 =	vld.idx.msk [tilespmem:v53+s14+$0x0], $0xffff  }
0xf6: {  	s4 =	smov.u32 s21;
	s21 =	rddreg [dreg:$0x1b]  }
0xf7: {  	v6 =	vor.u32 v3, v6;
	s22 =	sand.u32 $0x7F, s21  }
0xf8: {  	s24 =	sand.u32 $0x7F, s24;
	v54 =	vor.u32 s22, v0  }
0xf9: {  	v55 =	vor.u32 s24, v0  }
0xfa: {  	v4 =	vmul.f32 v5, v4  }
0xfb: {  	s26 =	sadd.s32 $0xFFFFFFF6, s3  }
0xfc: {  	s0 =	simm.s32 $0x5400;
	v5 =	vmov s26;
	[tilespmem:v6+s30+$0x0] =	vst.idx.msk $0xffff, v4  }
0xfd: {  	s8 =	simm.s32 $0xD400;
	v56 =	vshll.u32 v5, $0x3;
	v4 =	vld.idx.msk [tilespmem:v54+s0+$0x0], $0xffff  }
0xfe: {  	v5 =	vand.u32 $0x75, v5;
	v6 =	vand.u32 $0xC00, v56;
	v57 =	vld.idx.msk [tilespmem:v55+s8+$0x0], $0xffff  }
0xff: {  	v5 =	vor.u32 v5, v6  }
0x100: {  	v6 =	vor.u32 v1, v5  }
0x101: {  	v58 =	vor.u32 s22, v2  }
0x102: {  	v59 =	vor.u32 s24, v2  }
0x103: {  	v4 =	vmul.f32 v57, v4;
	_ =	sdelay $0x1  }
0x104: {  	s9 =	simm.s32 $0x5400;
	[tilespmem:v6+s30+$0x0] =	vst.idx.msk $0xffff, v4  }
0x105: {  	s13 =	simm.s32 $0xD400;
	v4 =	vld.idx.msk [tilespmem:v58+s9+$0x0], $0xffff  }
0x106: {  	v6 =	vld.idx.msk [tilespmem:v59+s13+$0x0], $0xffff  }
0x107: {  	s14 =	rddreg [dreg:$0x19]  }
0x108: {  	s21 =	sand.u32 $0x7F, s14;
	v5 =	vor.u32 v3, v5  }
0x109: {  	s22 =	sand.u32 $0x7F, s25;
	v60 =	vor.u32 s21, v0  }
0x10a: {  	v61 =	vor.u32 s22, v0  }
0x10b: {  	v4 =	vmul.f32 v6, v4  }
0x10c: {  	s24 =	sadd.s32 $0xFFFFFFF7, s3  }
0x10d: {  	v62 =	vmov s24;
	s25 =	simm.s32 $0x6400;
	[tilespmem:v5+s30+$0x0] =	vst.idx.msk $0xffff, v4  }
0x10e: {  	s26 =	simm.s32 $0xE400;
	v5 =	vshll.u32 v62, $0x3;
	v4 =	vld.idx.msk [tilespmem:v60+s25+$0x0], $0xffff  }
0x10f: {  	v6 =	vand.u32 $0x76, v62;
	v63 =	vld.idx.msk [tilespmem:v61+s26+$0x0], $0xffff;
	v5 =	vand.u32 $0xC00, v5  }
0x110: {  	v5 =	vor.u32 v6, v5  }
0x111: {  	v6 =	vor.u32 v1, v5  }
0x112: {  	v12 =	vor.u32 s21, v2  }
0x113: {  	v13 =	vor.u32 s22, v2  }
0x114: {  	v4 =	vmul.f32 v63, v4;
	_ =	sdelay $0x1  }
0x115: {  	s5 =	simm.s32 $0x6400;
	[tilespmem:v6+s30+$0x0] =	vst.idx.msk $0xffff, v4  }
0x116: {  	s6 =	simm.s32 $0xE400;
	v4 =	vld.idx.msk [tilespmem:v12+s5+$0x0], $0xffff  }
0x117: {  	v6 =	vld.idx.msk [tilespmem:v13+s6+$0x0], $0xffff  }
0x118: {  	s8 =	rddreg [dreg:$0x18]  }
0x119: {  	s0 =	sand.u32 $0x7F, s8;
	v5 =	vor.u32 v3, v5  }
0x11a: {  	v14 =	vor.u32 s0, v0;
	s9 =	sand.u32 $0x7F, s28  }
0x11b: {  	v15 =	vor.u32 s9, v0  }
0x11c: {  	v4 =	vmul.f32 v6, v4  }
0x11d: {  	s13 =	sadd.s32 $0xFFFFFFF8, s3  }
0x11e: {  	s14 =	simm.s32 $0x7400;
	v16 =	vmov s13;
	[tilespmem:v5+s30+$0x0] =	vst.idx.msk $0xffff, v4  }
0x11f: {  	s21 =	simm.s32 $0xF400;
	v5 =	vshll.u32 v16, $0x3;
	v4 =	vld.idx.msk [tilespmem:v14+s14+$0x0], $0xffff  }
0x120: {  	v6 =	vand.u32 $0x77, v16;
	v17 =	vld.idx.msk [tilespmem:v15+s21+$0x0], $0xffff;
	v5 =	vand.u32 $0xC00, v5  }
0x121: {  	v5 =	vor.u32 v6, v5  }
0x122: {  	v6 =	vor.u32 v1, v5  }
0x123: {  	v18 =	vor.u32 s0, v2  }
0x124: {  	v19 =	vor.u32 s9, v2  }
0x125: {  	v4 =	vmul.f32 v17, v4;
	_ =	sdelay $0x1  }
0x126: {  	s22 =	simm.s32 $0x7400;
	[tilespmem:v6+s30+$0x0] =	vst.idx.msk $0xffff, v4  }
0x127: {  	s24 =	simm.s32 $0xF400;
	v4 =	vld.idx.msk [tilespmem:v18+s22+$0x0], $0xffff  }
0x128: {  	v6 =	vld.idx.msk [tilespmem:v19+s24+$0x0], $0xffff;
	_ =	sdelay $0x1  }
0x129: {  	v5 =	vor.u32 v3, v5;
	_ =	sdelay $0x2  }
0x12a: {  	v4 =	vmul.f32 v6, v4;
	_ =	sdelay $0x1  }
0x12b: {  	[tilespmem:v5+s30+$0x0] =	vst.idx.msk $0xffff, v4  }
0x12c: {  	_ =	swait.ge [sflag:s19], $0x1000  }
0x12d: {  	[sflag:s19] =	ssyncset.done $0x0  }
0x12e: {  	[sflag:s19] =	ssyncadd.s32 $0xFFFFF000  }
0x12f: {  	_ =	swait.ge [sflag:s20], $0x1000  }
0x130: {  	[sflag:s20] =	ssyncset.done $0x0  }
0x131: {  	[sflag:s20] =	ssyncadd.s32 $0xFFFFF000  }
0x132: {  	_ =	swait.ge [sflag:s19], $0x1000  }
0x133: {  	[sflag:s19] =	ssyncset.done $0x0  }
0x134: {  	[sflag:s19] =	ssyncadd.s32 $0xFFFFF000  }
0x135: {  	_ =	swait.ge [sflag:s20], $0x1000  }
0x136: {  	[sflag:s20] =	ssyncset.done $0x0  }
0x137: {  	[sflag:s20] =	ssyncadd.s32 $0xFFFFF000  }
0x138: {  	_ =	swait.ge [sflag:s19], $0x1000  }
0x139: {  	[sflag:s19] =	ssyncset.done $0x0  }
0x13a: {  	[sflag:s19] =	ssyncadd.s32 $0xFFFFF000  }
0x13b: {  	_ =	swait.ge [sflag:s20], $0x1000  }
0x13c: {  	[sflag:s20] =	ssyncset.done $0x0  }
0x13d: {  	[sflag:s20] =	ssyncadd.s32 $0xFFFFF000  }
0x13e: {  	_ =	swait.ge [sflag:s19], $0x1000  }
0x13f: {  	[sflag:s19] =	ssyncset.done $0x0  }
0x140: {  	[sflag:s19] =	ssyncadd.s32 $0xFFFFF000  }
0x141: {  	_ =	swait.ge [sflag:s20], $0x1000  }
0x142: {  	s21 =	rddreg [dreg:$0x10]  }
0x143: {  	[sflag:s20] =	ssyncset.done $0x0;
	s25 =	sand.u32 $0xFFFFF80, s21  }
0x144: {  	s26 =	simm.s32 $0x4400;
	[sflag:s20] =	ssyncadd.s32 $0xFFFFF000;
	s0 =	sadd.s32 s1, s25  }
0x145: {  	[tilespmem:s26], [sflag:$0x1] =	stream.strided.gather [hbm4b:s0+s11], $0x1000, s29, s11, $0x38;
	[tilespmem:$0x14400] =	vst v63  }
0x146: {  	s8 =	simm.s32 $0x5400;
	s26 =	rddreg [dreg:$0x14]  }
0x147: {  	s5 =	simm.s32 $0xC400;
	s14 =	rddreg [dreg:$0xf];
	s2 =	sand.u32 $0xFFFFF80, s26  }
0x148: {  	s24 =	rddreg [dreg:$0x13];
	s6 =	sand.u32 $0xFFFFF80, s14;
	s0 =	sadd.s32 s31, s2  }
0x149: {  	[tilespmem:s5], [sflag:$0x2] =	stream.strided.gather [hbm4b:s0+s11], $0x1000, s29, s11, $0x38;
	[tilespmem:$0x14400] =	vst v63  }
0x14a: {  	s13 =	simm.s32 $0xD400;
	s9 =	sand.u32 $0xFFFFF80, s24;
	s0 =	sadd.s32 s1, s6  }
0x14b: {  	[tilespmem:s8], [sflag:$0x1] =	stream.strided.gather [hbm4b:s0+s11], $0x1000, s29, s11, $0x38;
	[tilespmem:$0x14400] =	vst v63  }
0x14c: {  	s2 =	sand.u32 $0x7F, s15;
	s15 =	rddreg [dreg:$0x1e];
	s0 =	sadd.s32 s31, s9  }
0x14d: {  	[tilespmem:s13], [sflag:$0x2] =	stream.strided.gather [hbm4b:s0+s11], $0x1000, s29, s11, $0x38;
	[tilespmem:$0x14400] =	vst v63  }
0x14e: {  	s13 =	rddreg [dreg:$0xe]  }
0x14f: {  	s9 =	rddreg [dreg:$0xd];
	s22 =	sand.u32 $0xFFFFF80, s13  }
0x150: {  	s25 =	simm.s32 $0x6400;
	s0 =	sadd.s32 s1, s22;
	s22 =	rddreg [dreg:$0x12]  }
0x151: {  	[tilespmem:s25], [sflag:$0x1] =	stream.strided.gather [hbm4b:s0+s11], $0x1000, s29, s11, $0x38;
	[tilespmem:$0x14400] =	vst v63  }
0x152: {  	s6 =	simm.s32 $0xE400;
	s8 =	sand.u32 $0xFFFFF80, s9;
	s5 =	sand.u32 $0xFFFFF80, s22  }
0x153: {  	s0 =	sadd.s32 s31, s5;
	s5 =	sand.u32 $0x7F, s15;
	s15 =	rddreg [dreg:$0x11]  }
0x154: {  	v4 =	vor.u32 s2, v0;
	[tilespmem:s6], [sflag:$0x2] =	stream.strided.gather [hbm4b:s0+s11], $0x1000, s29, s11, $0x38;
	[tilespmem:$0x14400] =	vst v63  }
0x155: {  	s25 =	simm.s32 $0x7400;
	s0 =	sadd.s32 s1, s8;
	v5 =	vor.u32 s5, v0;
	s8 =	sand.u32 $0xFFFFF80, s15  }
0x156: {  	[tilespmem:s25], [sflag:$0x1] =	stream.strided.gather [hbm4b:s0+s11], $0x1000, s29, s11, $0x38;
	[tilespmem:$0x14400] =	vst v63  }
0x157: {  	s6 =	sadd.s32 $0xFFFFFFF9, s3;
	s0 =	sadd.s32 s31, s8;
	s25 =	simm.s32 $0xF400  }
0x158: {  	v20 =	vmov s6;
	[tilespmem:s25], [sflag:$0x2] =	stream.strided.gather [hbm4b:s0+s11], $0x1000, s29, s11, $0x38;
	[tilespmem:$0x14400] =	vst v63  }
0x159: {  	s6 =	simm.s32 $0x8400;
	v21 =	vshll.u32 v20, $0x3;
	v4 =	vld.idx.msk [tilespmem:v4+s11+$0x0], $0xffff  }
0x15a: {  	v6 =	vand.u32 $0x78, v20;
	v7 =	vand.u32 $0xC00, v21;
	v5 =	vld.idx.msk [tilespmem:v5+s6+$0x0], $0xffff  }
0x15b: {  	v6 =	vor.u32 v6, v7  }
0x15c: {  	v7 =	vor.u32 v1, v6  }
0x15d: {  	v22 =	vor.u32 s2, v2  }
0x15e: {  	v23 =	vor.u32 s5, v2  }
0x15f: {  	v4 =	vmul.f32 v5, v4;
	_ =	sdelay $0x1  }
0x160: {  	[tilespmem:v7+s30+$0x0] =	vst.idx.msk $0xffff, v4  }
0x161: {  	v4 =	vld.idx.msk [tilespmem:v22+s11+$0x0], $0xffff  }
0x162: {  	v5 =	vld.idx.msk [tilespmem:v23+s6+$0x0], $0xffff;
	_ =	sdelay $0x1  }
0x163: {  	s8 =	sand.u32 $0x7F, s17;
	s17 =	rddreg [dreg:$0x1c];
	v6 =	vor.u32 v3, v6  }
0x164: {  	s2 =	sand.u32 $0x7F, s17;
	v24 =	vor.u32 s8, v0  }
0x165: {  	v25 =	vor.u32 s2, v0  }
0x166: {  	v4 =	vmul.f32 v5, v4  }
0x167: {  	s25 =	sadd.s32 $0xFFFFFFFA, s3  }
0x168: {  	v5 =	vmov s25;
	[tilespmem:v6+s30+$0x0] =	vst.idx.msk $0xffff, v4  }
0x169: {  	v26 =	vshll.u32 v5, $0x3;
	v4 =	vld.idx.msk [tilespmem:v24+s12+$0x0], $0xffff  }
0x16a: {  	v5 =	vand.u32 $0x79, v5;
	v6 =	vand.u32 $0xC00, v26;
	v27 =	vld.idx.msk [tilespmem:v25+s16+$0x0], $0xffff  }
0x16b: {  	v5 =	vor.u32 v5, v6  }
0x16c: {  	v6 =	vor.u32 v1, v5  }
0x16d: {  	v28 =	vor.u32 s8, v2  }
0x16e: {  	v29 =	vor.u32 s2, v2  }
0x16f: {  	v4 =	vmul.f32 v27, v4;
	_ =	sdelay $0x1  }
0x170: {  	[tilespmem:v6+s30+$0x0] =	vst.idx.msk $0xffff, v4  }
0x171: {  	v4 =	vld.idx.msk [tilespmem:v28+s12+$0x0], $0xffff  }
0x172: {  	v6 =	vld.idx.msk [tilespmem:v29+s16+$0x0], $0xffff;
	_ =	sdelay $0x1  }
0x173: {  	s8 =	sand.u32 $0x7F, s10;
	s10 =	rddreg [dreg:$0x1a];
	v5 =	vor.u32 v3, v5  }
0x174: {  	s2 =	sand.u32 $0x7F, s10;
	v30 =	vor.u32 s8, v0  }
0x175: {  	v31 =	vor.u32 s2, v0  }
0x176: {  	v4 =	vmul.f32 v6, v4  }
0x177: {  	s25 =	sadd.s32 $0xFFFFFFFB, s3  }
0x178: {  	s17 =	simm.s32 $0x2400;
	v32 =	vmov s25;
	[tilespmem:v5+s30+$0x0] =	vst.idx.msk $0xffff, v4  }
0x179: {  	v5 =	vshll.u32 v32, $0x3;
	v4 =	vld.idx.msk [tilespmem:v30+s17+$0x0], $0xffff  }
0x17a: {  	v6 =	vand.u32 $0x7A, v32;
	v33 =	vld.idx.msk [tilespmem:v31+s23+$0x0], $0xffff;
	v5 =	vand.u32 $0xC00, v5  }
0x17b: {  	v5 =	vor.u32 v6, v5  }
0x17c: {  	v6 =	vor.u32 v1, v5  }
0x17d: {  	v34 =	vor.u32 s8, v2  }
0x17e: {  	v35 =	vor.u32 s2, v2  }
0x17f: {  	v4 =	vmul.f32 v33, v4;
	_ =	sdelay $0x1  }
0x180: {  	[tilespmem:v6+s30+$0x0] =	vst.idx.msk $0xffff, v4  }
0x181: {  	v4 =	vld.idx.msk [tilespmem:v34+s17+$0x0], $0xffff  }
0x182: {  	v6 =	vld.idx.msk [tilespmem:v35+s23+$0x0], $0xffff;
	_ =	sdelay $0x1  }
0x183: {  	s2 =	sand.u32 $0x7F, s18;
	v5 =	vor.u32 v3, v5  }
0x184: {  	s8 =	sand.u32 $0x7F, s4;
	v36 =	vor.u32 s2, v0  }
0x185: {  	v37 =	vor.u32 s8, v0  }
0x186: {  	v4 =	vmul.f32 v6, v4  }
0x187: {  	s10 =	sadd.s32 $0xFFFFFFFC, s3  }
0x188: {  	s28 =	simm.s32 $0x3400;
	v38 =	vmov s10;
	[tilespmem:v5+s30+$0x0] =	vst.idx.msk $0xffff, v4  }
0x189: {  	s7 =	simm.s32 $0xB400;
	v5 =	vshll.u32 v38, $0x3;
	v4 =	vld.idx.msk [tilespmem:v36+s28+$0x0], $0xffff  }
0x18a: {  	v6 =	vand.u32 $0x7B, v38;
	v39 =	vld.idx.msk [tilespmem:v37+s7+$0x0], $0xffff;
	v5 =	vand.u32 $0xC00, v5  }
0x18b: {  	v5 =	vor.u32 v6, v5  }
0x18c: {  	v6 =	vor.u32 v1, v5  }
0x18d: {  	v40 =	vor.u32 s2, v2  }
0x18e: {  	v41 =	vor.u32 s8, v2  }
0x18f: {  	v4 =	vmul.f32 v39, v4;
	_ =	sdelay $0x1  }
0x190: {  	[tilespmem:v6+s30+$0x0] =	vst.idx.msk $0xffff, v4  }
0x191: {  	v4 =	vld.idx.msk [tilespmem:v40+s28+$0x0], $0xffff  }
0x192: {  	v6 =	vld.idx.msk [tilespmem:v41+s7+$0x0], $0xffff;
	_ =	sdelay $0x1  }
0x193: {  	v5 =	vor.u32 v3, v5;
	_ =	sdelay $0x2  }
0x194: {  	v4 =	vmul.f32 v6, v4;
	_ =	sdelay $0x1  }
0x195: {  	[tilespmem:v5+s30+$0x0] =	vst.idx.msk $0xffff, v4  }
0x196: {  	_ =	swait.ge [sflag:s19], $0x1000  }
0x197: {  	[sflag:s19] =	ssyncset.done $0x0  }
0x198: {  	[sflag:s19] =	ssyncadd.s32 $0xFFFFF000  }
0x199: {  	_ =	swait.ge [sflag:s20], $0x1000  }
0x19a: {  	[sflag:s20] =	ssyncset.done $0x0  }
0x19b: {  	[sflag:s20] =	ssyncadd.s32 $0xFFFFF000  }
0x19c: {  	_ =	swait.ge [sflag:s19], $0x1000  }
0x19d: {  	[sflag:s19] =	ssyncset.done $0x0  }
0x19e: {  	[sflag:s19] =	ssyncadd.s32 $0xFFFFF000  }
0x19f: {  	_ =	swait.ge [sflag:s20], $0x1000  }
0x1a0: {  	[sflag:s20] =	ssyncset.done $0x0  }
0x1a1: {  	[sflag:s20] =	ssyncadd.s32 $0xFFFFF000  }
0x1a2: {  	_ =	swait.ge [sflag:s19], $0x1000  }
0x1a3: {  	[sflag:s19] =	ssyncset.done $0x0  }
0x1a4: {  	[sflag:s19] =	ssyncadd.s32 $0xFFFFF000  }
0x1a5: {  	_ =	swait.ge [sflag:s20], $0x1000  }
0x1a6: {  	[sflag:s20] =	ssyncset.done $0x0  }
0x1a7: {  	[sflag:s20] =	ssyncadd.s32 $0xFFFFF000  }
0x1a8: {  	s21 =	sand.u32 $0x7F, s21;
	_ =	swait.ge [sflag:s19], $0x1000  }
0x1a9: {  	s25 =	sand.u32 $0x7F, s26;
	v4 =	vor.u32 s21, v0;
	[sflag:s19] =	ssyncset.done $0x0  }
0x1aa: {  	v5 =	vor.u32 s25, v0;
	[sflag:s19] =	ssyncadd.s32 $0xFFFFF000  }
0x1ab: {  	_ =	swait.ge [sflag:s20], $0x1000  }
0x1ac: {  	s26 =	sadd.s32 $0xFFFFFFFD, s3;
	[sflag:s20] =	ssyncset.done $0x0  }
0x1ad: {  	s18 =	simm.s32 $0x4400;
	v42 =	vmov s26;
	[sflag:s20] =	ssyncadd.s32 $0xFFFFF000  }
0x1ae: {  	s4 =	simm.s32 $0xC400;
	v43 =	vshll.u32 v42, $0x3;
	v4 =	vld.idx.msk [tilespmem:v4+s18+$0x0], $0xffff  }
0x1af: {  	v7 =	vand.u32 $0xC00, v43;
	v6 =	vand.u32 $0x7C, v42;
	v5 =	vld.idx.msk [tilespmem:v5+s4+$0x0], $0xffff  }
0x1b0: {  	v6 =	vor.u32 v6, v7  }
0x1b1: {  	v7 =	vor.u32 v1, v6  }
0x1b2: {  	v44 =	vor.u32 s21, v2  }
0x1b3: {  	v45 =	vor.u32 s25, v2  }
0x1b4: {  	v4 =	vmul.f32 v5, v4;
	_ =	sdelay $0x1  }
0x1b5: {  	[tilespmem:v7+s30+$0x0] =	vst.idx.msk $0xffff, v4  }
0x1b6: {  	s10 =	simm.s32 $0xC400;
	v4 =	vld.idx.msk [tilespmem:v44+s18+$0x0], $0xffff  }
0x1b7: {  	v5 =	vld.idx.msk [tilespmem:v45+s10+$0x0], $0xffff;
	_ =	sdelay $0x1  }
0x1b8: {  	v6 =	vor.u32 v3, v6;
	s18 =	sand.u32 $0x7F, s14  }
0x1b9: {  	s21 =	sand.u32 $0x7F, s24;
	v46 =	vor.u32 s18, v0  }
0x1ba: {  	v47 =	vor.u32 s21, v0  }
0x1bb: {  	v4 =	vmul.f32 v5, v4  }
0x1bc: {  	s24 =	sadd.s32 $0xFFFFFFFE, s3  }
0x1bd: {  	s8 =	simm.s32 $0x5400;
	v5 =	vmov s24;
	[tilespmem:v6+s30+$0x0] =	vst.idx.msk $0xffff, v4  }
0x1be: {  	s25 =	simm.s32 $0xD400;
	v48 =	vshll.u32 v5, $0x3;
	v4 =	vld.idx.msk [tilespmem:v46+s8+$0x0], $0xffff  }
0x1bf: {  	v5 =	vand.u32 $0x7D, v5;
	v6 =	vand.u32 $0xC00, v48;
	v49 =	vld.idx.msk [tilespmem:v47+s25+$0x0], $0xffff  }
0x1c0: {  	v5 =	vor.u32 v5, v6  }
0x1c1: {  	v6 =	vor.u32 v1, v5  }
0x1c2: {  	v50 =	vor.u32 s18, v2  }
0x1c3: {  	v51 =	vor.u32 s21, v2  }
0x1c4: {  	v4 =	vmul.f32 v49, v4;
	_ =	sdelay $0x1  }
0x1c5: {  	[tilespmem:v6+s30+$0x0] =	vst.idx.msk $0xffff, v4  }
0x1c6: {  	s26 =	simm.s32 $0xD400;
	v4 =	vld.idx.msk [tilespmem:v50+s8+$0x0], $0xffff  }
0x1c7: {  	v6 =	vld.idx.msk [tilespmem:v51+s26+$0x0], $0xffff;
	_ =	sdelay $0x1  }
0x1c8: {  	s2 =	sand.u32 $0x7F, s13;
	v5 =	vor.u32 v3, v5  }
0x1c9: {  	v52 =	vor.u32 s2, v0;
	s4 =	sand.u32 $0x7F, s22  }
0x1ca: {  	v53 =	vor.u32 s4, v0  }
0x1cb: {  	v4 =	vmul.f32 v6, v4  }
0x1cc: {  	s7 =	sadd.s32 $0xFFFFFFFF, s3  }
0x1cd: {  	v54 =	vmov s7;
	s8 =	simm.s32 $0x6400;
	[tilespmem:v5+s30+$0x0] =	vst.idx.msk $0xffff, v4  }
0x1ce: {  	s10 =	simm.s32 $0xE400;
	v5 =	vshll.u32 v54, $0x3;
	v4 =	vld.idx.msk [tilespmem:v52+s8+$0x0], $0xffff  }
0x1cf: {  	v6 =	vand.u32 $0x7E, v54;
	v55 =	vld.idx.msk [tilespmem:v53+s10+$0x0], $0xffff;
	v5 =	vand.u32 $0xC00, v5  }
0x1d0: {  	v5 =	vor.u32 v6, v5  }
0x1d1: {  	v6 =	vor.u32 v1, v5  }
0x1d2: {  	v56 =	vor.u32 s2, v2  }
0x1d3: {  	v57 =	vor.u32 s4, v2  }
0x1d4: {  	v4 =	vmul.f32 v55, v4;
	_ =	sdelay $0x1  }
0x1d5: {  	[tilespmem:v6+s30+$0x0] =	vst.idx.msk $0xffff, v4  }
0x1d6: {  	s14 =	simm.s32 $0xE400;
	v4 =	vld.idx.msk [tilespmem:v56+s8+$0x0], $0xffff  }
0x1d7: {  	v6 =	vld.idx.msk [tilespmem:v57+s14+$0x0], $0xffff;
	_ =	sdelay $0x1  }
0x1d8: {  	s18 =	sand.u32 $0x7F, s9;
	v5 =	vor.u32 v3, v5  }
0x1d9: {  	s21 =	sand.u32 $0x7F, s15;
	v58 =	vor.u32 s18, v0  }
0x1da: {  	v59 =	vor.u32 s21, v0  }
0x1db: {  	v4 =	vmul.f32 v6, v4;
	_ =	sdelay $0x1  }
0x1dc: {  	s13 =	simm.s32 $0x7400;
	[tilespmem:v5+s30+$0x0] =	vst.idx.msk $0xffff, v4;
	v4 =	vmov s3  }
0x1dd: {  	s22 =	simm.s32 $0xF400;
	v5 =	vld.idx.msk [tilespmem:v58+s13+$0x0], $0xffff;
	v60 =	vshll.u32 v4, $0x3  }
0x1de: {  	v61 =	vld.idx.msk [tilespmem:v59+s22+$0x0], $0xffff;
	v4 =	vand.u32 $0x7F, v4;
	v6 =	vand.u32 $0xC00, v60  }
0x1df: {  	v4 =	vor.u32 v4, v6  }
0x1e0: {  	v6 =	vor.u32 v1, v4  }
0x1e1: {  	v62 =	vor.u32 s18, v2  }
0x1e2: {  	v63 =	vor.u32 s21, v2  }
0x1e3: {  	v5 =	vmul.f32 v61, v5;
	_ =	sdelay $0x1  }
0x1e4: {  	[tilespmem:v6+s30+$0x0] =	vst.idx.msk $0xffff, v5  }
0x1e5: {  	s25 =	simm.s32 $0xF400;
	v5 =	vld.idx.msk [tilespmem:v62+s13+$0x0], $0xffff  }
0x1e6: {  	v6 =	vld.idx.msk [tilespmem:v63+s25+$0x0], $0xffff;
	_ =	sdelay $0x1  }
0x1e7: {  	p0 =	sne.s32 s3, $0x1FF;
	v4 =	vor.u32 v3, v4  }
.Ltmp0:
0x1e8: {  	_ = 	snop;
	(pc) =	sbr.rel @p0 .LBB2_2-.Ltmp0, $4  }
0x1e9: {  	_ = 	snop  }
0x1ea: {  	s24 =	rddreg [dreg:$0xb];
	v5 =	vmul.f32 v6, v5  }
0x1eb: {  	s26 =	rddreg [dreg:$0xc]  }
0x1ec: {  	s5 =	sadd.s32 $0x10, s24;
	s0 =	sadd.s32 $0x10, s26;
	s3 =	sadd.s32 $0x10, s3;
	[tilespmem:v4+s30+$0x0] =	vst.idx.msk $0xffff, v5  }
0x1ed: {  	s0 =	rddreg [dreg:$0x8];
	s2 =	simm.s32 $0x1000;
	s3 =	simm.s32 $0x20000  }
0x1ee: {  	[hbm4b:s0+s2] =	stream.strided.scatter [tilespmem:s30], [sflag:$0x3], $0x4000, s3, s2, $0x38;
	[tilespmem:$0x14400] =	vst v63  }
0x1ef: {  	s3 =	simm.s32 $0x3  }
0x1f0: {  	_ =	swait.ge [sflag:s3], $0x4000  }
0x1f1: {  	s25 =	rddreg [dreg:$0xa]  }
0x1f2: {  	s26 =	rddreg [dreg:$0x9];
	s2 =	sadd.s32 $0x1, s25  }
0x1f3: {  	p0 =	sne.s32 s2, s26  }
.Ltmp1:
0x1f4: {  	_ = 	snop;
	(pc) =	sbr.rel @p0 .LBB2_1-.Ltmp1, $3  }
0x1f5: {  	_ =	sdelay $0x1  }
0x1f6: {  	[sflag:s3] =	ssyncset.done $0x0  }
0x1f7: {  	[sflag:s3] =	ssyncadd.s32 $0xFFFFC000  }
0x1f8: {  	_ =	sfence.sel $0x180000  }
0x1f9: {  	[bflag:$0x0] =	sbarrier.arrive $0xFFFF  }
0x1fa: {  	_ =	strace $0x90000047  }
0x1fb: {  	s0 =	stileid.u32;
	[bflag:$0x2] =	sbarrier.arrive $0xFFFF  }
0x1fc: {  	p0 =	sne.s32 s0, $0x0;
	s0 =	rddreg [dreg:$0x5]  }
0x1fd: {  	s0 =	sadd.s32 @!p0 $0x100000, s0  }
0x1fe: {  	[sflag:s0] =	ssyncadd.tile.s32 @!p0 $0x1;
	_ =	shalt  }
.Lfunc_end2:
_tile_overlayer_lowered:
.L_overlay_start_2:
0x1ff: {  	(tag) =	ssettag $0x2  }
0x200: {  	s0 =	rddreg [dreg:$0x0];
	s2 =	stileid.u32  }
0x201: {  	s1 =	rddreg [dreg:$0x1];
	p0 =	sne.s32 s2, $0x0  }
0x202: {  	s3 =	rddreg [dreg:$0x2];
	[bflag:$0x3] =	sbarrier.arrive $0xFFFF;
	s2 =	simm.s32 @!p0 $0x1C03  }
0x203: {  	[timem:s3], [sflag:s2] =	dma.local @!p0 [hbm:s0], s1  }
0x204: {  	s0 =	simm.s32 @!p0 $0x3  }
0x205: {  	_ =	swait.ge @!p0 [sflag:s0], s1  }
0x206: {  	s1 =	ssub.s32 @!p0 $0x0, s1;
	[sflag:s0] =	ssyncset.done @!p0 $0x0  }
0x207: {  	[sflag:s0] =	ssyncadd.s32 @!p0 s1  }
0x208: {  	[bflag:$0x3] =	sbarrier.arrive $0xFFFF  }
0x209: {  	_ =	shalt  }

</sc_bundles>
